<compile_context>
chip_gen: v7x
topology: tpu7x:2x2x1
jax: 0.10.2.dev20260603
libtpu: 0.0.44.dev20260713+nightly
codegen_flags: <defaults>
</compile_context>

<pallas_src>
import functools

import jax
import jax.numpy as jnp
from jax import lax
from jax.experimental import pallas as pl
from jax.experimental.pallas import tpu as pltpu
from jax.experimental.pallas import tpu_sc as plsc

VOCAB = 1000000
EMBED_DIM = 128
CTX = 16384

NC = 2
NS = 16
NW = NC * NS
IDX_PER_W = CTX // NW
CHUNK = 128
NCHUNK = IDX_PER_W // CHUNK
NLANE = EMBED_DIM // 16

_mesh = plsc.VectorSubcoreMesh(core_axis_name="c", subcore_axis_name="s")


@functools.partial(
    pl.kernel,
    mesh=_mesh,
    out_type=jax.ShapeDtypeStruct((NW, EMBED_DIM), jnp.float32),
    scratch_types=[
        pltpu.VMEM((NCHUNK, CHUNK), jnp.int32),
        pltpu.VMEM((NCHUNK, CHUNK, EMBED_DIM), jnp.float32),
        pltpu.VMEM((EMBED_DIM,), jnp.float32),
        pltpu.SemaphoreType.DMA,
    ],
)
def _gather_sum(idx_hbm, table_hbm, out_hbm, idx_v, rows_v, acc_v, sem):
    wid = lax.axis_index("s") * NC + lax.axis_index("c")
    pltpu.sync_copy(idx_hbm.at[wid], idx_v)
    copies = [
        pltpu.async_copy(table_hbm.at[idx_v.at[j]], rows_v.at[j], sem)
        for j in range(NCHUNK)
    ]
    acc = tuple(jnp.zeros((16,), jnp.float32) for _ in range(NLANE))
    for j in range(NCHUNK):
        copies[j].wait()

        def body(r, carry, j=j):
            return tuple(
                carry[c] + rows_v[j, r, c * 16:(c + 1) * 16]
                for c in range(NLANE)
            )
        acc = lax.fori_loop(0, CHUNK, body, acc, unroll=8)
    for c in range(NLANE):
        acc_v[c * 16:(c + 1) * 16] = acc[c]
    pltpu.sync_copy(acc_v, out_hbm.at[wid])


BLOCK_V = 16384
GRID_V = (VOCAB + BLOCK_V - 1) // BLOCK_V


def _matvec_kernel(p_ref, w_ref, b_ref, o_ref):
    hidden = jnp.sum(p_ref[...], axis=0, keepdims=True) * (1.0 / CTX)
    acc = lax.dot_general(
        hidden, w_ref[...], (((1,), (1,)), ((), ())),
        preferred_element_type=jnp.float32,
    )
    o_ref[...] = acc + b_ref[...]


_matvec = pl.pallas_call(
    _matvec_kernel,
    grid=(GRID_V,),
    in_specs=[
        pl.BlockSpec((NW, EMBED_DIM), lambda i: (0, 0)),
        pl.BlockSpec((BLOCK_V, EMBED_DIM), lambda i: (i, 0)),
        pl.BlockSpec((1, BLOCK_V), lambda i: (0, i)),
    ],
    out_specs=pl.BlockSpec((1, BLOCK_V), lambda i: (0, i)),
    out_shape=jax.ShapeDtypeStruct((1, VOCAB), jnp.float32),
)


def kernel(context_indices, in_embeddings, out_weight, out_bias):
    idx3 = context_indices.reshape(NW, NCHUNK, CHUNK)
    partials = _gather_sum(idx3, in_embeddings)
    return _matvec(partials, out_weight, out_bias.reshape(1, VOCAB))

# --- scband reference (transcript-rebuilt; emitter-appended) ---
"""Pipeline reference for scband-cbowmodel-65146063946259 (READ-ONLY COPY).

The authoritative reference and input builder live on the scoring server;
editing this copy changes nothing except your own understanding.
"""

import jax, jax.numpy as jnp
import numpy as np

VOCAB = 1000000
EMBED_DIM = 128
CTX = 16384


def setup_inputs(seed: int = 0) -> dict:
    key = jax.random.key(seed)
    k_idx, k_emb, k_w, k_b = jax.random.split(key, 4)
    context_indices = jax.random.randint(k_idx, (CTX,), 0, VOCAB, dtype=jnp.int64 if jax.config.jax_enable_x64 else jnp.int32).astype(jnp.int32)
    in_embeddings = jax.random.normal(k_emb, (VOCAB, EMBED_DIM), dtype=jnp.float32) * 0.02
    out_weight = jax.random.normal(k_w, (VOCAB, EMBED_DIM), dtype=jnp.float32) * 0.02  # torch Linear: [out_features, in_features]
    out_bias = jax.random.normal(k_b, (VOCAB,), dtype=jnp.float32) * 0.02
    return {
        "context_indices": context_indices,
        "in_embeddings": in_embeddings,
        "out_weight": out_weight,
        "out_bias": out_bias,
    }


def reference(context_indices, in_embeddings, out_weight, out_bias):
    # embeds = self.in_embeddings(context_indices)
    embeds = jnp.take(in_embeddings, context_indices, axis=0)  # [CTX, D]
    # hidden = embeds.mean(dim=0, keepdim=True)
    hidden = jnp.mean(embeds, axis=0, keepdims=True)  # [1, D]
    # logits = self.out_layer(hidden)  -> hidden @ W.T + b
    logits = hidden @ out_weight.T + out_bias[None, :]  # [1, VOCAB]
    return logits

if __name__ == "__main__":
    import jax
    _d = setup_inputs()
    print(jax.jit(kernel)(*tuple(_d.values())))

</pallas_src>

<mosaic_0001>
#map = affine_map<(d0, d1) -> (0, 0, 0)>
#map1 = affine_map<(d0, d1) -> (0, 0)>
module attributes {stable_mosaic.version = 14 : i64} {
  func.func @_gather_sum(%arg0: i32, %arg1: i32, %arg2: memref<32x4x128xi32, #tpu.memory_space<hbm>>, %arg3: memref<1000000x128xf32, #tpu.memory_space<hbm>>, %arg4: memref<32x128xf32, #tpu.memory_space<hbm>>, %arg5: memref<4x128xi32, #tpu.memory_space<vmem>>, %arg6: memref<4x128x128xf32, #tpu.memory_space<vmem>>, %arg7: memref<128xf32, #tpu.memory_space<vmem>>, %arg8: memref<!tpu.dma_semaphore, #tpu.memory_space<semaphore_mem>>) attributes {dimension_semantics = [#tpu.dimension_semantics<core_parallel>, #tpu.dimension_semantics<subcore_parallel>], iteration_bounds = array<i64: 2, 16>, scalar_prefetch = 0 : i64, scratch_operands = 4 : i64, tpu.core_type = #tpu.core_type<sc_vector_subcore>, window_params = [{transform_indices = #map}, {transform_indices = #map1}, {transform_indices = #map1}]} {
    %mul3A = arith.constant 2 : i32
    %mul3A_0 = arith.muli %arg1, %mul3A : i32
    %add3A = arith.addi %mul3A_0, %arg0 : i32
    "tpu.region"() ({
      %run_scoped3A = tpu.sem_alloc : memref<!tpu.dma_semaphore, #tpu.memory_space<semaphore_mem>>
      %dma_start3A_164 = arith.constant 0 : i32
      %dma_start3A_165 = arith.constant 0 : i32
      %dma_start3A_166 = tpu.memref_slice %arg2[%add3A, %dma_start3A_164, %dma_start3A_165] : memref<32x4x128xi32, #tpu.memory_space<hbm>> -> memref<1x4x128xi32, #tpu.memory_space<hbm>>
      %dma_start3A_167 = tpu.memref_squeeze %dma_start3A_166 : memref<1x4x128xi32, #tpu.memory_space<hbm>> -> memref<4x128xi32, #tpu.memory_space<hbm>>
      %dma_start3A_168 = arith.constant 0 : i32
      %dma_start3A_169 = arith.constant 0 : i32
      %dma_start3A_170 = tpu.memref_slice %arg2[%add3A, %dma_start3A_168, %dma_start3A_169] : memref<32x4x128xi32, #tpu.memory_space<hbm>> -> memref<1x4x128xi32, #tpu.memory_space<hbm>>
      %dma_start3A_171 = tpu.memref_squeeze %dma_start3A_170 : memref<1x4x128xi32, #tpu.memory_space<hbm>> -> memref<4x128xi32, #tpu.memory_space<hbm>>
      tpu.enqueue_dma source(%dma_start3A_171 : memref<4x128xi32, #tpu.memory_space<hbm>>) target(%arg5 : memref<4x128xi32, #tpu.memory_space<vmem>>) target_semaphore(%run_scoped3A : memref<!tpu.dma_semaphore, #tpu.memory_space<semaphore_mem>>)
      %dma_wait3A_172 = arith.constant 0 : i32
      %dma_wait3A_173 = arith.constant 0 : i32
      %dma_wait3A_174 = tpu.memref_slice %arg2[%add3A, %dma_wait3A_172, %dma_wait3A_173] : memref<32x4x128xi32, #tpu.memory_space<hbm>> -> memref<1x4x128xi32, #tpu.memory_space<hbm>>
      %dma_wait3A_175 = tpu.memref_squeeze %dma_wait3A_174 : memref<1x4x128xi32, #tpu.memory_space<hbm>> -> memref<4x128xi32, #tpu.memory_space<hbm>>
      %dma_wait3A_176 = arith.constant 0 : i32
      %dma_wait3A_177 = arith.constant 0 : i32
      %dma_wait3A_178 = tpu.memref_slice %arg2[%add3A, %dma_wait3A_176, %dma_wait3A_177] : memref<32x4x128xi32, #tpu.memory_space<hbm>> -> memref<1x4x128xi32, #tpu.memory_space<hbm>>
      %dma_wait3A_179 = tpu.memref_squeeze %dma_wait3A_178 : memref<1x4x128xi32, #tpu.memory_space<hbm>> -> memref<4x128xi32, #tpu.memory_space<hbm>>
      tpu.wait_dma2 semaphore(%run_scoped3A : memref<!tpu.dma_semaphore, #tpu.memory_space<semaphore_mem>>) src(%dma_wait3A_179 : memref<4x128xi32, #tpu.memory_space<hbm>>) dst(%arg5 : memref<4x128xi32, #tpu.memory_space<vmem>>)
      tpu.yield
    }) : () -> ()
    %dma_start3A = arith.constant 0 : i32
    %dma_start3A_1 = arith.constant 0 : i32
    %dma_start3A_2 = arith.constant 0 : i32
    %dma_start3A_3 = arith.constant 0 : i32
    %dma_start3A_4 = tpu.memref_slice %arg6[%dma_start3A_1, %dma_start3A_2, %dma_start3A_3] : memref<4x128x128xf32, #tpu.memory_space<vmem>> -> memref<1x128x128xf32, #tpu.memory_space<vmem>>
    %dma_start3A_5 = tpu.memref_squeeze %dma_start3A_4 : memref<1x128x128xf32, #tpu.memory_space<vmem>> -> memref<128x128xf32, #tpu.memory_space<vmem>>
    %dma_start3A_6 = arith.constant 0 : i32
    %dma_start3A_7 = tpu.memref_slice %arg5[%dma_start3A, %dma_start3A_6] : memref<4x128xi32, #tpu.memory_space<vmem>> -> memref<1x128xi32, #tpu.memory_space<vmem>>
    %dma_start3A_8 = tpu.memref_squeeze %dma_start3A_7 : memref<1x128xi32, #tpu.memory_space<vmem>> -> memref<128xi32, #tpu.memory_space<vmem>>
    %dma_start3A_9 = arith.constant 0 : i32
    %dma_start3A_10 = arith.constant 0 : i32
    %dma_start3A_11 = tpu.memref_slice %arg3[%dma_start3A_9, %dma_start3A_10] : memref<1000000x128xf32, #tpu.memory_space<hbm>> -> memref<1000000x128xf32, #tpu.memory_space<hbm>>
    tpu.enqueue_indirect_dma source(%dma_start3A_11 : memref<1000000x128xf32, #tpu.memory_space<hbm>>) target(%dma_start3A_5 : memref<128x128xf32, #tpu.memory_space<vmem>>) offsets(%dma_start3A_8 : memref<128xi32, #tpu.memory_space<vmem>>) semaphore(%arg8 : memref<!tpu.dma_semaphore, #tpu.memory_space<semaphore_mem>>)
    %dma_start3A_12 = arith.constant 1 : i32
    %dma_start3A_13 = arith.constant 1 : i32
    %dma_start3A_14 = arith.constant 0 : i32
    %dma_start3A_15 = arith.constant 0 : i32
    %dma_start3A_16 = tpu.memref_slice %arg6[%dma_start3A_13, %dma_start3A_14, %dma_start3A_15] : memref<4x128x128xf32, #tpu.memory_space<vmem>> -> memref<1x128x128xf32, #tpu.memory_space<vmem>>
    %dma_start3A_17 = tpu.memref_squeeze %dma_start3A_16 : memref<1x128x128xf32, #tpu.memory_space<vmem>> -> memref<128x128xf32, #tpu.memory_space<vmem>>
    %dma_start3A_18 = arith.constant 0 : i32
    %dma_start3A_19 = tpu.memref_slice %arg5[%dma_start3A_12, %dma_start3A_18] : memref<4x128xi32, #tpu.memory_space<vmem>> -> memref<1x128xi32, #tpu.memory_space<vmem>>
    %dma_start3A_20 = tpu.memref_squeeze %dma_start3A_19 : memref<1x128xi32, #tpu.memory_space<vmem>> -> memref<128xi32, #tpu.memory_space<vmem>>
    %dma_start3A_21 = arith.constant 0 : i32
    %dma_start3A_22 = arith.constant 0 : i32
    %dma_start3A_23 = tpu.memref_slice %arg3[%dma_start3A_21, %dma_start3A_22] : memref<1000000x128xf32, #tpu.memory_space<hbm>> -> memref<1000000x128xf32, #tpu.memory_space<hbm>>
    tpu.enqueue_indirect_dma source(%dma_start3A_23 : memref<1000000x128xf32, #tpu.memory_space<hbm>>) target(%dma_start3A_17 : memref<128x128xf32, #tpu.memory_space<vmem>>) offsets(%dma_start3A_20 : memref<128xi32, #tpu.memory_space<vmem>>) semaphore(%arg8 : memref<!tpu.dma_semaphore, #tpu.memory_space<semaphore_mem>>)
    %dma_start3A_24 = arith.constant 2 : i32
    %dma_start3A_25 = arith.constant 2 : i32
    %dma_start3A_26 = arith.constant 0 : i32
    %dma_start3A_27 = arith.constant 0 : i32
    %dma_start3A_28 = tpu.memref_slice %arg6[%dma_start3A_25, %dma_start3A_26, %dma_start3A_27] : memref<4x128x128xf32, #tpu.memory_space<vmem>> -> memref<1x128x128xf32, #tpu.memory_space<vmem>>
    %dma_start3A_29 = tpu.memref_squeeze %dma_start3A_28 : memref<1x128x128xf32, #tpu.memory_space<vmem>> -> memref<128x128xf32, #tpu.memory_space<vmem>>
    %dma_start3A_30 = arith.constant 0 : i32
    %dma_start3A_31 = tpu.memref_slice %arg5[%dma_start3A_24, %dma_start3A_30] : memref<4x128xi32, #tpu.memory_space<vmem>> -> memref<1x128xi32, #tpu.memory_space<vmem>>
    %dma_start3A_32 = tpu.memref_squeeze %dma_start3A_31 : memref<1x128xi32, #tpu.memory_space<vmem>> -> memref<128xi32, #tpu.memory_space<vmem>>
    %dma_start3A_33 = arith.constant 0 : i32
    %dma_start3A_34 = arith.constant 0 : i32
    %dma_start3A_35 = tpu.memref_slice %arg3[%dma_start3A_33, %dma_start3A_34] : memref<1000000x128xf32, #tpu.memory_space<hbm>> -> memref<1000000x128xf32, #tpu.memory_space<hbm>>
    tpu.enqueue_indirect_dma source(%dma_start3A_35 : memref<1000000x128xf32, #tpu.memory_space<hbm>>) target(%dma_start3A_29 : memref<128x128xf32, #tpu.memory_space<vmem>>) offsets(%dma_start3A_32 : memref<128xi32, #tpu.memory_space<vmem>>) semaphore(%arg8 : memref<!tpu.dma_semaphore, #tpu.memory_space<semaphore_mem>>)
    %dma_start3A_36 = arith.constant 3 : i32
    %dma_start3A_37 = arith.constant 3 : i32
    %dma_start3A_38 = arith.constant 0 : i32
    %dma_start3A_39 = arith.constant 0 : i32
    %dma_start3A_40 = tpu.memref_slice %arg6[%dma_start3A_37, %dma_start3A_38, %dma_start3A_39] : memref<4x128x128xf32, #tpu.memory_space<vmem>> -> memref<1x128x128xf32, #tpu.memory_space<vmem>>
    %dma_start3A_41 = tpu.memref_squeeze %dma_start3A_40 : memref<1x128x128xf32, #tpu.memory_space<vmem>> -> memref<128x128xf32, #tpu.memory_space<vmem>>
    %dma_start3A_42 = arith.constant 0 : i32
    %dma_start3A_43 = tpu.memref_slice %arg5[%dma_start3A_36, %dma_start3A_42] : memref<4x128xi32, #tpu.memory_space<vmem>> -> memref<1x128xi32, #tpu.memory_space<vmem>>
    %dma_start3A_44 = tpu.memref_squeeze %dma_start3A_43 : memref<1x128xi32, #tpu.memory_space<vmem>> -> memref<128xi32, #tpu.memory_space<vmem>>
    %dma_start3A_45 = arith.constant 0 : i32
    %dma_start3A_46 = arith.constant 0 : i32
    %dma_start3A_47 = tpu.memref_slice %arg3[%dma_start3A_45, %dma_start3A_46] : memref<1000000x128xf32, #tpu.memory_space<hbm>> -> memref<1000000x128xf32, #tpu.memory_space<hbm>>
    tpu.enqueue_indirect_dma source(%dma_start3A_47 : memref<1000000x128xf32, #tpu.memory_space<hbm>>) target(%dma_start3A_41 : memref<128x128xf32, #tpu.memory_space<vmem>>) offsets(%dma_start3A_44 : memref<128xi32, #tpu.memory_space<vmem>>) semaphore(%arg8 : memref<!tpu.dma_semaphore, #tpu.memory_space<semaphore_mem>>)
    %broadcast_in_dim3A = arith.constant 0.000000e+00 : f32
    %broadcast_in_dim3A_48 = vector.broadcast %broadcast_in_dim3A : f32 to vector<16xf32>
    %broadcast_in_dim3A_49 = arith.constant 0.000000e+00 : f32
    %broadcast_in_dim3A_50 = vector.broadcast %broadcast_in_dim3A_49 : f32 to vector<16xf32>
    %broadcast_in_dim3A_51 = arith.constant 0.000000e+00 : f32
    %broadcast_in_dim3A_52 = vector.broadcast %broadcast_in_dim3A_51 : f32 to vector<16xf32>
    %broadcast_in_dim3A_53 = arith.constant 0.000000e+00 : f32
    %broadcast_in_dim3A_54 = vector.broadcast %broadcast_in_dim3A_53 : f32 to vector<16xf32>
    %broadcast_in_dim3A_55 = arith.constant 0.000000e+00 : f32
    %broadcast_in_dim3A_56 = vector.broadcast %broadcast_in_dim3A_55 : f32 to vector<16xf32>
    %broadcast_in_dim3A_57 = arith.constant 0.000000e+00 : f32
    %broadcast_in_dim3A_58 = vector.broadcast %broadcast_in_dim3A_57 : f32 to vector<16xf32>
    %broadcast_in_dim3A_59 = arith.constant 0.000000e+00 : f32
    %broadcast_in_dim3A_60 = vector.broadcast %broadcast_in_dim3A_59 : f32 to vector<16xf32>
    %broadcast_in_dim3A_61 = arith.constant 0.000000e+00 : f32
    %broadcast_in_dim3A_62 = vector.broadcast %broadcast_in_dim3A_61 : f32 to vector<16xf32>
    %dma_wait3A = arith.constant 0 : i32
    %dma_wait3A_63 = arith.constant 0 : i32
    %dma_wait3A_64 = arith.constant 0 : i32
    %dma_wait3A_65 = arith.constant 0 : i32
    %dma_wait3A_66 = tpu.memref_slice %arg6[%dma_wait3A_63, %dma_wait3A_64, %dma_wait3A_65] : memref<4x128x128xf32, #tpu.memory_space<vmem>> -> memref<1x128x128xf32, #tpu.memory_space<vmem>>
    %dma_wait3A_67 = tpu.memref_squeeze %dma_wait3A_66 : memref<1x128x128xf32, #tpu.memory_space<vmem>> -> memref<128x128xf32, #tpu.memory_space<vmem>>
    %dma_wait3A_68 = arith.constant 0 : i32
    %dma_wait3A_69 = tpu.memref_slice %arg5[%dma_wait3A, %dma_wait3A_68] : memref<4x128xi32, #tpu.memory_space<vmem>> -> memref<1x128xi32, #tpu.memory_space<vmem>>
    %dma_wait3A_70 = tpu.memref_squeeze %dma_wait3A_69 : memref<1x128xi32, #tpu.memory_space<vmem>> -> memref<128xi32, #tpu.memory_space<vmem>>
    %dma_wait3A_71 = arith.constant 0 : i32
    %dma_wait3A_72 = arith.constant 0 : i32
    %dma_wait3A_73 = tpu.memref_slice %arg3[%dma_wait3A_71, %dma_wait3A_72] : memref<1000000x128xf32, #tpu.memory_space<hbm>> -> memref<1000000x128xf32, #tpu.memory_space<hbm>>
    tpu.wait_indirect_dma semaphore(%arg8 : memref<!tpu.dma_semaphore, #tpu.memory_space<semaphore_mem>>) src(%dma_wait3A_73 : memref<1000000x128xf32, #tpu.memory_space<hbm>>) dst(%dma_wait3A_67 : memref<128x128xf32, #tpu.memory_space<vmem>>)
    %scan3A = arith.constant 0 : i32
    %scan3A_74 = arith.constant 128 : i32
    %scan3A_75 = arith.addi %scan3A, %scan3A_74 : i32
    %scan3A_76 = arith.constant 8 : i32
    %scan3A_77:8 = scf.for %scan3A_164 = %scan3A to %scan3A_75 step %scan3A_76 iter_args(%scan3A_165 = %broadcast_in_dim3A_48, %scan3A_166 = %broadcast_in_dim3A_50, %scan3A_167 = %broadcast_in_dim3A_52, %scan3A_168 = %broadcast_in_dim3A_54, %scan3A_169 = %broadcast_in_dim3A_56, %scan3A_170 = %broadcast_in_dim3A_58, %scan3A_171 = %broadcast_in_dim3A_60, %scan3A_172 = %broadcast_in_dim3A_62) -> (vector<16xf32>, vector<16xf32>, vector<16xf32>, vector<16xf32>, vector<16xf32>, vector<16xf32>, vector<16xf32>, vector<16xf32>)  : i32 {
      %get3A = arith.constant 0 : i32
      %get3A_173 = arith.index_cast %get3A : i32 to index
      %get3A_174 = arith.index_cast %scan3A_164 : i32 to index
      %get3A_175 = arith.constant 0 : index
      %get3A_176 = tpu.vector_load %arg6[%get3A_173, %get3A_174, %get3A_175] {strides = array<i32>} : memref<4x128x128xf32, #tpu.memory_space<vmem>>, vector<1x1x16xf32>,
      %get3A_177 = vector.shape_cast %get3A_176 : vector<1x1x16xf32> to vector<16xf32>
      %add3A_178 = arith.addf %scan3A_165, %get3A_177 : vector<16xf32>
      %get3A_179 = arith.constant 0 : i32
      %get3A_180 = arith.index_cast %get3A_179 : i32 to index
      %get3A_181 = arith.index_cast %scan3A_164 : i32 to index
      %get3A_182 = arith.constant 16 : index
      %get3A_183 = tpu.vector_load %arg6[%get3A_180, %get3A_181, %get3A_182] {strides = array<i32>} : memref<4x128x128xf32, #tpu.memory_space<vmem>>, vector<1x1x16xf32>,
      %get3A_184 = vector.shape_cast %get3A_183 : vector<1x1x16xf32> to vector<16xf32>
      %add3A_185 = arith.addf %scan3A_166, %get3A_184 : vector<16xf32>
      %get3A_186 = arith.constant 0 : i32
      %get3A_187 = arith.index_cast %get3A_186 : i32 to index
      %get3A_188 = arith.index_cast %scan3A_164 : i32 to index
      %get3A_189 = arith.constant 32 : index
      %get3A_190 = tpu.vector_load %arg6[%get3A_187, %get3A_188, %get3A_189] {strides = array<i32>} : memref<4x128x128xf32, #tpu.memory_space<vmem>>, vector<1x1x16xf32>,
      %get3A_191 = vector.shape_cast %get3A_190 : vector<1x1x16xf32> to vector<16xf32>
      %add3A_192 = arith.addf %scan3A_167, %get3A_191 : vector<16xf32>
      %get3A_193 = arith.constant 0 : i32
      %get3A_194 = arith.index_cast %get3A_193 : i32 to index
      %get3A_195 = arith.index_cast %scan3A_164 : i32 to index
      %get3A_196 = arith.constant 48 : index
      %get3A_197 = tpu.vector_load %arg6[%get3A_194, %get3A_195, %get3A_196] {strides = array<i32>} : memref<4x128x128xf32, #tpu.memory_space<vmem>>, vector<1x1x16xf32>,
      %get3A_198 = vector.shape_cast %get3A_197 : vector<1x1x16xf32> to vector<16xf32>
      %add3A_199 = arith.addf %scan3A_168, %get3A_198 : vector<16xf32>
      %get3A_200 = arith.constant 0 : i32
      %get3A_201 = arith.index_cast %get3A_200 : i32 to index
      %get3A_202 = arith.index_cast %scan3A_164 : i32 to index
      %get3A_203 = arith.constant 64 : index
      %get3A_204 = tpu.vector_load %arg6[%get3A_201, %get3A_202, %get3A_203] {strides = array<i32>} : memref<4x128x128xf32, #tpu.memory_space<vmem>>, vector<1x1x16xf32>,
      %get3A_205 = vector.shape_cast %get3A_204 : vector<1x1x16xf32> to vector<16xf32>
      %add3A_206 = arith.addf %scan3A_169, %get3A_205 : vector<16xf32>
      %get3A_207 = arith.constant 0 : i32
      %get3A_208 = arith.index_cast %get3A_207 : i32 to index
      %get3A_209 = arith.index_cast %scan3A_164 : i32 to index
      %get3A_210 = arith.constant 80 : index
      %get3A_211 = tpu.vector_load %arg6[%get3A_208, %get3A_209, %get3A_210] {strides = array<i32>} : memref<4x128x128xf32, #tpu.memory_space<vmem>>, vector<1x1x16xf32>,
      %get3A_212 = vector.shape_cast %get3A_211 : vector<1x1x16xf32> to vector<16xf32>
      %add3A_213 = arith.addf %scan3A_170, %get3A_212 : vector<16xf32>
      %get3A_214 = arith.constant 0 : i32
      %get3A_215 = arith.index_cast %get3A_214 : i32 to index
      %get3A_216 = arith.index_cast %scan3A_164 : i32 to index
      %get3A_217 = arith.constant 96 : index
      %get3A_218 = tpu.vector_load %arg6[%get3A_215, %get3A_216, %get3A_217] {strides = array<i32>} : memref<4x128x128xf32, #tpu.memory_space<vmem>>, vector<1x1x16xf32>,
      %get3A_219 = vector.shape_cast %get3A_218 : vector<1x1x16xf32> to vector<16xf32>
      %add3A_220 = arith.addf %scan3A_171, %get3A_219 : vector<16xf32>
      %get3A_221 = arith.constant 0 : i32
      %get3A_222 = arith.index_cast %get3A_221 : i32 to index
      %get3A_223 = arith.index_cast %scan3A_164 : i32 to index
      %get3A_224 = arith.constant 112 : index
      %get3A_225 = tpu.vector_load %arg6[%get3A_222, %get3A_223, %get3A_224] {strides = array<i32>} : memref<4x128x128xf32, #tpu.memory_space<vmem>>, vector<1x1x16xf32>,
      %get3A_226 = vector.shape_cast %get3A_225 : vector<1x1x16xf32> to vector<16xf32>
      %add3A_227 = arith.addf %scan3A_172, %get3A_226 : vector<16xf32>
      %scan3A_228 = arith.constant 1 : i32
      %scan3A_229 = arith.addi %scan3A_164, %scan3A_228 : i32
      %get3A_230 = arith.constant 0 : i32
      %get3A_231 = arith.index_cast %get3A_230 : i32 to index
      %get3A_232 = arith.index_cast %scan3A_229 : i32 to index
      %get3A_233 = arith.constant 0 : index
      %get3A_234 = tpu.vector_load %arg6[%get3A_231, %get3A_232, %get3A_233] {strides = array<i32>} : memref<4x128x128xf32, #tpu.memory_space<vmem>>, vector<1x1x16xf32>,
      %get3A_235 = vector.shape_cast %get3A_234 : vector<1x1x16xf32> to vector<16xf32>
      %add3A_236 = arith.addf %add3A_178, %get3A_235 : vector<16xf32>
      %get3A_237 = arith.constant 0 : i32
      %get3A_238 = arith.index_cast %get3A_237 : i32 to index
      %get3A_239 = arith.index_cast %scan3A_229 : i32 to index
      %get3A_240 = arith.constant 16 : index
      %get3A_241 = tpu.vector_load %arg6[%get3A_238, %get3A_239, %get3A_240] {strides = array<i32>} : memref<4x128x128xf32, #tpu.memory_space<vmem>>, vector<1x1x16xf32>,
      %get3A_242 = vector.shape_cast %get3A_241 : vector<1x1x16xf32> to vector<16xf32>
      %add3A_243 = arith.addf %add3A_185, %get3A_242 : vector<16xf32>
      %get3A_244 = arith.constant 0 : i32
      %get3A_245 = arith.index_cast %get3A_244 : i32 to index
      %get3A_246 = arith.index_cast %scan3A_229 : i32 to index
      %get3A_247 = arith.constant 32 : index
      %get3A_248 = tpu.vector_load %arg6[%get3A_245, %get3A_246, %get3A_247] {strides = array<i32>} : memref<4x128x128xf32, #tpu.memory_space<vmem>>, vector<1x1x16xf32>,
      %get3A_249 = vector.shape_cast %get3A_248 : vector<1x1x16xf32> to vector<16xf32>
      %add3A_250 = arith.addf %add3A_192, %get3A_249 : vector<16xf32>
      %get3A_251 = arith.constant 0 : i32
      %get3A_252 = arith.index_cast %get3A_251 : i32 to index
      %get3A_253 = arith.index_cast %scan3A_229 : i32 to index
      %get3A_254 = arith.constant 48 : index
      %get3A_255 = tpu.vector_load %arg6[%get3A_252, %get3A_253, %get3A_254] {strides = array<i32>} : memref<4x128x128xf32, #tpu.memory_space<vmem>>, vector<1x1x16xf32>,
      %get3A_256 = vector.shape_cast %get3A_255 : vector<1x1x16xf32> to vector<16xf32>
      %add3A_257 = arith.addf %add3A_199, %get3A_256 : vector<16xf32>
      %get3A_258 = arith.constant 0 : i32
      %get3A_259 = arith.index_cast %get3A_258 : i32 to index
      %get3A_260 = arith.index_cast %scan3A_229 : i32 to index
      %get3A_261 = arith.constant 64 : index
      %get3A_262 = tpu.vector_load %arg6[%get3A_259, %get3A_260, %get3A_261] {strides = array<i32>} : memref<4x128x128xf32, #tpu.memory_space<vmem>>, vector<1x1x16xf32>,
      %get3A_263 = vector.shape_cast %get3A_262 : vector<1x1x16xf32> to vector<16xf32>
      %add3A_264 = arith.addf %add3A_206, %get3A_263 : vector<16xf32>
      %get3A_265 = arith.constant 0 : i32
      %get3A_266 = arith.index_cast %get3A_265 : i32 to index
      %get3A_267 = arith.index_cast %scan3A_229 : i32 to index
      %get3A_268 = arith.constant 80 : index
      %get3A_269 = tpu.vector_load %arg6[%get3A_266, %get3A_267, %get3A_268] {strides = array<i32>} : memref<4x128x128xf32, #tpu.memory_space<vmem>>, vector<1x1x16xf32>,
      %get3A_270 = vector.shape_cast %get3A_269 : vector<1x1x16xf32> to vector<16xf32>
      %add3A_271 = arith.addf %add3A_213, %get3A_270 : vector<16xf32>
      %get3A_272 = arith.constant 0 : i32
      %get3A_273 = arith.index_cast %get3A_272 : i32 to index
      %get3A_274 = arith.index_cast %scan3A_229 : i32 to index
      %get3A_275 = arith.constant 96 : index
      %get3A_276 = tpu.vector_load %arg6[%get3A_273, %get3A_274, %get3A_275] {strides = array<i32>} : memref<4x128x128xf32, #tpu.memory_space<vmem>>, vector<1x1x16xf32>,
      %get3A_277 = vector.shape_cast %get3A_276 : vector<1x1x16xf32> to vector<16xf32>
      %add3A_278 = arith.addf %add3A_220, %get3A_277 : vector<16xf32>
      %get3A_279 = arith.constant 0 : i32
      %get3A_280 = arith.index_cast %get3A_279 : i32 to index
      %get3A_281 = arith.index_cast %scan3A_229 : i32 to index
      %get3A_282 = arith.constant 112 : index
      %get3A_283 = tpu.vector_load %arg6[%get3A_280, %get3A_281, %get3A_282] {strides = array<i32>} : memref<4x128x128xf32, #tpu.memory_space<vmem>>, vector<1x1x16xf32>,
      %get3A_284 = vector.shape_cast %get3A_283 : vector<1x1x16xf32> to vector<16xf32>
      %add3A_285 = arith.addf %add3A_227, %get3A_284 : vector<16xf32>
      %scan3A_286 = arith.constant 2 : i32
      %scan3A_287 = arith.addi %scan3A_164, %scan3A_286 : i32
      %get3A_288 = arith.constant 0 : i32
      %get3A_289 = arith.index_cast %get3A_288 : i32 to index
      %get3A_290 = arith.index_cast %scan3A_287 : i32 to index
      %get3A_291 = arith.constant 0 : index
      %get3A_292 = tpu.vector_load %arg6[%get3A_289, %get3A_290, %get3A_291] {strides = array<i32>} : memref<4x128x128xf32, #tpu.memory_space<vmem>>, vector<1x1x16xf32>,
      %get3A_293 = vector.shape_cast %get3A_292 : vector<1x1x16xf32> to vector<16xf32>
      %add3A_294 = arith.addf %add3A_236, %get3A_293 : vector<16xf32>
      %get3A_295 = arith.constant 0 : i32
      %get3A_296 = arith.index_cast %get3A_295 : i32 to index
      %get3A_297 = arith.index_cast %scan3A_287 : i32 to index
      %get3A_298 = arith.constant 16 : index
      %get3A_299 = tpu.vector_load %arg6[%get3A_296, %get3A_297, %get3A_298] {strides = array<i32>} : memref<4x128x128xf32, #tpu.memory_space<vmem>>, vector<1x1x16xf32>,
      %get3A_300 = vector.shape_cast %get3A_299 : vector<1x1x16xf32> to vector<16xf32>
      %add3A_301 = arith.addf %add3A_243, %get3A_300 : vector<16xf32>
      %get3A_302 = arith.constant 0 : i32
      %get3A_303 = arith.index_cast %get3A_302 : i32 to index
      %get3A_304 = arith.index_cast %scan3A_287 : i32 to index
      %get3A_305 = arith.constant 32 : index
      %get3A_306 = tpu.vector_load %arg6[%get3A_303, %get3A_304, %get3A_305] {strides = array<i32>} : memref<4x128x128xf32, #tpu.memory_space<vmem>>, vector<1x1x16xf32>,
      %get3A_307 = vector.shape_cast %get3A_306 : vector<1x1x16xf32> to vector<16xf32>
      %add3A_308 = arith.addf %add3A_250, %get3A_307 : vector<16xf32>
      %get3A_309 = arith.constant 0 : i32
      %get3A_310 = arith.index_cast %get3A_309 : i32 to index
      %get3A_311 = arith.index_cast %scan3A_287 : i32 to index
      %get3A_312 = arith.constant 48 : index
      %get3A_313 = tpu.vector_load %arg6[%get3A_310, %get3A_311, %get3A_312] {strides = array<i32>} : memref<4x128x128xf32, #tpu.memory_space<vmem>>, vector<1x1x16xf32>,
      %get3A_314 = vector.shape_cast %get3A_313 : vector<1x1x16xf32> to vector<16xf32>
      %add3A_315 = arith.addf %add3A_257, %get3A_314 : vector<16xf32>
      %get3A_316 = arith.constant 0 : i32
      %get3A_317 = arith.index_cast %get3A_316 : i32 to index
      %get3A_318 = arith.index_cast %scan3A_287 : i32 to index
      %get3A_319 = arith.constant 64 : index
      %get3A_320 = tpu.vector_load %arg6[%get3A_317, %get3A_318, %get3A_319] {strides = array<i32>} : memref<4x128x128xf32, #tpu.memory_space<vmem>>, vector<1x1x16xf32>,
      %get3A_321 = vector.shape_cast %get3A_320 : vector<1x1x16xf32> to vector<16xf32>
      %add3A_322 = arith.addf %add3A_264, %get3A_321 : vector<16xf32>
      %get3A_323 = arith.constant 0 : i32
      %get3A_324 = arith.index_cast %get3A_323 : i32 to index
      %get3A_325 = arith.index_cast %scan3A_287 : i32 to index
      %get3A_326 = arith.constant 80 : index
      %get3A_327 = tpu.vector_load %arg6[%get3A_324, %get3A_325, %get3A_326] {strides = array<i32>} : memref<4x128x128xf32, #tpu.memory_space<vmem>>, vector<1x1x16xf32>,
      %get3A_328 = vector.shape_cast %get3A_327 : vector<1x1x16xf32> to vector<16xf32>
      %add3A_329 = arith.addf %add3A_271, %get3A_328 : vector<16xf32>
      %get3A_330 = arith.constant 0 : i32
      %get3A_331 = arith.index_cast %get3A_330 : i32 to index
      %get3A_332 = arith.index_cast %scan3A_287 : i32 to index
      %get3A_333 = arith.constant 96 : index
      %get3A_334 = tpu.vector_load %arg6[%get3A_331, %get3A_332, %get3A_333] {strides = array<i32>} : memref<4x128x128xf32, #tpu.memory_space<vmem>>, vector<1x1x16xf32>,
      %get3A_335 = vector.shape_cast %get3A_334 : vector<1x1x16xf32> to vector<16xf32>
      %add3A_336 = arith.addf %add3A_278, %get3A_335 : vector<16xf32>
      %get3A_337 = arith.constant 0 : i32
      %get3A_338 = arith.index_cast %get3A_337 : i32 to index
      %get3A_339 = arith.index_cast %scan3A_287 : i32 to index
      %get3A_340 = arith.constant 112 : index
      %get3A_341 = tpu.vector_load %arg6[%get3A_338, %get3A_339, %get3A_340] {strides = array<i32>} : memref<4x128x128xf32, #tpu.memory_space<vmem>>, vector<1x1x16xf32>,
      %get3A_342 = vector.shape_cast %get3A_341 : vector<1x1x16xf32> to vector<16xf32>
      %add3A_343 = arith.addf %add3A_285, %get3A_342 : vector<16xf32>
      %scan3A_344 = arith.constant 3 : i32
      %scan3A_345 = arith.addi %scan3A_164, %scan3A_344 : i32
      %get3A_346 = arith.constant 0 : i32
      %get3A_347 = arith.index_cast %get3A_346 : i32 to index
      %get3A_348 = arith.index_cast %scan3A_345 : i32 to index
      %get3A_349 = arith.constant 0 : index
      %get3A_350 = tpu.vector_load %arg6[%get3A_347, %get3A_348, %get3A_349] {strides = array<i32>} : memref<4x128x128xf32, #tpu.memory_space<vmem>>, vector<1x1x16xf32>,
      %get3A_351 = vector.shape_cast %get3A_350 : vector<1x1x16xf32> to vector<16xf32>
      %add3A_352 = arith.addf %add3A_294, %get3A_351 : vector<16xf32>
      %get3A_353 = arith.constant 0 : i32
      %get3A_354 = arith.index_cast %get3A_353 : i32 to index
      %get3A_355 = arith.index_cast %scan3A_345 : i32 to index
      %get3A_356 = arith.constant 16 : index
      %get3A_357 = tpu.vector_load %arg6[%get3A_354, %get3A_355, %get3A_356] {strides = array<i32>} : memref<4x128x128xf32, #tpu.memory_space<vmem>>, vector<1x1x16xf32>,
      %get3A_358 = vector.shape_cast %get3A_357 : vector<1x1x16xf32> to vector<16xf32>
      %add3A_359 = arith.addf %add3A_301, %get3A_358 : vector<16xf32>
      %get3A_360 = arith.constant 0 : i32
      %get3A_361 = arith.index_cast %get3A_360 : i32 to index
      %get3A_362 = arith.index_cast %scan3A_345 : i32 to index
      %get3A_363 = arith.constant 32 : index
      %get3A_364 = tpu.vector_load %arg6[%get3A_361, %get3A_362, %get3A_363] {strides = array<i32>} : memref<4x128x128xf32, #tpu.memory_space<vmem>>, vector<1x1x16xf32>,
      %get3A_365 = vector.shape_cast %get3A_364 : vector<1x1x16xf32> to vector<16xf32>
      %add3A_366 = arith.addf %add3A_308, %get3A_365 : vector<16xf32>
      %get3A_367 = arith.constant 0 : i32
      %get3A_368 = arith.index_cast %get3A_367 : i32 to index
      %get3A_369 = arith.index_cast %scan3A_345 : i32 to index
      %get3A_370 = arith.constant 48 : index
      %get3A_371 = tpu.vector_load %arg6[%get3A_368, %get3A_369, %get3A_370] {strides = array<i32>} : memref<4x128x128xf32, #tpu.memory_space<vmem>>, vector<1x1x16xf32>,
      %get3A_372 = vector.shape_cast %get3A_371 : vector<1x1x16xf32> to vector<16xf32>
      %add3A_373 = arith.addf %add3A_315, %get3A_372 : vector<16xf32>
      %get3A_374 = arith.constant 0 : i32
      %get3A_375 = arith.index_cast %get3A_374 : i32 to index
      %get3A_376 = arith.index_cast %scan3A_345 : i32 to index
      %get3A_377 = arith.constant 64 : index
      %get3A_378 = tpu.vector_load %arg6[%get3A_375, %get3A_376, %get3A_377] {strides = array<i32>} : memref<4x128x128xf32, #tpu.memory_space<vmem>>, vector<1x1x16xf32>,
      %get3A_379 = vector.shape_cast %get3A_378 : vector<1x1x16xf32> to vector<16xf32>
      %add3A_380 = arith.addf %add3A_322, %get3A_379 : vector<16xf32>
      %get3A_381 = arith.constant 0 : i32
      %get3A_382 = arith.index_cast %get3A_381 : i32 to index
      %get3A_383 = arith.index_cast %scan3A_345 : i32 to index
      %get3A_384 = arith.constant 80 : index
      %get3A_385 = tpu.vector_load %arg6[%get3A_382, %get3A_383, %get3A_384] {strides = array<i32>} : memref<4x128x128xf32, #tpu.memory_space<vmem>>, vector<1x1x16xf32>,
      %get3A_386 = vector.shape_cast %get3A_385 : vector<1x1x16xf32> to vector<16xf32>
      %add3A_387 = arith.addf %add3A_329, %get3A_386 : vector<16xf32>
      %get3A_388 = arith.constant 0 : i32
      %get3A_389 = arith.index_cast %get3A_388 : i32 to index
      %get3A_390 = arith.index_cast %scan3A_345 : i32 to index
      %get3A_391 = arith.constant 96 : index
      %get3A_392 = tpu.vector_load %arg6[%get3A_389, %get3A_390, %get3A_391] {strides = array<i32>} : memref<4x128x128xf32, #tpu.memory_space<vmem>>, vector<1x1x16xf32>,
      %get3A_393 = vector.shape_cast %get3A_392 : vector<1x1x16xf32> to vector<16xf32>
      %add3A_394 = arith.addf %add3A_336, %get3A_393 : vector<16xf32>
      %get3A_395 = arith.constant 0 : i32
      %get3A_396 = arith.index_cast %get3A_395 : i32 to index
      %get3A_397 = arith.index_cast %scan3A_345 : i32 to index
      %get3A_398 = arith.constant 112 : index
      %get3A_399 = tpu.vector_load %arg6[%get3A_396, %get3A_397, %get3A_398] {strides = array<i32>} : memref<4x128x128xf32, #tpu.memory_space<vmem>>, vector<1x1x16xf32>,
      %get3A_400 = vector.shape_cast %get3A_399 : vector<1x1x16xf32> to vector<16xf32>
      %add3A_401 = arith.addf %add3A_343, %get3A_400 : vector<16xf32>
      %scan3A_402 = arith.constant 4 : i32
      %scan3A_403 = arith.addi %scan3A_164, %scan3A_402 : i32
      %get3A_404 = arith.constant 0 : i32
      %get3A_405 = arith.index_cast %get3A_404 : i32 to index
      %get3A_406 = arith.index_cast %scan3A_403 : i32 to index
      %get3A_407 = arith.constant 0 : index
      %get3A_408 = tpu.vector_load %arg6[%get3A_405, %get3A_406, %get3A_407] {strides = array<i32>} : memref<4x128x128xf32, #tpu.memory_space<vmem>>, vector<1x1x16xf32>,
      %get3A_409 = vector.shape_cast %get3A_408 : vector<1x1x16xf32> to vector<16xf32>
      %add3A_410 = arith.addf %add3A_352, %get3A_409 : vector<16xf32>
      %get3A_411 = arith.constant 0 : i32
      %get3A_412 = arith.index_cast %get3A_411 : i32 to index
      %get3A_413 = arith.index_cast %scan3A_403 : i32 to index
      %get3A_414 = arith.constant 16 : index
      %get3A_415 = tpu.vector_load %arg6[%get3A_412, %get3A_413, %get3A_414] {strides = array<i32>} : memref<4x128x128xf32, #tpu.memory_space<vmem>>, vector<1x1x16xf32>,
      %get3A_416 = vector.shape_cast %get3A_415 : vector<1x1x16xf32> to vector<16xf32>
      %add3A_417 = arith.addf %add3A_359, %get3A_416 : vector<16xf32>
      %get3A_418 = arith.constant 0 : i32
      %get3A_419 = arith.index_cast %get3A_418 : i32 to index
      %get3A_420 = arith.index_cast %scan3A_403 : i32 to index
      %get3A_421 = arith.constant 32 : index
      %get3A_422 = tpu.vector_load %arg6[%get3A_419, %get3A_420, %get3A_421] {strides = array<i32>} : memref<4x128x128xf32, #tpu.memory_space<vmem>>, vector<1x1x16xf32>,
      %get3A_423 = vector.shape_cast %get3A_422 : vector<1x1x16xf32> to vector<16xf32>
      %add3A_424 = arith.addf %add3A_366, %get3A_423 : vector<16xf32>
      %get3A_425 = arith.constant 0 : i32
      %get3A_426 = arith.index_cast %get3A_425 : i32 to index
      %get3A_427 = arith.index_cast %scan3A_403 : i32 to index
      %get3A_428 = arith.constant 48 : index
      %get3A_429 = tpu.vector_load %arg6[%get3A_426, %get3A_427, %get3A_428] {strides = array<i32>} : memref<4x128x128xf32, #tpu.memory_space<vmem>>, vector<1x1x16xf32>,
      %get3A_430 = vector.shape_cast %get3A_429 : vector<1x1x16xf32> to vector<16xf32>
      %add3A_431 = arith.addf %add3A_373, %get3A_430 : vector<16xf32>
      %get3A_432 = arith.constant 0 : i32
      %get3A_433 = arith.index_cast %get3A_432 : i32 to index
      %get3A_434 = arith.index_cast %scan3A_403 : i32 to index
      %get3A_435 = arith.constant 64 : index
      %get3A_436 = tpu.vector_load %arg6[%get3A_433, %get3A_434, %get3A_435] {strides = array<i32>} : memref<4x128x128xf32, #tpu.memory_space<vmem>>, vector<1x1x16xf32>,
      %get3A_437 = vector.shape_cast %get3A_436 : vector<1x1x16xf32> to vector<16xf32>
      %add3A_438 = arith.addf %add3A_380, %get3A_437 : vector<16xf32>
      %get3A_439 = arith.constant 0 : i32
      %get3A_440 = arith.index_cast %get3A_439 : i32 to index
      %get3A_441 = arith.index_cast %scan3A_403 : i32 to index
      %get3A_442 = arith.constant 80 : index
      %get3A_443 = tpu.vector_load %arg6[%get3A_440, %get3A_441, %get3A_442] {strides = array<i32>} : memref<4x128x128xf32, #tpu.memory_space<vmem>>, vector<1x1x16xf32>,
      %get3A_444 = vector.shape_cast %get3A_443 : vector<1x1x16xf32> to vector<16xf32>
      %add3A_445 = arith.addf %add3A_387, %get3A_444 : vector<16xf32>
      %get3A_446 = arith.constant 0 : i32
      %get3A_447 = arith.index_cast %get3A_446 : i32 to index
      %get3A_448 = arith.index_cast %scan3A_403 : i32 to index
      %get3A_449 = arith.constant 96 : index
      %get3A_450 = tpu.vector_load %arg6[%get3A_447, %get3A_448, %get3A_449] {strides = array<i32>} : memref<4x128x128xf32, #tpu.memory_space<vmem>>, vector<1x1x16xf32>,
      %get3A_451 = vector.shape_cast %get3A_450 : vector<1x1x16xf32> to vector<16xf32>
      %add3A_452 = arith.addf %add3A_394, %get3A_451 : vector<16xf32>
      %get3A_453 = arith.constant 0 : i32
      %get3A_454 = arith.index_cast %get3A_453 : i32 to index
      %get3A_455 = arith.index_cast %scan3A_403 : i32 to index
      %get3A_456 = arith.constant 112 : index
      %get3A_457 = tpu.vector_load %arg6[%get3A_454, %get3A_455, %get3A_456] {strides = array<i32>} : memref<4x128x128xf32, #tpu.memory_space<vmem>>, vector<1x1x16xf32>,
      %get3A_458 = vector.shape_cast %get3A_457 : vector<1x1x16xf32> to vector<16xf32>
      %add3A_459 = arith.addf %add3A_401, %get3A_458 : vector<16xf32>
      %scan3A_460 = arith.constant 5 : i32
      %scan3A_461 = arith.addi %scan3A_164, %scan3A_460 : i32
      %get3A_462 = arith.constant 0 : i32
      %get3A_463 = arith.index_cast %get3A_462 : i32 to index
      %get3A_464 = arith.index_cast %scan3A_461 : i32 to index
      %get3A_465 = arith.constant 0 : index
      %get3A_466 = tpu.vector_load %arg6[%get3A_463, %get3A_464, %get3A_465] {strides = array<i32>} : memref<4x128x128xf32, #tpu.memory_space<vmem>>, vector<1x1x16xf32>,
      %get3A_467 = vector.shape_cast %get3A_466 : vector<1x1x16xf32> to vector<16xf32>
      %add3A_468 = arith.addf %add3A_410, %get3A_467 : vector<16xf32>
      %get3A_469 = arith.constant 0 : i32
      %get3A_470 = arith.index_cast %get3A_469 : i32 to index
      %get3A_471 = arith.index_cast %scan3A_461 : i32 to index
      %get3A_472 = arith.constant 16 : index
      %get3A_473 = tpu.vector_load %arg6[%get3A_470, %get3A_471, %get3A_472] {strides = array<i32>} : memref<4x128x128xf32, #tpu.memory_space<vmem>>, vector<1x1x16xf32>,
      %get3A_474 = vector.shape_cast %get3A_473 : vector<1x1x16xf32> to vector<16xf32>
      %add3A_475 = arith.addf %add3A_417, %get3A_474 : vector<16xf32>
      %get3A_476 = arith.constant 0 : i32
      %get3A_477 = arith.index_cast %get3A_476 : i32 to index
      %get3A_478 = arith.index_cast %scan3A_461 : i32 to index
      %get3A_479 = arith.constant 32 : index
      %get3A_480 = tpu.vector_load %arg6[%get3A_477, %get3A_478, %get3A_479] {strides = array<i32>} : memref<4x128x128xf32, #tpu.memory_space<vmem>>, vector<1x1x16xf32>,
      %get3A_481 = vector.shape_cast %get3A_480 : vector<1x1x16xf32> to vector<16xf32>
      %add3A_482 = arith.addf %add3A_424, %get3A_481 : vector<16xf32>
      %get3A_483 = arith.constant 0 : i32
      %get3A_484 = arith.index_cast %get3A_483 : i32 to index
      %get3A_485 = arith.index_cast %scan3A_461 : i32 to index
      %get3A_486 = arith.constant 48 : index
      %get3A_487 = tpu.vector_load %arg6[%get3A_484, %get3A_485, %get3A_486] {strides = array<i32>} : memref<4x128x128xf32, #tpu.memory_space<vmem>>, vector<1x1x16xf32>,
      %get3A_488 = vector.shape_cast %get3A_487 : vector<1x1x16xf32> to vector<16xf32>
      %add3A_489 = arith.addf %add3A_431, %get3A_488 : vector<16xf32>
      %get3A_490 = arith.constant 0 : i32
      %get3A_491 = arith.index_cast %get3A_490 : i32 to index
      %get3A_492 = arith.index_cast %scan3A_461 : i32 to index
      %get3A_493 = arith.constant 64 : index
      %get3A_494 = tpu.vector_load %arg6[%get3A_491, %get3A_492, %get3A_493] {strides = array<i32>} : memref<4x128x128xf32, #tpu.memory_space<vmem>>, vector<1x1x16xf32>,
      %get3A_495 = vector.shape_cast %get3A_494 : vector<1x1x16xf32> to vector<16xf32>
      %add3A_496 = arith.addf %add3A_438, %get3A_495 : vector<16xf32>
      %get3A_497 = arith.constant 0 : i32
      %get3A_498 = arith.index_cast %get3A_497 : i32 to index
      %get3A_499 = arith.index_cast %scan3A_461 : i32 to index
      %get3A_500 = arith.constant 80 : index
      %get3A_501 = tpu.vector_load %arg6[%get3A_498, %get3A_499, %get3A_500] {strides = array<i32>} : memref<4x128x128xf32, #tpu.memory_space<vmem>>, vector<1x1x16xf32>,
      %get3A_502 = vector.shape_cast %get3A_501 : vector<1x1x16xf32> to vector<16xf32>
      %add3A_503 = arith.addf %add3A_445, %get3A_502 : vector<16xf32>
      %get3A_504 = arith.constant 0 : i32
      %get3A_505 = arith.index_cast %get3A_504 : i32 to index
      %get3A_506 = arith.index_cast %scan3A_461 : i32 to index
      %get3A_507 = arith.constant 96 : index
      %get3A_508 = tpu.vector_load %arg6[%get3A_505, %get3A_506, %get3A_507] {strides = array<i32>} : memref<4x128x128xf32, #tpu.memory_space<vmem>>, vector<1x1x16xf32>,
      %get3A_509 = vector.shape_cast %get3A_508 : vector<1x1x16xf32> to vector<16xf32>
      %add3A_510 = arith.addf %add3A_452, %get3A_509 : vector<16xf32>
      %get3A_511 = arith.constant 0 : i32
      %get3A_512 = arith.index_cast %get3A_511 : i32 to index
      %get3A_513 = arith.index_cast %scan3A_461 : i32 to index
      %get3A_514 = arith.constant 112 : index
      %get3A_515 = tpu.vector_load %arg6[%get3A_512, %get3A_513, %get3A_514] {strides = array<i32>} : memref<4x128x128xf32, #tpu.memory_space<vmem>>, vector<1x1x16xf32>,
      %get3A_516 = vector.shape_cast %get3A_515 : vector<1x1x16xf32> to vector<16xf32>
      %add3A_517 = arith.addf %add3A_459, %get3A_516 : vector<16xf32>
      %scan3A_518 = arith.constant 6 : i32
      %scan3A_519 = arith.addi %scan3A_164, %scan3A_518 : i32
      %get3A_520 = arith.constant 0 : i32
      %get3A_521 = arith.index_cast %get3A_520 : i32 to index
      %get3A_522 = arith.index_cast %scan3A_519 : i32 to index
      %get3A_523 = arith.constant 0 : index
      %get3A_524 = tpu.vector_load %arg6[%get3A_521, %get3A_522, %get3A_523] {strides = array<i32>} : memref<4x128x128xf32, #tpu.memory_space<vmem>>, vector<1x1x16xf32>,
      %get3A_525 = vector.shape_cast %get3A_524 : vector<1x1x16xf32> to vector<16xf32>
      %add3A_526 = arith.addf %add3A_468, %get3A_525 : vector<16xf32>
      %get3A_527 = arith.constant 0 : i32
      %get3A_528 = arith.index_cast %get3A_527 : i32 to index
      %get3A_529 = arith.index_cast %scan3A_519 : i32 to index
      %get3A_530 = arith.constant 16 : index
      %get3A_531 = tpu.vector_load %arg6[%get3A_528, %get3A_529, %get3A_530] {strides = array<i32>} : memref<4x128x128xf32, #tpu.memory_space<vmem>>, vector<1x1x16xf32>,
      %get3A_532 = vector.shape_cast %get3A_531 : vector<1x1x16xf32> to vector<16xf32>
      %add3A_533 = arith.addf %add3A_475, %get3A_532 : vector<16xf32>
      %get3A_534 = arith.constant 0 : i32
      %get3A_535 = arith.index_cast %get3A_534 : i32 to index
      %get3A_536 = arith.index_cast %scan3A_519 : i32 to index
      %get3A_537 = arith.constant 32 : index
      %get3A_538 = tpu.vector_load %arg6[%get3A_535, %get3A_536, %get3A_537] {strides = array<i32>} : memref<4x128x128xf32, #tpu.memory_space<vmem>>, vector<1x1x16xf32>,
      %get3A_539 = vector.shape_cast %get3A_538 : vector<1x1x16xf32> to vector<16xf32>
      %add3A_540 = arith.addf %add3A_482, %get3A_539 : vector<16xf32>
      %get3A_541 = arith.constant 0 : i32
      %get3A_542 = arith.index_cast %get3A_541 : i32 to index
      %get3A_543 = arith.index_cast %scan3A_519 : i32 to index
      %get3A_544 = arith.constant 48 : index
      %get3A_545 = tpu.vector_load %arg6[%get3A_542, %get3A_543, %get3A_544] {strides = array<i32>} : memref<4x128x128xf32, #tpu.memory_space<vmem>>, vector<1x1x16xf32>,
      %get3A_546 = vector.shape_cast %get3A_545 : vector<1x1x16xf32> to vector<16xf32>
      %add3A_547 = arith.addf %add3A_489, %get3A_546 : vector<16xf32>
      %get3A_548 = arith.constant 0 : i32
      %get3A_549 = arith.index_cast %get3A_548 : i32 to index
      %get3A_550 = arith.index_cast %scan3A_519 : i32 to index
      %get3A_551 = arith.constant 64 : index
      %get3A_552 = tpu.vector_load %arg6[%get3A_549, %get3A_550, %get3A_551] {strides = array<i32>} : memref<4x128x128xf32, #tpu.memory_space<vmem>>, vector<1x1x16xf32>,
      %get3A_553 = vector.shape_cast %get3A_552 : vector<1x1x16xf32> to vector<16xf32>
      %add3A_554 = arith.addf %add3A_496, %get3A_553 : vector<16xf32>
      %get3A_555 = arith.constant 0 : i32
      %get3A_556 = arith.index_cast %get3A_555 : i32 to index
      %get3A_557 = arith.index_cast %scan3A_519 : i32 to index
      %get3A_558 = arith.constant 80 : index
      %get3A_559 = tpu.vector_load %arg6[%get3A_556, %get3A_557, %get3A_558] {strides = array<i32>} : memref<4x128x128xf32, #tpu.memory_space<vmem>>, vector<1x1x16xf32>,
      %get3A_560 = vector.shape_cast %get3A_559 : vector<1x1x16xf32> to vector<16xf32>
      %add3A_561 = arith.addf %add3A_503, %get3A_560 : vector<16xf32>
      %get3A_562 = arith.constant 0 : i32
      %get3A_563 = arith.index_cast %get3A_562 : i32 to index
      %get3A_564 = arith.index_cast %scan3A_519 : i32 to index
      %get3A_565 = arith.constant 96 : index
      %get3A_566 = tpu.vector_load %arg6[%get3A_563, %get3A_564, %get3A_565] {strides = array<i32>} : memref<4x128x128xf32, #tpu.memory_space<vmem>>, vector<1x1x16xf32>,
      %get3A_567 = vector.shape_cast %get3A_566 : vector<1x1x16xf32> to vector<16xf32>
      %add3A_568 = arith.addf %add3A_510, %get3A_567 : vector<16xf32>
      %get3A_569 = arith.constant 0 : i32
      %get3A_570 = arith.index_cast %get3A_569 : i32 to index
      %get3A_571 = arith.index_cast %scan3A_519 : i32 to index
      %get3A_572 = arith.constant 112 : index
      %get3A_573 = tpu.vector_load %arg6[%get3A_570, %get3A_571, %get3A_572] {strides = array<i32>} : memref<4x128x128xf32, #tpu.memory_space<vmem>>, vector<1x1x16xf32>,
      %get3A_574 = vector.shape_cast %get3A_573 : vector<1x1x16xf32> to vector<16xf32>
      %add3A_575 = arith.addf %add3A_517, %get3A_574 : vector<16xf32>
      %scan3A_576 = arith.constant 7 : i32
      %scan3A_577 = arith.addi %scan3A_164, %scan3A_576 : i32
      %get3A_578 = arith.constant 0 : i32
      %get3A_579 = arith.index_cast %get3A_578 : i32 to index
      %get3A_580 = arith.index_cast %scan3A_577 : i32 to index
      %get3A_581 = arith.constant 0 : index
      %get3A_582 = tpu.vector_load %arg6[%get3A_579, %get3A_580, %get3A_581] {strides = array<i32>} : memref<4x128x128xf32, #tpu.memory_space<vmem>>, vector<1x1x16xf32>,
      %get3A_583 = vector.shape_cast %get3A_582 : vector<1x1x16xf32> to vector<16xf32>
      %add3A_584 = arith.addf %add3A_526, %get3A_583 : vector<16xf32>
      %get3A_585 = arith.constant 0 : i32
      %get3A_586 = arith.index_cast %get3A_585 : i32 to index
      %get3A_587 = arith.index_cast %scan3A_577 : i32 to index
      %get3A_588 = arith.constant 16 : index
      %get3A_589 = tpu.vector_load %arg6[%get3A_586, %get3A_587, %get3A_588] {strides = array<i32>} : memref<4x128x128xf32, #tpu.memory_space<vmem>>, vector<1x1x16xf32>,
      %get3A_590 = vector.shape_cast %get3A_589 : vector<1x1x16xf32> to vector<16xf32>
      %add3A_591 = arith.addf %add3A_533, %get3A_590 : vector<16xf32>
      %get3A_592 = arith.constant 0 : i32
      %get3A_593 = arith.index_cast %get3A_592 : i32 to index
      %get3A_594 = arith.index_cast %scan3A_577 : i32 to index
      %get3A_595 = arith.constant 32 : index
      %get3A_596 = tpu.vector_load %arg6[%get3A_593, %get3A_594, %get3A_595] {strides = array<i32>} : memref<4x128x128xf32, #tpu.memory_space<vmem>>, vector<1x1x16xf32>,
      %get3A_597 = vector.shape_cast %get3A_596 : vector<1x1x16xf32> to vector<16xf32>
      %add3A_598 = arith.addf %add3A_540, %get3A_597 : vector<16xf32>
      %get3A_599 = arith.constant 0 : i32
      %get3A_600 = arith.index_cast %get3A_599 : i32 to index
      %get3A_601 = arith.index_cast %scan3A_577 : i32 to index
      %get3A_602 = arith.constant 48 : index
      %get3A_603 = tpu.vector_load %arg6[%get3A_600, %get3A_601, %get3A_602] {strides = array<i32>} : memref<4x128x128xf32, #tpu.memory_space<vmem>>, vector<1x1x16xf32>,
      %get3A_604 = vector.shape_cast %get3A_603 : vector<1x1x16xf32> to vector<16xf32>
      %add3A_605 = arith.addf %add3A_547, %get3A_604 : vector<16xf32>
      %get3A_606 = arith.constant 0 : i32
      %get3A_607 = arith.index_cast %get3A_606 : i32 to index
      %get3A_608 = arith.index_cast %scan3A_577 : i32 to index
      %get3A_609 = arith.constant 64 : index
      %get3A_610 = tpu.vector_load %arg6[%get3A_607, %get3A_608, %get3A_609] {strides = array<i32>} : memref<4x128x128xf32, #tpu.memory_space<vmem>>, vector<1x1x16xf32>,
      %get3A_611 = vector.shape_cast %get3A_610 : vector<1x1x16xf32> to vector<16xf32>
      %add3A_612 = arith.addf %add3A_554, %get3A_611 : vector<16xf32>
      %get3A_613 = arith.constant 0 : i32
      %get3A_614 = arith.index_cast %get3A_613 : i32 to index
      %get3A_615 = arith.index_cast %scan3A_577 : i32 to index
      %get3A_616 = arith.constant 80 : index
      %get3A_617 = tpu.vector_load %arg6[%get3A_614, %get3A_615, %get3A_616] {strides = array<i32>} : memref<4x128x128xf32, #tpu.memory_space<vmem>>, vector<1x1x16xf32>,
      %get3A_618 = vector.shape_cast %get3A_617 : vector<1x1x16xf32> to vector<16xf32>
      %add3A_619 = arith.addf %add3A_561, %get3A_618 : vector<16xf32>
      %get3A_620 = arith.constant 0 : i32
      %get3A_621 = arith.index_cast %get3A_620 : i32 to index
      %get3A_622 = arith.index_cast %scan3A_577 : i32 to index
      %get3A_623 = arith.constant 96 : index
      %get3A_624 = tpu.vector_load %arg6[%get3A_621, %get3A_622, %get3A_623] {strides = array<i32>} : memref<4x128x128xf32, #tpu.memory_space<vmem>>, vector<1x1x16xf32>,
      %get3A_625 = vector.shape_cast %get3A_624 : vector<1x1x16xf32> to vector<16xf32>
      %add3A_626 = arith.addf %add3A_568, %get3A_625 : vector<16xf32>
      %get3A_627 = arith.constant 0 : i32
      %get3A_628 = arith.index_cast %get3A_627 : i32 to index
      %get3A_629 = arith.index_cast %scan3A_577 : i32 to index
      %get3A_630 = arith.constant 112 : index
      %get3A_631 = tpu.vector_load %arg6[%get3A_628, %get3A_629, %get3A_630] {strides = array<i32>} : memref<4x128x128xf32, #tpu.memory_space<vmem>>, vector<1x1x16xf32>,
      %get3A_632 = vector.shape_cast %get3A_631 : vector<1x1x16xf32> to vector<16xf32>
      %add3A_633 = arith.addf %add3A_575, %get3A_632 : vector<16xf32>
      scf.yield %add3A_584, %add3A_591, %add3A_598, %add3A_605, %add3A_612, %add3A_619, %add3A_626, %add3A_633 : vector<16xf32>, vector<16xf32>, vector<16xf32>, vector<16xf32>, vector<16xf32>, vector<16xf32>, vector<16xf32>, vector<16xf32>
    }
    %scan3A_78 = arith.constant 128 : i32
    %dma_wait3A_79 = arith.constant 1 : i32
    %dma_wait3A_80 = arith.constant 1 : i32
    %dma_wait3A_81 = arith.constant 0 : i32
    %dma_wait3A_82 = arith.constant 0 : i32
    %dma_wait3A_83 = tpu.memref_slice %arg6[%dma_wait3A_80, %dma_wait3A_81, %dma_wait3A_82] : memref<4x128x128xf32, #tpu.memory_space<vmem>> -> memref<1x128x128xf32, #tpu.memory_space<vmem>>
    %dma_wait3A_84 = tpu.memref_squeeze %dma_wait3A_83 : memref<1x128x128xf32, #tpu.memory_space<vmem>> -> memref<128x128xf32, #tpu.memory_space<vmem>>
    %dma_wait3A_85 = arith.constant 0 : i32
    %dma_wait3A_86 = tpu.memref_slice %arg5[%dma_wait3A_79, %dma_wait3A_85] : memref<4x128xi32, #tpu.memory_space<vmem>> -> memref<1x128xi32, #tpu.memory_space<vmem>>
    %dma_wait3A_87 = tpu.memref_squeeze %dma_wait3A_86 : memref<1x128xi32, #tpu.memory_space<vmem>> -> memref<128xi32, #tpu.memory_space<vmem>>
    %dma_wait3A_88 = arith.constant 0 : i32
    %dma_wait3A_89 = arith.constant 0 : i32
    %dma_wait3A_90 = tpu.memref_slice %arg3[%dma_wait3A_88, %dma_wait3A_89] : memref<1000000x128xf32, #tpu.memory_space<hbm>> -> memref<1000000x128xf32, #tpu.memory_space<hbm>>
    tpu.wait_indirect_dma semaphore(%arg8 : memref<!tpu.dma_semaphore, #tpu.memory_space<semaphore_mem>>) src(%dma_wait3A_90 : memref<1000000x128xf32, #tpu.memory_space<hbm>>) dst(%dma_wait3A_84 : memref<128x128xf32, #tpu.memory_space<vmem>>)
    %scan3A_91 = arith.constant 0 : i32
    %scan3A_92 = arith.constant 128 : i32
    %scan3A_93 = arith.addi %scan3A_91, %scan3A_92 : i32
    %scan3A_94 = arith.constant 8 : i32
    %scan3A_95:8 = scf.for %scan3A_164 = %scan3A_91 to %scan3A_93 step %scan3A_94 iter_args(%scan3A_165 = %scan3A_77#0, %scan3A_166 = %scan3A_77#1, %scan3A_167 = %scan3A_77#2, %scan3A_168 = %scan3A_77#3, %scan3A_169 = %scan3A_77#4, %scan3A_170 = %scan3A_77#5, %scan3A_171 = %scan3A_77#6, %scan3A_172 = %scan3A_77#7) -> (vector<16xf32>, vector<16xf32>, vector<16xf32>, vector<16xf32>, vector<16xf32>, vector<16xf32>, vector<16xf32>, vector<16xf32>)  : i32 {
      %get3A = arith.constant 1 : i32
      %get3A_173 = arith.index_cast %get3A : i32 to index
      %get3A_174 = arith.index_cast %scan3A_164 : i32 to index
      %get3A_175 = arith.constant 0 : index
      %get3A_176 = tpu.vector_load %arg6[%get3A_173, %get3A_174, %get3A_175] {strides = array<i32>} : memref<4x128x128xf32, #tpu.memory_space<vmem>>, vector<1x1x16xf32>,
      %get3A_177 = vector.shape_cast %get3A_176 : vector<1x1x16xf32> to vector<16xf32>
      %add3A_178 = arith.addf %scan3A_165, %get3A_177 : vector<16xf32>
      %get3A_179 = arith.constant 1 : i32
      %get3A_180 = arith.index_cast %get3A_179 : i32 to index
      %get3A_181 = arith.index_cast %scan3A_164 : i32 to index
      %get3A_182 = arith.constant 16 : index
      %get3A_183 = tpu.vector_load %arg6[%get3A_180, %get3A_181, %get3A_182] {strides = array<i32>} : memref<4x128x128xf32, #tpu.memory_space<vmem>>, vector<1x1x16xf32>,
      %get3A_184 = vector.shape_cast %get3A_183 : vector<1x1x16xf32> to vector<16xf32>
      %add3A_185 = arith.addf %scan3A_166, %get3A_184 : vector<16xf32>
      %get3A_186 = arith.constant 1 : i32
      %get3A_187 = arith.index_cast %get3A_186 : i32 to index
      %get3A_188 = arith.index_cast %scan3A_164 : i32 to index
      %get3A_189 = arith.constant 32 : index
      %get3A_190 = tpu.vector_load %arg6[%get3A_187, %get3A_188, %get3A_189] {strides = array<i32>} : memref<4x128x128xf32, #tpu.memory_space<vmem>>, vector<1x1x16xf32>,
      %get3A_191 = vector.shape_cast %get3A_190 : vector<1x1x16xf32> to vector<16xf32>
      %add3A_192 = arith.addf %scan3A_167, %get3A_191 : vector<16xf32>
      %get3A_193 = arith.constant 1 : i32
      %get3A_194 = arith.index_cast %get3A_193 : i32 to index
      %get3A_195 = arith.index_cast %scan3A_164 : i32 to index
      %get3A_196 = arith.constant 48 : index
      %get3A_197 = tpu.vector_load %arg6[%get3A_194, %get3A_195, %get3A_196] {strides = array<i32>} : memref<4x128x128xf32, #tpu.memory_space<vmem>>, vector<1x1x16xf32>,
      %get3A_198 = vector.shape_cast %get3A_197 : vector<1x1x16xf32> to vector<16xf32>
      %add3A_199 = arith.addf %scan3A_168, %get3A_198 : vector<16xf32>
      %get3A_200 = arith.constant 1 : i32
      %get3A_201 = arith.index_cast %get3A_200 : i32 to index
      %get3A_202 = arith.index_cast %scan3A_164 : i32 to index
      %get3A_203 = arith.constant 64 : index
      %get3A_204 = tpu.vector_load %arg6[%get3A_201, %get3A_202, %get3A_203] {strides = array<i32>} : memref<4x128x128xf32, #tpu.memory_space<vmem>>, vector<1x1x16xf32>,
      %get3A_205 = vector.shape_cast %get3A_204 : vector<1x1x16xf32> to vector<16xf32>
      %add3A_206 = arith.addf %scan3A_169, %get3A_205 : vector<16xf32>
      %get3A_207 = arith.constant 1 : i32
      %get3A_208 = arith.index_cast %get3A_207 : i32 to index
      %get3A_209 = arith.index_cast %scan3A_164 : i32 to index
      %get3A_210 = arith.constant 80 : index
      %get3A_211 = tpu.vector_load %arg6[%get3A_208, %get3A_209, %get3A_210] {strides = array<i32>} : memref<4x128x128xf32, #tpu.memory_space<vmem>>, vector<1x1x16xf32>,
      %get3A_212 = vector.shape_cast %get3A_211 : vector<1x1x16xf32> to vector<16xf32>
      %add3A_213 = arith.addf %scan3A_170, %get3A_212 : vector<16xf32>
      %get3A_214 = arith.constant 1 : i32
      %get3A_215 = arith.index_cast %get3A_214 : i32 to index
      %get3A_216 = arith.index_cast %scan3A_164 : i32 to index
      %get3A_217 = arith.constant 96 : index
      %get3A_218 = tpu.vector_load %arg6[%get3A_215, %get3A_216, %get3A_217] {strides = array<i32>} : memref<4x128x128xf32, #tpu.memory_space<vmem>>, vector<1x1x16xf32>,
      %get3A_219 = vector.shape_cast %get3A_218 : vector<1x1x16xf32> to vector<16xf32>
      %add3A_220 = arith.addf %scan3A_171, %get3A_219 : vector<16xf32>
      %get3A_221 = arith.constant 1 : i32
      %get3A_222 = arith.index_cast %get3A_221 : i32 to index
      %get3A_223 = arith.index_cast %scan3A_164 : i32 to index
      %get3A_224 = arith.constant 112 : index
      %get3A_225 = tpu.vector_load %arg6[%get3A_222, %get3A_223, %get3A_224] {strides = array<i32>} : memref<4x128x128xf32, #tpu.memory_space<vmem>>, vector<1x1x16xf32>,
      %get3A_226 = vector.shape_cast %get3A_225 : vector<1x1x16xf32> to vector<16xf32>
      %add3A_227 = arith.addf %scan3A_172, %get3A_226 : vector<16xf32>
      %scan3A_228 = arith.constant 1 : i32
      %scan3A_229 = arith.addi %scan3A_164, %scan3A_228 : i32
      %get3A_230 = arith.constant 1 : i32
      %get3A_231 = arith.index_cast %get3A_230 : i32 to index
      %get3A_232 = arith.index_cast %scan3A_229 : i32 to index
      %get3A_233 = arith.constant 0 : index
      %get3A_234 = tpu.vector_load %arg6[%get3A_231, %get3A_232, %get3A_233] {strides = array<i32>} : memref<4x128x128xf32, #tpu.memory_space<vmem>>, vector<1x1x16xf32>,
      %get3A_235 = vector.shape_cast %get3A_234 : vector<1x1x16xf32> to vector<16xf32>
      %add3A_236 = arith.addf %add3A_178, %get3A_235 : vector<16xf32>
      %get3A_237 = arith.constant 1 : i32
      %get3A_238 = arith.index_cast %get3A_237 : i32 to index
      %get3A_239 = arith.index_cast %scan3A_229 : i32 to index
      %get3A_240 = arith.constant 16 : index
      %get3A_241 = tpu.vector_load %arg6[%get3A_238, %get3A_239, %get3A_240] {strides = array<i32>} : memref<4x128x128xf32, #tpu.memory_space<vmem>>, vector<1x1x16xf32>,
      %get3A_242 = vector.shape_cast %get3A_241 : vector<1x1x16xf32> to vector<16xf32>
      %add3A_243 = arith.addf %add3A_185, %get3A_242 : vector<16xf32>
      %get3A_244 = arith.constant 1 : i32
      %get3A_245 = arith.index_cast %get3A_244 : i32 to index
      %get3A_246 = arith.index_cast %scan3A_229 : i32 to index
      %get3A_247 = arith.constant 32 : index
      %get3A_248 = tpu.vector_load %arg6[%get3A_245, %get3A_246, %get3A_247] {strides = array<i32>} : memref<4x128x128xf32, #tpu.memory_space<vmem>>, vector<1x1x16xf32>,
      %get3A_249 = vector.shape_cast %get3A_248 : vector<1x1x16xf32> to vector<16xf32>
      %add3A_250 = arith.addf %add3A_192, %get3A_249 : vector<16xf32>
      %get3A_251 = arith.constant 1 : i32
      %get3A_252 = arith.index_cast %get3A_251 : i32 to index
      %get3A_253 = arith.index_cast %scan3A_229 : i32 to index
      %get3A_254 = arith.constant 48 : index
      %get3A_255 = tpu.vector_load %arg6[%get3A_252, %get3A_253, %get3A_254] {strides = array<i32>} : memref<4x128x128xf32, #tpu.memory_space<vmem>>, vector<1x1x16xf32>,
      %get3A_256 = vector.shape_cast %get3A_255 : vector<1x1x16xf32> to vector<16xf32>
      %add3A_257 = arith.addf %add3A_199, %get3A_256 : vector<16xf32>
      %get3A_258 = arith.constant 1 : i32
      %get3A_259 = arith.index_cast %get3A_258 : i32 to index
      %get3A_260 = arith.index_cast %scan3A_229 : i32 to index
      %get3A_261 = arith.constant 64 : index
      %get3A_262 = tpu.vector_load %arg6[%get3A_259, %get3A_260, %get3A_261] {strides = array<i32>} : memref<4x128x128xf32, #tpu.memory_space<vmem>>, vector<1x1x16xf32>,
      %get3A_263 = vector.shape_cast %get3A_262 : vector<1x1x16xf32> to vector<16xf32>
      %add3A_264 = arith.addf %add3A_206, %get3A_263 : vector<16xf32>
      %get3A_265 = arith.constant 1 : i32
      %get3A_266 = arith.index_cast %get3A_265 : i32 to index
      %get3A_267 = arith.index_cast %scan3A_229 : i32 to index
      %get3A_268 = arith.constant 80 : index
      %get3A_269 = tpu.vector_load %arg6[%get3A_266, %get3A_267, %get3A_268] {strides = array<i32>} : memref<4x128x128xf32, #tpu.memory_space<vmem>>, vector<1x1x16xf32>,
      %get3A_270 = vector.shape_cast %get3A_269 : vector<1x1x16xf32> to vector<16xf32>
      %add3A_271 = arith.addf %add3A_213, %get3A_270 : vector<16xf32>
      %get3A_272 = arith.constant 1 : i32
      %get3A_273 = arith.index_cast %get3A_272 : i32 to index
      %get3A_274 = arith.index_cast %scan3A_229 : i32 to index
      %get3A_275 = arith.constant 96 : index
      %get3A_276 = tpu.vector_load %arg6[%get3A_273, %get3A_274, %get3A_275] {strides = array<i32>} : memref<4x128x128xf32, #tpu.memory_space<vmem>>, vector<1x1x16xf32>,
      %get3A_277 = vector.shape_cast %get3A_276 : vector<1x1x16xf32> to vector<16xf32>
      %add3A_278 = arith.addf %add3A_220, %get3A_277 : vector<16xf32>
      %get3A_279 = arith.constant 1 : i32
      %get3A_280 = arith.index_cast %get3A_279 : i32 to index
      %get3A_281 = arith.index_cast %scan3A_229 : i32 to index
      %get3A_282 = arith.constant 112 : index
      %get3A_283 = tpu.vector_load %arg6[%get3A_280, %get3A_281, %get3A_282] {strides = array<i32>} : memref<4x128x128xf32, #tpu.memory_space<vmem>>, vector<1x1x16xf32>,
      %get3A_284 = vector.shape_cast %get3A_283 : vector<1x1x16xf32> to vector<16xf32>
      %add3A_285 = arith.addf %add3A_227, %get3A_284 : vector<16xf32>
      %scan3A_286 = arith.constant 2 : i32
      %scan3A_287 = arith.addi %scan3A_164, %scan3A_286 : i32
      %get3A_288 = arith.constant 1 : i32
      %get3A_289 = arith.index_cast %get3A_288 : i32 to index
      %get3A_290 = arith.index_cast %scan3A_287 : i32 to index
      %get3A_291 = arith.constant 0 : index
      %get3A_292 = tpu.vector_load %arg6[%get3A_289, %get3A_290, %get3A_291] {strides = array<i32>} : memref<4x128x128xf32, #tpu.memory_space<vmem>>, vector<1x1x16xf32>,
      %get3A_293 = vector.shape_cast %get3A_292 : vector<1x1x16xf32> to vector<16xf32>
      %add3A_294 = arith.addf %add3A_236, %get3A_293 : vector<16xf32>
      %get3A_295 = arith.constant 1 : i32
      %get3A_296 = arith.index_cast %get3A_295 : i32 to index
      %get3A_297 = arith.index_cast %scan3A_287 : i32 to index
      %get3A_298 = arith.constant 16 : index
      %get3A_299 = tpu.vector_load %arg6[%get3A_296, %get3A_297, %get3A_298] {strides = array<i32>} : memref<4x128x128xf32, #tpu.memory_space<vmem>>, vector<1x1x16xf32>,
      %get3A_300 = vector.shape_cast %get3A_299 : vector<1x1x16xf32> to vector<16xf32>
      %add3A_301 = arith.addf %add3A_243, %get3A_300 : vector<16xf32>
      %get3A_302 = arith.constant 1 : i32
      %get3A_303 = arith.index_cast %get3A_302 : i32 to index
      %get3A_304 = arith.index_cast %scan3A_287 : i32 to index
      %get3A_305 = arith.constant 32 : index
      %get3A_306 = tpu.vector_load %arg6[%get3A_303, %get3A_304, %get3A_305] {strides = array<i32>} : memref<4x128x128xf32, #tpu.memory_space<vmem>>, vector<1x1x16xf32>,
      %get3A_307 = vector.shape_cast %get3A_306 : vector<1x1x16xf32> to vector<16xf32>
      %add3A_308 = arith.addf %add3A_250, %get3A_307 : vector<16xf32>
      %get3A_309 = arith.constant 1 : i32
      %get3A_310 = arith.index_cast %get3A_309 : i32 to index
      %get3A_311 = arith.index_cast %scan3A_287 : i32 to index
      %get3A_312 = arith.constant 48 : index
      %get3A_313 = tpu.vector_load %arg6[%get3A_310, %get3A_311, %get3A_312] {strides = array<i32>} : memref<4x128x128xf32, #tpu.memory_space<vmem>>, vector<1x1x16xf32>,
      %get3A_314 = vector.shape_cast %get3A_313 : vector<1x1x16xf32> to vector<16xf32>
      %add3A_315 = arith.addf %add3A_257, %get3A_314 : vector<16xf32>
      %get3A_316 = arith.constant 1 : i32
      %get3A_317 = arith.index_cast %get3A_316 : i32 to index
      %get3A_318 = arith.index_cast %scan3A_287 : i32 to index
      %get3A_319 = arith.constant 64 : index
      %get3A_320 = tpu.vector_load %arg6[%get3A_317, %get3A_318, %get3A_319] {strides = array<i32>} : memref<4x128x128xf32, #tpu.memory_space<vmem>>, vector<1x1x16xf32>,
      %get3A_321 = vector.shape_cast %get3A_320 : vector<1x1x16xf32> to vector<16xf32>
      %add3A_322 = arith.addf %add3A_264, %get3A_321 : vector<16xf32>
      %get3A_323 = arith.constant 1 : i32
      %get3A_324 = arith.index_cast %get3A_323 : i32 to index
      %get3A_325 = arith.index_cast %scan3A_287 : i32 to index
      %get3A_326 = arith.constant 80 : index
      %get3A_327 = tpu.vector_load %arg6[%get3A_324, %get3A_325, %get3A_326] {strides = array<i32>} : memref<4x128x128xf32, #tpu.memory_space<vmem>>, vector<1x1x16xf32>,
      %get3A_328 = vector.shape_cast %get3A_327 : vector<1x1x16xf32> to vector<16xf32>
      %add3A_329 = arith.addf %add3A_271, %get3A_328 : vector<16xf32>
      %get3A_330 = arith.constant 1 : i32
      %get3A_331 = arith.index_cast %get3A_330 : i32 to index
      %get3A_332 = arith.index_cast %scan3A_287 : i32 to index
      %get3A_333 = arith.constant 96 : index
      %get3A_334 = tpu.vector_load %arg6[%get3A_331, %get3A_332, %get3A_333] {strides = array<i32>} : memref<4x128x128xf32, #tpu.memory_space<vmem>>, vector<1x1x16xf32>,
      %get3A_335 = vector.shape_cast %get3A_334 : vector<1x1x16xf32> to vector<16xf32>
      %add3A_336 = arith.addf %add3A_278, %get3A_335 : vector<16xf32>
      %get3A_337 = arith.constant 1 : i32
      %get3A_338 = arith.index_cast %get3A_337 : i32 to index
      %get3A_339 = arith.index_cast %scan3A_287 : i32 to index
      %get3A_340 = arith.constant 112 : index
      %get3A_341 = tpu.vector_load %arg6[%get3A_338, %get3A_339, %get3A_340] {strides = array<i32>} : memref<4x128x128xf32, #tpu.memory_space<vmem>>, vector<1x1x16xf32>,
      %get3A_342 = vector.shape_cast %get3A_341 : vector<1x1x16xf32> to vector<16xf32>
      %add3A_343 = arith.addf %add3A_285, %get3A_342 : vector<16xf32>
      %scan3A_344 = arith.constant 3 : i32
      %scan3A_345 = arith.addi %scan3A_164, %scan3A_344 : i32
      %get3A_346 = arith.constant 1 : i32
      %get3A_347 = arith.index_cast %get3A_346 : i32 to index
      %get3A_348 = arith.index_cast %scan3A_345 : i32 to index
      %get3A_349 = arith.constant 0 : index
      %get3A_350 = tpu.vector_load %arg6[%get3A_347, %get3A_348, %get3A_349] {strides = array<i32>} : memref<4x128x128xf32, #tpu.memory_space<vmem>>, vector<1x1x16xf32>,
      %get3A_351 = vector.shape_cast %get3A_350 : vector<1x1x16xf32> to vector<16xf32>
      %add3A_352 = arith.addf %add3A_294, %get3A_351 : vector<16xf32>
      %get3A_353 = arith.constant 1 : i32
      %get3A_354 = arith.index_cast %get3A_353 : i32 to index
      %get3A_355 = arith.index_cast %scan3A_345 : i32 to index
      %get3A_356 = arith.constant 16 : index
      %get3A_357 = tpu.vector_load %arg6[%get3A_354, %get3A_355, %get3A_356] {strides = array<i32>} : memref<4x128x128xf32, #tpu.memory_space<vmem>>, vector<1x1x16xf32>,
      %get3A_358 = vector.shape_cast %get3A_357 : vector<1x1x16xf32> to vector<16xf32>
      %add3A_359 = arith.addf %add3A_301, %get3A_358 : vector<16xf32>
      %get3A_360 = arith.constant 1 : i32
      %get3A_361 = arith.index_cast %get3A_360 : i32 to index
      %get3A_362 = arith.index_cast %scan3A_345 : i32 to index
      %get3A_363 = arith.constant 32 : index
      %get3A_364 = tpu.vector_load %arg6[%get3A_361, %get3A_362, %get3A_363] {strides = array<i32>} : memref<4x128x128xf32, #tpu.memory_space<vmem>>, vector<1x1x16xf32>,
      %get3A_365 = vector.shape_cast %get3A_364 : vector<1x1x16xf32> to vector<16xf32>
      %add3A_366 = arith.addf %add3A_308, %get3A_365 : vector<16xf32>
      %get3A_367 = arith.constant 1 : i32
      %get3A_368 = arith.index_cast %get3A_367 : i32 to index
      %get3A_369 = arith.index_cast %scan3A_345 : i32 to index
      %get3A_370 = arith.constant 48 : index
      %get3A_371 = tpu.vector_load %arg6[%get3A_368, %get3A_369, %get3A_370] {strides = array<i32>} : memref<4x128x128xf32, #tpu.memory_space<vmem>>, vector<1x1x16xf32>,
      %get3A_372 = vector.shape_cast %get3A_371 : vector<1x1x16xf32> to vector<16xf32>
      %add3A_373 = arith.addf %add3A_315, %get3A_372 : vector<16xf32>
      %get3A_374 = arith.constant 1 : i32
      %get3A_375 = arith.index_cast %get3A_374 : i32 to index
      %get3A_376 = arith.index_cast %scan3A_345 : i32 to index
      %get3A_377 = arith.constant 64 : index
      %get3A_378 = tpu.vector_load %arg6[%get3A_375, %get3A_376, %get3A_377] {strides = array<i32>} : memref<4x128x128xf32, #tpu.memory_space<vmem>>, vector<1x1x16xf32>,
      %get3A_379 = vector.shape_cast %get3A_378 : vector<1x1x16xf32> to vector<16xf32>
      %add3A_380 = arith.addf %add3A_322, %get3A_379 : vector<16xf32>
      %get3A_381 = arith.constant 1 : i32
      %get3A_382 = arith.index_cast %get3A_381 : i32 to index
      %get3A_383 = arith.index_cast %scan3A_345 : i32 to index
      %get3A_384 = arith.constant 80 : index
      %get3A_385 = tpu.vector_load %arg6[%get3A_382, %get3A_383, %get3A_384] {strides = array<i32>} : memref<4x128x128xf32, #tpu.memory_space<vmem>>, vector<1x1x16xf32>,
      %get3A_386 = vector.shape_cast %get3A_385 : vector<1x1x16xf32> to vector<16xf32>
      %add3A_387 = arith.addf %add3A_329, %get3A_386 : vector<16xf32>
      %get3A_388 = arith.constant 1 : i32
      %get3A_389 = arith.index_cast %get3A_388 : i32 to index
      %get3A_390 = arith.index_cast %scan3A_345 : i32 to index
      %get3A_391 = arith.constant 96 : index
      %get3A_392 = tpu.vector_load %arg6[%get3A_389, %get3A_390, %get3A_391] {strides = array<i32>} : memref<4x128x128xf32, #tpu.memory_space<vmem>>, vector<1x1x16xf32>,
      %get3A_393 = vector.shape_cast %get3A_392 : vector<1x1x16xf32> to vector<16xf32>
      %add3A_394 = arith.addf %add3A_336, %get3A_393 : vector<16xf32>
      %get3A_395 = arith.constant 1 : i32
      %get3A_396 = arith.index_cast %get3A_395 : i32 to index
      %get3A_397 = arith.index_cast %scan3A_345 : i32 to index
      %get3A_398 = arith.constant 112 : index
      %get3A_399 = tpu.vector_load %arg6[%get3A_396, %get3A_397, %get3A_398] {strides = array<i32>} : memref<4x128x128xf32, #tpu.memory_space<vmem>>, vector<1x1x16xf32>,
      %get3A_400 = vector.shape_cast %get3A_399 : vector<1x1x16xf32> to vector<16xf32>
      %add3A_401 = arith.addf %add3A_343, %get3A_400 : vector<16xf32>
      %scan3A_402 = arith.constant 4 : i32
      %scan3A_403 = arith.addi %scan3A_164, %scan3A_402 : i32
      %get3A_404 = arith.constant 1 : i32
      %get3A_405 = arith.index_cast %get3A_404 : i32 to index
      %get3A_406 = arith.index_cast %scan3A_403 : i32 to index
      %get3A_407 = arith.constant 0 : index
      %get3A_408 = tpu.vector_load %arg6[%get3A_405, %get3A_406, %get3A_407] {strides = array<i32>} : memref<4x128x128xf32, #tpu.memory_space<vmem>>, vector<1x1x16xf32>,
      %get3A_409 = vector.shape_cast %get3A_408 : vector<1x1x16xf32> to vector<16xf32>
      %add3A_410 = arith.addf %add3A_352, %get3A_409 : vector<16xf32>
      %get3A_411 = arith.constant 1 : i32
      %get3A_412 = arith.index_cast %get3A_411 : i32 to index
      %get3A_413 = arith.index_cast %scan3A_403 : i32 to index
      %get3A_414 = arith.constant 16 : index
      %get3A_415 = tpu.vector_load %arg6[%get3A_412, %get3A_413, %get3A_414] {strides = array<i32>} : memref<4x128x128xf32, #tpu.memory_space<vmem>>, vector<1x1x16xf32>,
      %get3A_416 = vector.shape_cast %get3A_415 : vector<1x1x16xf32> to vector<16xf32>
      %add3A_417 = arith.addf %add3A_359, %get3A_416 : vector<16xf32>
      %get3A_418 = arith.constant 1 : i32
      %get3A_419 = arith.index_cast %get3A_418 : i32 to index
      %get3A_420 = arith.index_cast %scan3A_403 : i32 to index
      %get3A_421 = arith.constant 32 : index
      %get3A_422 = tpu.vector_load %arg6[%get3A_419, %get3A_420, %get3A_421] {strides = array<i32>} : memref<4x128x128xf32, #tpu.memory_space<vmem>>, vector<1x1x16xf32>,
      %get3A_423 = vector.shape_cast %get3A_422 : vector<1x1x16xf32> to vector<16xf32>
      %add3A_424 = arith.addf %add3A_366, %get3A_423 : vector<16xf32>
      %get3A_425 = arith.constant 1 : i32
      %get3A_426 = arith.index_cast %get3A_425 : i32 to index
      %get3A_427 = arith.index_cast %scan3A_403 : i32 to index
      %get3A_428 = arith.constant 48 : index
      %get3A_429 = tpu.vector_load %arg6[%get3A_426, %get3A_427, %get3A_428] {strides = array<i32>} : memref<4x128x128xf32, #tpu.memory_space<vmem>>, vector<1x1x16xf32>,
      %get3A_430 = vector.shape_cast %get3A_429 : vector<1x1x16xf32> to vector<16xf32>
      %add3A_431 = arith.addf %add3A_373, %get3A_430 : vector<16xf32>
      %get3A_432 = arith.constant 1 : i32
      %get3A_433 = arith.index_cast %get3A_432 : i32 to index
      %get3A_434 = arith.index_cast %scan3A_403 : i32 to index
      %get3A_435 = arith.constant 64 : index
      %get3A_436 = tpu.vector_load %arg6[%get3A_433, %get3A_434, %get3A_435] {strides = array<i32>} : memref<4x128x128xf32, #tpu.memory_space<vmem>>, vector<1x1x16xf32>,
      %get3A_437 = vector.shape_cast %get3A_436 : vector<1x1x16xf32> to vector<16xf32>
      %add3A_438 = arith.addf %add3A_380, %get3A_437 : vector<16xf32>
      %get3A_439 = arith.constant 1 : i32
      %get3A_440 = arith.index_cast %get3A_439 : i32 to index
      %get3A_441 = arith.index_cast %scan3A_403 : i32 to index
      %get3A_442 = arith.constant 80 : index
      %get3A_443 = tpu.vector_load %arg6[%get3A_440, %get3A_441, %get3A_442] {strides = array<i32>} : memref<4x128x128xf32, #tpu.memory_space<vmem>>, vector<1x1x16xf32>,
      %get3A_444 = vector.shape_cast %get3A_443 : vector<1x1x16xf32> to vector<16xf32>
      %add3A_445 = arith.addf %add3A_387, %get3A_444 : vector<16xf32>
      %get3A_446 = arith.constant 1 : i32
      %get3A_447 = arith.index_cast %get3A_446 : i32 to index
      %get3A_448 = arith.index_cast %scan3A_403 : i32 to index
      %get3A_449 = arith.constant 96 : index
      %get3A_450 = tpu.vector_load %arg6[%get3A_447, %get3A_448, %get3A_449] {strides = array<i32>} : memref<4x128x128xf32, #tpu.memory_space<vmem>>, vector<1x1x16xf32>,
      %get3A_451 = vector.shape_cast %get3A_450 : vector<1x1x16xf32> to vector<16xf32>
      %add3A_452 = arith.addf %add3A_394, %get3A_451 : vector<16xf32>
      %get3A_453 = arith.constant 1 : i32
      %get3A_454 = arith.index_cast %get3A_453 : i32 to index
      %get3A_455 = arith.index_cast %scan3A_403 : i32 to index
      %get3A_456 = arith.constant 112 : index
      %get3A_457 = tpu.vector_load %arg6[%get3A_454, %get3A_455, %get3A_456] {strides = array<i32>} : memref<4x128x128xf32, #tpu.memory_space<vmem>>, vector<1x1x16xf32>,
      %get3A_458 = vector.shape_cast %get3A_457 : vector<1x1x16xf32> to vector<16xf32>
      %add3A_459 = arith.addf %add3A_401, %get3A_458 : vector<16xf32>
      %scan3A_460 = arith.constant 5 : i32
      %scan3A_461 = arith.addi %scan3A_164, %scan3A_460 : i32
      %get3A_462 = arith.constant 1 : i32
      %get3A_463 = arith.index_cast %get3A_462 : i32 to index
      %get3A_464 = arith.index_cast %scan3A_461 : i32 to index
      %get3A_465 = arith.constant 0 : index
      %get3A_466 = tpu.vector_load %arg6[%get3A_463, %get3A_464, %get3A_465] {strides = array<i32>} : memref<4x128x128xf32, #tpu.memory_space<vmem>>, vector<1x1x16xf32>,
      %get3A_467 = vector.shape_cast %get3A_466 : vector<1x1x16xf32> to vector<16xf32>
      %add3A_468 = arith.addf %add3A_410, %get3A_467 : vector<16xf32>
      %get3A_469 = arith.constant 1 : i32
      %get3A_470 = arith.index_cast %get3A_469 : i32 to index
      %get3A_471 = arith.index_cast %scan3A_461 : i32 to index
      %get3A_472 = arith.constant 16 : index
      %get3A_473 = tpu.vector_load %arg6[%get3A_470, %get3A_471, %get3A_472] {strides = array<i32>} : memref<4x128x128xf32, #tpu.memory_space<vmem>>, vector<1x1x16xf32>,
      %get3A_474 = vector.shape_cast %get3A_473 : vector<1x1x16xf32> to vector<16xf32>
      %add3A_475 = arith.addf %add3A_417, %get3A_474 : vector<16xf32>
      %get3A_476 = arith.constant 1 : i32
      %get3A_477 = arith.index_cast %get3A_476 : i32 to index
      %get3A_478 = arith.index_cast %scan3A_461 : i32 to index
      %get3A_479 = arith.constant 32 : index
      %get3A_480 = tpu.vector_load %arg6[%get3A_477, %get3A_478, %get3A_479] {strides = array<i32>} : memref<4x128x128xf32, #tpu.memory_space<vmem>>, vector<1x1x16xf32>,
      %get3A_481 = vector.shape_cast %get3A_480 : vector<1x1x16xf32> to vector<16xf32>
      %add3A_482 = arith.addf %add3A_424, %get3A_481 : vector<16xf32>
      %get3A_483 = arith.constant 1 : i32
      %get3A_484 = arith.index_cast %get3A_483 : i32 to index
      %get3A_485 = arith.index_cast %scan3A_461 : i32 to index
      %get3A_486 = arith.constant 48 : index
      %get3A_487 = tpu.vector_load %arg6[%get3A_484, %get3A_485, %get3A_486] {strides = array<i32>} : memref<4x128x128xf32, #tpu.memory_space<vmem>>, vector<1x1x16xf32>,
      %get3A_488 = vector.shape_cast %get3A_487 : vector<1x1x16xf32> to vector<16xf32>
      %add3A_489 = arith.addf %add3A_431, %get3A_488 : vector<16xf32>
      %get3A_490 = arith.constant 1 : i32
      %get3A_491 = arith.index_cast %get3A_490 : i32 to index
      %get3A_492 = arith.index_cast %scan3A_461 : i32 to index
      %get3A_493 = arith.constant 64 : index
      %get3A_494 = tpu.vector_load %arg6[%get3A_491, %get3A_492, %get3A_493] {strides = array<i32>} : memref<4x128x128xf32, #tpu.memory_space<vmem>>, vector<1x1x16xf32>,
      %get3A_495 = vector.shape_cast %get3A_494 : vector<1x1x16xf32> to vector<16xf32>
      %add3A_496 = arith.addf %add3A_438, %get3A_495 : vector<16xf32>
      %get3A_497 = arith.constant 1 : i32
      %get3A_498 = arith.index_cast %get3A_497 : i32 to index
      %get3A_499 = arith.index_cast %scan3A_461 : i32 to index
      %get3A_500 = arith.constant 80 : index
      %get3A_501 = tpu.vector_load %arg6[%get3A_498, %get3A_499, %get3A_500] {strides = array<i32>} : memref<4x128x128xf32, #tpu.memory_space<vmem>>, vector<1x1x16xf32>,
      %get3A_502 = vector.shape_cast %get3A_501 : vector<1x1x16xf32> to vector<16xf32>
      %add3A_503 = arith.addf %add3A_445, %get3A_502 : vector<16xf32>
      %get3A_504 = arith.constant 1 : i32
      %get3A_505 = arith.index_cast %get3A_504 : i32 to index
      %get3A_506 = arith.index_cast %scan3A_461 : i32 to index
      %get3A_507 = arith.constant 96 : index
      %get3A_508 = tpu.vector_load %arg6[%get3A_505, %get3A_506, %get3A_507] {strides = array<i32>} : memref<4x128x128xf32, #tpu.memory_space<vmem>>, vector<1x1x16xf32>,
      %get3A_509 = vector.shape_cast %get3A_508 : vector<1x1x16xf32> to vector<16xf32>
      %add3A_510 = arith.addf %add3A_452, %get3A_509 : vector<16xf32>
      %get3A_511 = arith.constant 1 : i32
      %get3A_512 = arith.index_cast %get3A_511 : i32 to index
      %get3A_513 = arith.index_cast %scan3A_461 : i32 to index
      %get3A_514 = arith.constant 112 : index
      %get3A_515 = tpu.vector_load %arg6[%get3A_512, %get3A_513, %get3A_514] {strides = array<i32>} : memref<4x128x128xf32, #tpu.memory_space<vmem>>, vector<1x1x16xf32>,
      %get3A_516 = vector.shape_cast %get3A_515 : vector<1x1x16xf32> to vector<16xf32>
      %add3A_517 = arith.addf %add3A_459, %get3A_516 : vector<16xf32>
      %scan3A_518 = arith.constant 6 : i32
      %scan3A_519 = arith.addi %scan3A_164, %scan3A_518 : i32
      %get3A_520 = arith.constant 1 : i32
      %get3A_521 = arith.index_cast %get3A_520 : i32 to index
      %get3A_522 = arith.index_cast %scan3A_519 : i32 to index
      %get3A_523 = arith.constant 0 : index
      %get3A_524 = tpu.vector_load %arg6[%get3A_521, %get3A_522, %get3A_523] {strides = array<i32>} : memref<4x128x128xf32, #tpu.memory_space<vmem>>, vector<1x1x16xf32>,
      %get3A_525 = vector.shape_cast %get3A_524 : vector<1x1x16xf32> to vector<16xf32>
      %add3A_526 = arith.addf %add3A_468, %get3A_525 : vector<16xf32>
      %get3A_527 = arith.constant 1 : i32
      %get3A_528 = arith.index_cast %get3A_527 : i32 to index
      %get3A_529 = arith.index_cast %scan3A_519 : i32 to index
      %get3A_530 = arith.constant 16 : index
      %get3A_531 = tpu.vector_load %arg6[%get3A_528, %get3A_529, %get3A_530] {strides = array<i32>} : memref<4x128x128xf32, #tpu.memory_space<vmem>>, vector<1x1x16xf32>,
      %get3A_532 = vector.shape_cast %get3A_531 : vector<1x1x16xf32> to vector<16xf32>
      %add3A_533 = arith.addf %add3A_475, %get3A_532 : vector<16xf32>
      %get3A_534 = arith.constant 1 : i32
      %get3A_535 = arith.index_cast %get3A_534 : i32 to index
      %get3A_536 = arith.index_cast %scan3A_519 : i32 to index
      %get3A_537 = arith.constant 32 : index
      %get3A_538 = tpu.vector_load %arg6[%get3A_535, %get3A_536, %get3A_537] {strides = array<i32>} : memref<4x128x128xf32, #tpu.memory_space<vmem>>, vector<1x1x16xf32>,
      %get3A_539 = vector.shape_cast %get3A_538 : vector<1x1x16xf32> to vector<16xf32>
      %add3A_540 = arith.addf %add3A_482, %get3A_539 : vector<16xf32>
      %get3A_541 = arith.constant 1 : i32
      %get3A_542 = arith.index_cast %get3A_541 : i32 to index
      %get3A_543 = arith.index_cast %scan3A_519 : i32 to index
      %get3A_544 = arith.constant 48 : index
      %get3A_545 = tpu.vector_load %arg6[%get3A_542, %get3A_543, %get3A_544] {strides = array<i32>} : memref<4x128x128xf32, #tpu.memory_space<vmem>>, vector<1x1x16xf32>,
      %get3A_546 = vector.shape_cast %get3A_545 : vector<1x1x16xf32> to vector<16xf32>
      %add3A_547 = arith.addf %add3A_489, %get3A_546 : vector<16xf32>
      %get3A_548 = arith.constant 1 : i32
      %get3A_549 = arith.index_cast %get3A_548 : i32 to index
      %get3A_550 = arith.index_cast %scan3A_519 : i32 to index
      %get3A_551 = arith.constant 64 : index
      %get3A_552 = tpu.vector_load %arg6[%get3A_549, %get3A_550, %get3A_551] {strides = array<i32>} : memref<4x128x128xf32, #tpu.memory_space<vmem>>, vector<1x1x16xf32>,
      %get3A_553 = vector.shape_cast %get3A_552 : vector<1x1x16xf32> to vector<16xf32>
      %add3A_554 = arith.addf %add3A_496, %get3A_553 : vector<16xf32>
      %get3A_555 = arith.constant 1 : i32
      %get3A_556 = arith.index_cast %get3A_555 : i32 to index
      %get3A_557 = arith.index_cast %scan3A_519 : i32 to index
      %get3A_558 = arith.constant 80 : index
      %get3A_559 = tpu.vector_load %arg6[%get3A_556, %get3A_557, %get3A_558] {strides = array<i32>} : memref<4x128x128xf32, #tpu.memory_space<vmem>>, vector<1x1x16xf32>,
      %get3A_560 = vector.shape_cast %get3A_559 : vector<1x1x16xf32> to vector<16xf32>
      %add3A_561 = arith.addf %add3A_503, %get3A_560 : vector<16xf32>
      %get3A_562 = arith.constant 1 : i32
      %get3A_563 = arith.index_cast %get3A_562 : i32 to index
      %get3A_564 = arith.index_cast %scan3A_519 : i32 to index
      %get3A_565 = arith.constant 96 : index
      %get3A_566 = tpu.vector_load %arg6[%get3A_563, %get3A_564, %get3A_565] {strides = array<i32>} : memref<4x128x128xf32, #tpu.memory_space<vmem>>, vector<1x1x16xf32>,
      %get3A_567 = vector.shape_cast %get3A_566 : vector<1x1x16xf32> to vector<16xf32>
      %add3A_568 = arith.addf %add3A_510, %get3A_567 : vector<16xf32>
      %get3A_569 = arith.constant 1 : i32
      %get3A_570 = arith.index_cast %get3A_569 : i32 to index
      %get3A_571 = arith.index_cast %scan3A_519 : i32 to index
      %get3A_572 = arith.constant 112 : index
      %get3A_573 = tpu.vector_load %arg6[%get3A_570, %get3A_571, %get3A_572] {strides = array<i32>} : memref<4x128x128xf32, #tpu.memory_space<vmem>>, vector<1x1x16xf32>,
      %get3A_574 = vector.shape_cast %get3A_573 : vector<1x1x16xf32> to vector<16xf32>
      %add3A_575 = arith.addf %add3A_517, %get3A_574 : vector<16xf32>
      %scan3A_576 = arith.constant 7 : i32
      %scan3A_577 = arith.addi %scan3A_164, %scan3A_576 : i32
      %get3A_578 = arith.constant 1 : i32
      %get3A_579 = arith.index_cast %get3A_578 : i32 to index
      %get3A_580 = arith.index_cast %scan3A_577 : i32 to index
      %get3A_581 = arith.constant 0 : index
      %get3A_582 = tpu.vector_load %arg6[%get3A_579, %get3A_580, %get3A_581] {strides = array<i32>} : memref<4x128x128xf32, #tpu.memory_space<vmem>>, vector<1x1x16xf32>,
      %get3A_583 = vector.shape_cast %get3A_582 : vector<1x1x16xf32> to vector<16xf32>
      %add3A_584 = arith.addf %add3A_526, %get3A_583 : vector<16xf32>
      %get3A_585 = arith.constant 1 : i32
      %get3A_586 = arith.index_cast %get3A_585 : i32 to index
      %get3A_587 = arith.index_cast %scan3A_577 : i32 to index
      %get3A_588 = arith.constant 16 : index
      %get3A_589 = tpu.vector_load %arg6[%get3A_586, %get3A_587, %get3A_588] {strides = array<i32>} : memref<4x128x128xf32, #tpu.memory_space<vmem>>, vector<1x1x16xf32>,
      %get3A_590 = vector.shape_cast %get3A_589 : vector<1x1x16xf32> to vector<16xf32>
      %add3A_591 = arith.addf %add3A_533, %get3A_590 : vector<16xf32>
      %get3A_592 = arith.constant 1 : i32
      %get3A_593 = arith.index_cast %get3A_592 : i32 to index
      %get3A_594 = arith.index_cast %scan3A_577 : i32 to index
      %get3A_595 = arith.constant 32 : index
      %get3A_596 = tpu.vector_load %arg6[%get3A_593, %get3A_594, %get3A_595] {strides = array<i32>} : memref<4x128x128xf32, #tpu.memory_space<vmem>>, vector<1x1x16xf32>,
      %get3A_597 = vector.shape_cast %get3A_596 : vector<1x1x16xf32> to vector<16xf32>
      %add3A_598 = arith.addf %add3A_540, %get3A_597 : vector<16xf32>
      %get3A_599 = arith.constant 1 : i32
      %get3A_600 = arith.index_cast %get3A_599 : i32 to index
      %get3A_601 = arith.index_cast %scan3A_577 : i32 to index
      %get3A_602 = arith.constant 48 : index
      %get3A_603 = tpu.vector_load %arg6[%get3A_600, %get3A_601, %get3A_602] {strides = array<i32>} : memref<4x128x128xf32, #tpu.memory_space<vmem>>, vector<1x1x16xf32>,
      %get3A_604 = vector.shape_cast %get3A_603 : vector<1x1x16xf32> to vector<16xf32>
      %add3A_605 = arith.addf %add3A_547, %get3A_604 : vector<16xf32>
      %get3A_606 = arith.constant 1 : i32
      %get3A_607 = arith.index_cast %get3A_606 : i32 to index
      %get3A_608 = arith.index_cast %scan3A_577 : i32 to index
      %get3A_609 = arith.constant 64 : index
      %get3A_610 = tpu.vector_load %arg6[%get3A_607, %get3A_608, %get3A_609] {strides = array<i32>} : memref<4x128x128xf32, #tpu.memory_space<vmem>>, vector<1x1x16xf32>,
      %get3A_611 = vector.shape_cast %get3A_610 : vector<1x1x16xf32> to vector<16xf32>
      %add3A_612 = arith.addf %add3A_554, %get3A_611 : vector<16xf32>
      %get3A_613 = arith.constant 1 : i32
      %get3A_614 = arith.index_cast %get3A_613 : i32 to index
      %get3A_615 = arith.index_cast %scan3A_577 : i32 to index
      %get3A_616 = arith.constant 80 : index
      %get3A_617 = tpu.vector_load %arg6[%get3A_614, %get3A_615, %get3A_616] {strides = array<i32>} : memref<4x128x128xf32, #tpu.memory_space<vmem>>, vector<1x1x16xf32>,
      %get3A_618 = vector.shape_cast %get3A_617 : vector<1x1x16xf32> to vector<16xf32>
      %add3A_619 = arith.addf %add3A_561, %get3A_618 : vector<16xf32>
      %get3A_620 = arith.constant 1 : i32
      %get3A_621 = arith.index_cast %get3A_620 : i32 to index
      %get3A_622 = arith.index_cast %scan3A_577 : i32 to index
      %get3A_623 = arith.constant 96 : index
      %get3A_624 = tpu.vector_load %arg6[%get3A_621, %get3A_622, %get3A_623] {strides = array<i32>} : memref<4x128x128xf32, #tpu.memory_space<vmem>>, vector<1x1x16xf32>,
      %get3A_625 = vector.shape_cast %get3A_624 : vector<1x1x16xf32> to vector<16xf32>
      %add3A_626 = arith.addf %add3A_568, %get3A_625 : vector<16xf32>
      %get3A_627 = arith.constant 1 : i32
      %get3A_628 = arith.index_cast %get3A_627 : i32 to index
      %get3A_629 = arith.index_cast %scan3A_577 : i32 to index
      %get3A_630 = arith.constant 112 : index
      %get3A_631 = tpu.vector_load %arg6[%get3A_628, %get3A_629, %get3A_630] {strides = array<i32>} : memref<4x128x128xf32, #tpu.memory_space<vmem>>, vector<1x1x16xf32>,
      %get3A_632 = vector.shape_cast %get3A_631 : vector<1x1x16xf32> to vector<16xf32>
      %add3A_633 = arith.addf %add3A_575, %get3A_632 : vector<16xf32>
      scf.yield %add3A_584, %add3A_591, %add3A_598, %add3A_605, %add3A_612, %add3A_619, %add3A_626, %add3A_633 : vector<16xf32>, vector<16xf32>, vector<16xf32>, vector<16xf32>, vector<16xf32>, vector<16xf32>, vector<16xf32>, vector<16xf32>
    }
    %scan3A_96 = arith.constant 128 : i32
    %dma_wait3A_97 = arith.constant 2 : i32
    %dma_wait3A_98 = arith.constant 2 : i32
    %dma_wait3A_99 = arith.constant 0 : i32
    %dma_wait3A_100 = arith.constant 0 : i32
    %dma_wait3A_101 = tpu.memref_slice %arg6[%dma_wait3A_98, %dma_wait3A_99, %dma_wait3A_100] : memref<4x128x128xf32, #tpu.memory_space<vmem>> -> memref<1x128x128xf32, #tpu.memory_space<vmem>>
    %dma_wait3A_102 = tpu.memref_squeeze %dma_wait3A_101 : memref<1x128x128xf32, #tpu.memory_space<vmem>> -> memref<128x128xf32, #tpu.memory_space<vmem>>
    %dma_wait3A_103 = arith.constant 0 : i32
    %dma_wait3A_104 = tpu.memref_slice %arg5[%dma_wait3A_97, %dma_wait3A_103] : memref<4x128xi32, #tpu.memory_space<vmem>> -> memref<1x128xi32, #tpu.memory_space<vmem>>
    %dma_wait3A_105 = tpu.memref_squeeze %dma_wait3A_104 : memref<1x128xi32, #tpu.memory_space<vmem>> -> memref<128xi32, #tpu.memory_space<vmem>>
    %dma_wait3A_106 = arith.constant 0 : i32
    %dma_wait3A_107 = arith.constant 0 : i32
    %dma_wait3A_108 = tpu.memref_slice %arg3[%dma_wait3A_106, %dma_wait3A_107] : memref<1000000x128xf32, #tpu.memory_space<hbm>> -> memref<1000000x128xf32, #tpu.memory_space<hbm>>
    tpu.wait_indirect_dma semaphore(%arg8 : memref<!tpu.dma_semaphore, #tpu.memory_space<semaphore_mem>>) src(%dma_wait3A_108 : memref<1000000x128xf32, #tpu.memory_space<hbm>>) dst(%dma_wait3A_102 : memref<128x128xf32, #tpu.memory_space<vmem>>)
    %scan3A_109 = arith.constant 0 : i32
    %scan3A_110 = arith.constant 128 : i32
    %scan3A_111 = arith.addi %scan3A_109, %scan3A_110 : i32
    %scan3A_112 = arith.constant 8 : i32
    %scan3A_113:8 = scf.for %scan3A_164 = %scan3A_109 to %scan3A_111 step %scan3A_112 iter_args(%scan3A_165 = %scan3A_95#0, %scan3A_166 = %scan3A_95#1, %scan3A_167 = %scan3A_95#2, %scan3A_168 = %scan3A_95#3, %scan3A_169 = %scan3A_95#4, %scan3A_170 = %scan3A_95#5, %scan3A_171 = %scan3A_95#6, %scan3A_172 = %scan3A_95#7) -> (vector<16xf32>, vector<16xf32>, vector<16xf32>, vector<16xf32>, vector<16xf32>, vector<16xf32>, vector<16xf32>, vector<16xf32>)  : i32 {
      %get3A = arith.constant 2 : i32
      %get3A_173 = arith.index_cast %get3A : i32 to index
      %get3A_174 = arith.index_cast %scan3A_164 : i32 to index
      %get3A_175 = arith.constant 0 : index
      %get3A_176 = tpu.vector_load %arg6[%get3A_173, %get3A_174, %get3A_175] {strides = array<i32>} : memref<4x128x128xf32, #tpu.memory_space<vmem>>, vector<1x1x16xf32>,
      %get3A_177 = vector.shape_cast %get3A_176 : vector<1x1x16xf32> to vector<16xf32>
      %add3A_178 = arith.addf %scan3A_165, %get3A_177 : vector<16xf32>
      %get3A_179 = arith.constant 2 : i32
      %get3A_180 = arith.index_cast %get3A_179 : i32 to index
      %get3A_181 = arith.index_cast %scan3A_164 : i32 to index
      %get3A_182 = arith.constant 16 : index
      %get3A_183 = tpu.vector_load %arg6[%get3A_180, %get3A_181, %get3A_182] {strides = array<i32>} : memref<4x128x128xf32, #tpu.memory_space<vmem>>, vector<1x1x16xf32>,
      %get3A_184 = vector.shape_cast %get3A_183 : vector<1x1x16xf32> to vector<16xf32>
      %add3A_185 = arith.addf %scan3A_166, %get3A_184 : vector<16xf32>
      %get3A_186 = arith.constant 2 : i32
      %get3A_187 = arith.index_cast %get3A_186 : i32 to index
      %get3A_188 = arith.index_cast %scan3A_164 : i32 to index
      %get3A_189 = arith.constant 32 : index
      %get3A_190 = tpu.vector_load %arg6[%get3A_187, %get3A_188, %get3A_189] {strides = array<i32>} : memref<4x128x128xf32, #tpu.memory_space<vmem>>, vector<1x1x16xf32>,
      %get3A_191 = vector.shape_cast %get3A_190 : vector<1x1x16xf32> to vector<16xf32>
      %add3A_192 = arith.addf %scan3A_167, %get3A_191 : vector<16xf32>
      %get3A_193 = arith.constant 2 : i32
      %get3A_194 = arith.index_cast %get3A_193 : i32 to index
      %get3A_195 = arith.index_cast %scan3A_164 : i32 to index
      %get3A_196 = arith.constant 48 : index
      %get3A_197 = tpu.vector_load %arg6[%get3A_194, %get3A_195, %get3A_196] {strides = array<i32>} : memref<4x128x128xf32, #tpu.memory_space<vmem>>, vector<1x1x16xf32>,
      %get3A_198 = vector.shape_cast %get3A_197 : vector<1x1x16xf32> to vector<16xf32>
      %add3A_199 = arith.addf %scan3A_168, %get3A_198 : vector<16xf32>
      %get3A_200 = arith.constant 2 : i32
      %get3A_201 = arith.index_cast %get3A_200 : i32 to index
      %get3A_202 = arith.index_cast %scan3A_164 : i32 to index
      %get3A_203 = arith.constant 64 : index
      %get3A_204 = tpu.vector_load %arg6[%get3A_201, %get3A_202, %get3A_203] {strides = array<i32>} : memref<4x128x128xf32, #tpu.memory_space<vmem>>, vector<1x1x16xf32>,
      %get3A_205 = vector.shape_cast %get3A_204 : vector<1x1x16xf32> to vector<16xf32>
      %add3A_206 = arith.addf %scan3A_169, %get3A_205 : vector<16xf32>
      %get3A_207 = arith.constant 2 : i32
      %get3A_208 = arith.index_cast %get3A_207 : i32 to index
      %get3A_209 = arith.index_cast %scan3A_164 : i32 to index
      %get3A_210 = arith.constant 80 : index
      %get3A_211 = tpu.vector_load %arg6[%get3A_208, %get3A_209, %get3A_210] {strides = array<i32>} : memref<4x128x128xf32, #tpu.memory_space<vmem>>, vector<1x1x16xf32>,
      %get3A_212 = vector.shape_cast %get3A_211 : vector<1x1x16xf32> to vector<16xf32>
      %add3A_213 = arith.addf %scan3A_170, %get3A_212 : vector<16xf32>
      %get3A_214 = arith.constant 2 : i32
      %get3A_215 = arith.index_cast %get3A_214 : i32 to index
      %get3A_216 = arith.index_cast %scan3A_164 : i32 to index
      %get3A_217 = arith.constant 96 : index
      %get3A_218 = tpu.vector_load %arg6[%get3A_215, %get3A_216, %get3A_217] {strides = array<i32>} : memref<4x128x128xf32, #tpu.memory_space<vmem>>, vector<1x1x16xf32>,
      %get3A_219 = vector.shape_cast %get3A_218 : vector<1x1x16xf32> to vector<16xf32>
      %add3A_220 = arith.addf %scan3A_171, %get3A_219 : vector<16xf32>
      %get3A_221 = arith.constant 2 : i32
      %get3A_222 = arith.index_cast %get3A_221 : i32 to index
      %get3A_223 = arith.index_cast %scan3A_164 : i32 to index
      %get3A_224 = arith.constant 112 : index
      %get3A_225 = tpu.vector_load %arg6[%get3A_222, %get3A_223, %get3A_224] {strides = array<i32>} : memref<4x128x128xf32, #tpu.memory_space<vmem>>, vector<1x1x16xf32>,
      %get3A_226 = vector.shape_cast %get3A_225 : vector<1x1x16xf32> to vector<16xf32>
      %add3A_227 = arith.addf %scan3A_172, %get3A_226 : vector<16xf32>
      %scan3A_228 = arith.constant 1 : i32
      %scan3A_229 = arith.addi %scan3A_164, %scan3A_228 : i32
      %get3A_230 = arith.constant 2 : i32
      %get3A_231 = arith.index_cast %get3A_230 : i32 to index
      %get3A_232 = arith.index_cast %scan3A_229 : i32 to index
      %get3A_233 = arith.constant 0 : index
      %get3A_234 = tpu.vector_load %arg6[%get3A_231, %get3A_232, %get3A_233] {strides = array<i32>} : memref<4x128x128xf32, #tpu.memory_space<vmem>>, vector<1x1x16xf32>,
      %get3A_235 = vector.shape_cast %get3A_234 : vector<1x1x16xf32> to vector<16xf32>
      %add3A_236 = arith.addf %add3A_178, %get3A_235 : vector<16xf32>
      %get3A_237 = arith.constant 2 : i32
      %get3A_238 = arith.index_cast %get3A_237 : i32 to index
      %get3A_239 = arith.index_cast %scan3A_229 : i32 to index
      %get3A_240 = arith.constant 16 : index
      %get3A_241 = tpu.vector_load %arg6[%get3A_238, %get3A_239, %get3A_240] {strides = array<i32>} : memref<4x128x128xf32, #tpu.memory_space<vmem>>, vector<1x1x16xf32>,
      %get3A_242 = vector.shape_cast %get3A_241 : vector<1x1x16xf32> to vector<16xf32>
      %add3A_243 = arith.addf %add3A_185, %get3A_242 : vector<16xf32>
      %get3A_244 = arith.constant 2 : i32
      %get3A_245 = arith.index_cast %get3A_244 : i32 to index
      %get3A_246 = arith.index_cast %scan3A_229 : i32 to index
      %get3A_247 = arith.constant 32 : index
      %get3A_248 = tpu.vector_load %arg6[%get3A_245, %get3A_246, %get3A_247] {strides = array<i32>} : memref<4x128x128xf32, #tpu.memory_space<vmem>>, vector<1x1x16xf32>,
      %get3A_249 = vector.shape_cast %get3A_248 : vector<1x1x16xf32> to vector<16xf32>
      %add3A_250 = arith.addf %add3A_192, %get3A_249 : vector<16xf32>
      %get3A_251 = arith.constant 2 : i32
      %get3A_252 = arith.index_cast %get3A_251 : i32 to index
      %get3A_253 = arith.index_cast %scan3A_229 : i32 to index
      %get3A_254 = arith.constant 48 : index
      %get3A_255 = tpu.vector_load %arg6[%get3A_252, %get3A_253, %get3A_254] {strides = array<i32>} : memref<4x128x128xf32, #tpu.memory_space<vmem>>, vector<1x1x16xf32>,
      %get3A_256 = vector.shape_cast %get3A_255 : vector<1x1x16xf32> to vector<16xf32>
      %add3A_257 = arith.addf %add3A_199, %get3A_256 : vector<16xf32>
      %get3A_258 = arith.constant 2 : i32
      %get3A_259 = arith.index_cast %get3A_258 : i32 to index
      %get3A_260 = arith.index_cast %scan3A_229 : i32 to index
      %get3A_261 = arith.constant 64 : index
      %get3A_262 = tpu.vector_load %arg6[%get3A_259, %get3A_260, %get3A_261] {strides = array<i32>} : memref<4x128x128xf32, #tpu.memory_space<vmem>>, vector<1x1x16xf32>,
      %get3A_263 = vector.shape_cast %get3A_262 : vector<1x1x16xf32> to vector<16xf32>
      %add3A_264 = arith.addf %add3A_206, %get3A_263 : vector<16xf32>
      %get3A_265 = arith.constant 2 : i32
      %get3A_266 = arith.index_cast %get3A_265 : i32 to index
      %get3A_267 = arith.index_cast %scan3A_229 : i32 to index
      %get3A_268 = arith.constant 80 : index
      %get3A_269 = tpu.vector_load %arg6[%get3A_266, %get3A_267, %get3A_268] {strides = array<i32>} : memref<4x128x128xf32, #tpu.memory_space<vmem>>, vector<1x1x16xf32>,
      %get3A_270 = vector.shape_cast %get3A_269 : vector<1x1x16xf32> to vector<16xf32>
      %add3A_271 = arith.addf %add3A_213, %get3A_270 : vector<16xf32>
      %get3A_272 = arith.constant 2 : i32
      %get3A_273 = arith.index_cast %get3A_272 : i32 to index
      %get3A_274 = arith.index_cast %scan3A_229 : i32 to index
      %get3A_275 = arith.constant 96 : index
      %get3A_276 = tpu.vector_load %arg6[%get3A_273, %get3A_274, %get3A_275] {strides = array<i32>} : memref<4x128x128xf32, #tpu.memory_space<vmem>>, vector<1x1x16xf32>,
      %get3A_277 = vector.shape_cast %get3A_276 : vector<1x1x16xf32> to vector<16xf32>
      %add3A_278 = arith.addf %add3A_220, %get3A_277 : vector<16xf32>
      %get3A_279 = arith.constant 2 : i32
      %get3A_280 = arith.index_cast %get3A_279 : i32 to index
      %get3A_281 = arith.index_cast %scan3A_229 : i32 to index
      %get3A_282 = arith.constant 112 : index
      %get3A_283 = tpu.vector_load %arg6[%get3A_280, %get3A_281, %get3A_282] {strides = array<i32>} : memref<4x128x128xf32, #tpu.memory_space<vmem>>, vector<1x1x16xf32>,
      %get3A_284 = vector.shape_cast %get3A_283 : vector<1x1x16xf32> to vector<16xf32>
      %add3A_285 = arith.addf %add3A_227, %get3A_284 : vector<16xf32>
      %scan3A_286 = arith.constant 2 : i32
      %scan3A_287 = arith.addi %scan3A_164, %scan3A_286 : i32
      %get3A_288 = arith.constant 2 : i32
      %get3A_289 = arith.index_cast %get3A_288 : i32 to index
      %get3A_290 = arith.index_cast %scan3A_287 : i32 to index
      %get3A_291 = arith.constant 0 : index
      %get3A_292 = tpu.vector_load %arg6[%get3A_289, %get3A_290, %get3A_291] {strides = array<i32>} : memref<4x128x128xf32, #tpu.memory_space<vmem>>, vector<1x1x16xf32>,
      %get3A_293 = vector.shape_cast %get3A_292 : vector<1x1x16xf32> to vector<16xf32>
      %add3A_294 = arith.addf %add3A_236, %get3A_293 : vector<16xf32>
      %get3A_295 = arith.constant 2 : i32
      %get3A_296 = arith.index_cast %get3A_295 : i32 to index
      %get3A_297 = arith.index_cast %scan3A_287 : i32 to index
      %get3A_298 = arith.constant 16 : index
      %get3A_299 = tpu.vector_load %arg6[%get3A_296, %get3A_297, %get3A_298] {strides = array<i32>} : memref<4x128x128xf32, #tpu.memory_space<vmem>>, vector<1x1x16xf32>,
      %get3A_300 = vector.shape_cast %get3A_299 : vector<1x1x16xf32> to vector<16xf32>
      %add3A_301 = arith.addf %add3A_243, %get3A_300 : vector<16xf32>
      %get3A_302 = arith.constant 2 : i32
      %get3A_303 = arith.index_cast %get3A_302 : i32 to index
      %get3A_304 = arith.index_cast %scan3A_287 : i32 to index
      %get3A_305 = arith.constant 32 : index
      %get3A_306 = tpu.vector_load %arg6[%get3A_303, %get3A_304, %get3A_305] {strides = array<i32>} : memref<4x128x128xf32, #tpu.memory_space<vmem>>, vector<1x1x16xf32>,
      %get3A_307 = vector.shape_cast %get3A_306 : vector<1x1x16xf32> to vector<16xf32>
      %add3A_308 = arith.addf %add3A_250, %get3A_307 : vector<16xf32>
      %get3A_309 = arith.constant 2 : i32
      %get3A_310 = arith.index_cast %get3A_309 : i32 to index
      %get3A_311 = arith.index_cast %scan3A_287 : i32 to index
      %get3A_312 = arith.constant 48 : index
      %get3A_313 = tpu.vector_load %arg6[%get3A_310, %get3A_311, %get3A_312] {strides = array<i32>} : memref<4x128x128xf32, #tpu.memory_space<vmem>>, vector<1x1x16xf32>,
      %get3A_314 = vector.shape_cast %get3A_313 : vector<1x1x16xf32> to vector<16xf32>
      %add3A_315 = arith.addf %add3A_257, %get3A_314 : vector<16xf32>
      %get3A_316 = arith.constant 2 : i32
      %get3A_317 = arith.index_cast %get3A_316 : i32 to index
      %get3A_318 = arith.index_cast %scan3A_287 : i32 to index
      %get3A_319 = arith.constant 64 : index
      %get3A_320 = tpu.vector_load %arg6[%get3A_317, %get3A_318, %get3A_319] {strides = array<i32>} : memref<4x128x128xf32, #tpu.memory_space<vmem>>, vector<1x1x16xf32>,
      %get3A_321 = vector.shape_cast %get3A_320 : vector<1x1x16xf32> to vector<16xf32>
      %add3A_322 = arith.addf %add3A_264, %get3A_321 : vector<16xf32>
      %get3A_323 = arith.constant 2 : i32
      %get3A_324 = arith.index_cast %get3A_323 : i32 to index
      %get3A_325 = arith.index_cast %scan3A_287 : i32 to index
      %get3A_326 = arith.constant 80 : index
      %get3A_327 = tpu.vector_load %arg6[%get3A_324, %get3A_325, %get3A_326] {strides = array<i32>} : memref<4x128x128xf32, #tpu.memory_space<vmem>>, vector<1x1x16xf32>,
      %get3A_328 = vector.shape_cast %get3A_327 : vector<1x1x16xf32> to vector<16xf32>
      %add3A_329 = arith.addf %add3A_271, %get3A_328 : vector<16xf32>
      %get3A_330 = arith.constant 2 : i32
      %get3A_331 = arith.index_cast %get3A_330 : i32 to index
      %get3A_332 = arith.index_cast %scan3A_287 : i32 to index
      %get3A_333 = arith.constant 96 : index
      %get3A_334 = tpu.vector_load %arg6[%get3A_331, %get3A_332, %get3A_333] {strides = array<i32>} : memref<4x128x128xf32, #tpu.memory_space<vmem>>, vector<1x1x16xf32>,
      %get3A_335 = vector.shape_cast %get3A_334 : vector<1x1x16xf32> to vector<16xf32>
      %add3A_336 = arith.addf %add3A_278, %get3A_335 : vector<16xf32>
      %get3A_337 = arith.constant 2 : i32
      %get3A_338 = arith.index_cast %get3A_337 : i32 to index
      %get3A_339 = arith.index_cast %scan3A_287 : i32 to index
      %get3A_340 = arith.constant 112 : index
      %get3A_341 = tpu.vector_load %arg6[%get3A_338, %get3A_339, %get3A_340] {strides = array<i32>} : memref<4x128x128xf32, #tpu.memory_space<vmem>>, vector<1x1x16xf32>,
      %get3A_342 = vector.shape_cast %get3A_341 : vector<1x1x16xf32> to vector<16xf32>
      %add3A_343 = arith.addf %add3A_285, %get3A_342 : vector<16xf32>
      %scan3A_344 = arith.constant 3 : i32
      %scan3A_345 = arith.addi %scan3A_164, %scan3A_344 : i32
      %get3A_346 = arith.constant 2 : i32
      %get3A_347 = arith.index_cast %get3A_346 : i32 to index
      %get3A_348 = arith.index_cast %scan3A_345 : i32 to index
      %get3A_349 = arith.constant 0 : index
      %get3A_350 = tpu.vector_load %arg6[%get3A_347, %get3A_348, %get3A_349] {strides = array<i32>} : memref<4x128x128xf32, #tpu.memory_space<vmem>>, vector<1x1x16xf32>,
      %get3A_351 = vector.shape_cast %get3A_350 : vector<1x1x16xf32> to vector<16xf32>
      %add3A_352 = arith.addf %add3A_294, %get3A_351 : vector<16xf32>
      %get3A_353 = arith.constant 2 : i32
      %get3A_354 = arith.index_cast %get3A_353 : i32 to index
      %get3A_355 = arith.index_cast %scan3A_345 : i32 to index
      %get3A_356 = arith.constant 16 : index
      %get3A_357 = tpu.vector_load %arg6[%get3A_354, %get3A_355, %get3A_356] {strides = array<i32>} : memref<4x128x128xf32, #tpu.memory_space<vmem>>, vector<1x1x16xf32>,
      %get3A_358 = vector.shape_cast %get3A_357 : vector<1x1x16xf32> to vector<16xf32>
      %add3A_359 = arith.addf %add3A_301, %get3A_358 : vector<16xf32>
      %get3A_360 = arith.constant 2 : i32
      %get3A_361 = arith.index_cast %get3A_360 : i32 to index
      %get3A_362 = arith.index_cast %scan3A_345 : i32 to index
      %get3A_363 = arith.constant 32 : index
      %get3A_364 = tpu.vector_load %arg6[%get3A_361, %get3A_362, %get3A_363] {strides = array<i32>} : memref<4x128x128xf32, #tpu.memory_space<vmem>>, vector<1x1x16xf32>,
      %get3A_365 = vector.shape_cast %get3A_364 : vector<1x1x16xf32> to vector<16xf32>
      %add3A_366 = arith.addf %add3A_308, %get3A_365 : vector<16xf32>
      %get3A_367 = arith.constant 2 : i32
      %get3A_368 = arith.index_cast %get3A_367 : i32 to index
      %get3A_369 = arith.index_cast %scan3A_345 : i32 to index
      %get3A_370 = arith.constant 48 : index
      %get3A_371 = tpu.vector_load %arg6[%get3A_368, %get3A_369, %get3A_370] {strides = array<i32>} : memref<4x128x128xf32, #tpu.memory_space<vmem>>, vector<1x1x16xf32>,
      %get3A_372 = vector.shape_cast %get3A_371 : vector<1x1x16xf32> to vector<16xf32>
      %add3A_373 = arith.addf %add3A_315, %get3A_372 : vector<16xf32>
      %get3A_374 = arith.constant 2 : i32
      %get3A_375 = arith.index_cast %get3A_374 : i32 to index
      %get3A_376 = arith.index_cast %scan3A_345 : i32 to index
      %get3A_377 = arith.constant 64 : index
      %get3A_378 = tpu.vector_load %arg6[%get3A_375, %get3A_376, %get3A_377] {strides = array<i32>} : memref<4x128x128xf32, #tpu.memory_space<vmem>>, vector<1x1x16xf32>,
      %get3A_379 = vector.shape_cast %get3A_378 : vector<1x1x16xf32> to vector<16xf32>
      %add3A_380 = arith.addf %add3A_322, %get3A_379 : vector<16xf32>
      %get3A_381 = arith.constant 2 : i32
      %get3A_382 = arith.index_cast %get3A_381 : i32 to index
      %get3A_383 = arith.index_cast %scan3A_345 : i32 to index
      %get3A_384 = arith.constant 80 : index
      %get3A_385 = tpu.vector_load %arg6[%get3A_382, %get3A_383, %get3A_384] {strides = array<i32>} : memref<4x128x128xf32, #tpu.memory_space<vmem>>, vector<1x1x16xf32>,
      %get3A_386 = vector.shape_cast %get3A_385 : vector<1x1x16xf32> to vector<16xf32>
      %add3A_387 = arith.addf %add3A_329, %get3A_386 : vector<16xf32>
      %get3A_388 = arith.constant 2 : i32
      %get3A_389 = arith.index_cast %get3A_388 : i32 to index
      %get3A_390 = arith.index_cast %scan3A_345 : i32 to index
      %get3A_391 = arith.constant 96 : index
      %get3A_392 = tpu.vector_load %arg6[%get3A_389, %get3A_390, %get3A_391] {strides = array<i32>} : memref<4x128x128xf32, #tpu.memory_space<vmem>>, vector<1x1x16xf32>,
      %get3A_393 = vector.shape_cast %get3A_392 : vector<1x1x16xf32> to vector<16xf32>
      %add3A_394 = arith.addf %add3A_336, %get3A_393 : vector<16xf32>
      %get3A_395 = arith.constant 2 : i32
      %get3A_396 = arith.index_cast %get3A_395 : i32 to index
      %get3A_397 = arith.index_cast %scan3A_345 : i32 to index
      %get3A_398 = arith.constant 112 : index
      %get3A_399 = tpu.vector_load %arg6[%get3A_396, %get3A_397, %get3A_398] {strides = array<i32>} : memref<4x128x128xf32, #tpu.memory_space<vmem>>, vector<1x1x16xf32>,
      %get3A_400 = vector.shape_cast %get3A_399 : vector<1x1x16xf32> to vector<16xf32>
      %add3A_401 = arith.addf %add3A_343, %get3A_400 : vector<16xf32>
      %scan3A_402 = arith.constant 4 : i32
      %scan3A_403 = arith.addi %scan3A_164, %scan3A_402 : i32
      %get3A_404 = arith.constant 2 : i32
      %get3A_405 = arith.index_cast %get3A_404 : i32 to index
      %get3A_406 = arith.index_cast %scan3A_403 : i32 to index
      %get3A_407 = arith.constant 0 : index
      %get3A_408 = tpu.vector_load %arg6[%get3A_405, %get3A_406, %get3A_407] {strides = array<i32>} : memref<4x128x128xf32, #tpu.memory_space<vmem>>, vector<1x1x16xf32>,
      %get3A_409 = vector.shape_cast %get3A_408 : vector<1x1x16xf32> to vector<16xf32>
      %add3A_410 = arith.addf %add3A_352, %get3A_409 : vector<16xf32>
      %get3A_411 = arith.constant 2 : i32
      %get3A_412 = arith.index_cast %get3A_411 : i32 to index
      %get3A_413 = arith.index_cast %scan3A_403 : i32 to index
      %get3A_414 = arith.constant 16 : index
      %get3A_415 = tpu.vector_load %arg6[%get3A_412, %get3A_413, %get3A_414] {strides = array<i32>} : memref<4x128x128xf32, #tpu.memory_space<vmem>>, vector<1x1x16xf32>,
      %get3A_416 = vector.shape_cast %get3A_415 : vector<1x1x16xf32> to vector<16xf32>
      %add3A_417 = arith.addf %add3A_359, %get3A_416 : vector<16xf32>
      %get3A_418 = arith.constant 2 : i32
      %get3A_419 = arith.index_cast %get3A_418 : i32 to index
      %get3A_420 = arith.index_cast %scan3A_403 : i32 to index
      %get3A_421 = arith.constant 32 : index
      %get3A_422 = tpu.vector_load %arg6[%get3A_419, %get3A_420, %get3A_421] {strides = array<i32>} : memref<4x128x128xf32, #tpu.memory_space<vmem>>, vector<1x1x16xf32>,
      %get3A_423 = vector.shape_cast %get3A_422 : vector<1x1x16xf32> to vector<16xf32>
      %add3A_424 = arith.addf %add3A_366, %get3A_423 : vector<16xf32>
      %get3A_425 = arith.constant 2 : i32
      %get3A_426 = arith.index_cast %get3A_425 : i32 to index
      %get3A_427 = arith.index_cast %scan3A_403 : i32 to index
      %get3A_428 = arith.constant 48 : index
      %get3A_429 = tpu.vector_load %arg6[%get3A_426, %get3A_427, %get3A_428] {strides = array<i32>} : memref<4x128x128xf32, #tpu.memory_space<vmem>>, vector<1x1x16xf32>,
      %get3A_430 = vector.shape_cast %get3A_429 : vector<1x1x16xf32> to vector<16xf32>
      %add3A_431 = arith.addf %add3A_373, %get3A_430 : vector<16xf32>
      %get3A_432 = arith.constant 2 : i32
      %get3A_433 = arith.index_cast %get3A_432 : i32 to index
      %get3A_434 = arith.index_cast %scan3A_403 : i32 to index
      %get3A_435 = arith.constant 64 : index
      %get3A_436 = tpu.vector_load %arg6[%get3A_433, %get3A_434, %get3A_435] {strides = array<i32>} : memref<4x128x128xf32, #tpu.memory_space<vmem>>, vector<1x1x16xf32>,
      %get3A_437 = vector.shape_cast %get3A_436 : vector<1x1x16xf32> to vector<16xf32>
      %add3A_438 = arith.addf %add3A_380, %get3A_437 : vector<16xf32>
      %get3A_439 = arith.constant 2 : i32
      %get3A_440 = arith.index_cast %get3A_439 : i32 to index
      %get3A_441 = arith.index_cast %scan3A_403 : i32 to index
      %get3A_442 = arith.constant 80 : index
      %get3A_443 = tpu.vector_load %arg6[%get3A_440, %get3A_441, %get3A_442] {strides = array<i32>} : memref<4x128x128xf32, #tpu.memory_space<vmem>>, vector<1x1x16xf32>,
      %get3A_444 = vector.shape_cast %get3A_443 : vector<1x1x16xf32> to vector<16xf32>
      %add3A_445 = arith.addf %add3A_387, %get3A_444 : vector<16xf32>
      %get3A_446 = arith.constant 2 : i32
      %get3A_447 = arith.index_cast %get3A_446 : i32 to index
      %get3A_448 = arith.index_cast %scan3A_403 : i32 to index
      %get3A_449 = arith.constant 96 : index
      %get3A_450 = tpu.vector_load %arg6[%get3A_447, %get3A_448, %get3A_449] {strides = array<i32>} : memref<4x128x128xf32, #tpu.memory_space<vmem>>, vector<1x1x16xf32>,
      %get3A_451 = vector.shape_cast %get3A_450 : vector<1x1x16xf32> to vector<16xf32>
      %add3A_452 = arith.addf %add3A_394, %get3A_451 : vector<16xf32>
      %get3A_453 = arith.constant 2 : i32
      %get3A_454 = arith.index_cast %get3A_453 : i32 to index
      %get3A_455 = arith.index_cast %scan3A_403 : i32 to index
      %get3A_456 = arith.constant 112 : index
      %get3A_457 = tpu.vector_load %arg6[%get3A_454, %get3A_455, %get3A_456] {strides = array<i32>} : memref<4x128x128xf32, #tpu.memory_space<vmem>>, vector<1x1x16xf32>,
      %get3A_458 = vector.shape_cast %get3A_457 : vector<1x1x16xf32> to vector<16xf32>
      %add3A_459 = arith.addf %add3A_401, %get3A_458 : vector<16xf32>
      %scan3A_460 = arith.constant 5 : i32
      %scan3A_461 = arith.addi %scan3A_164, %scan3A_460 : i32
      %get3A_462 = arith.constant 2 : i32
      %get3A_463 = arith.index_cast %get3A_462 : i32 to index
      %get3A_464 = arith.index_cast %scan3A_461 : i32 to index
      %get3A_465 = arith.constant 0 : index
      %get3A_466 = tpu.vector_load %arg6[%get3A_463, %get3A_464, %get3A_465] {strides = array<i32>} : memref<4x128x128xf32, #tpu.memory_space<vmem>>, vector<1x1x16xf32>,
      %get3A_467 = vector.shape_cast %get3A_466 : vector<1x1x16xf32> to vector<16xf32>
      %add3A_468 = arith.addf %add3A_410, %get3A_467 : vector<16xf32>
      %get3A_469 = arith.constant 2 : i32
      %get3A_470 = arith.index_cast %get3A_469 : i32 to index
      %get3A_471 = arith.index_cast %scan3A_461 : i32 to index
      %get3A_472 = arith.constant 16 : index
      %get3A_473 = tpu.vector_load %arg6[%get3A_470, %get3A_471, %get3A_472] {strides = array<i32>} : memref<4x128x128xf32, #tpu.memory_space<vmem>>, vector<1x1x16xf32>,
      %get3A_474 = vector.shape_cast %get3A_473 : vector<1x1x16xf32> to vector<16xf32>
      %add3A_475 = arith.addf %add3A_417, %get3A_474 : vector<16xf32>
      %get3A_476 = arith.constant 2 : i32
      %get3A_477 = arith.index_cast %get3A_476 : i32 to index
      %get3A_478 = arith.index_cast %scan3A_461 : i32 to index
      %get3A_479 = arith.constant 32 : index
      %get3A_480 = tpu.vector_load %arg6[%get3A_477, %get3A_478, %get3A_479] {strides = array<i32>} : memref<4x128x128xf32, #tpu.memory_space<vmem>>, vector<1x1x16xf32>,
      %get3A_481 = vector.shape_cast %get3A_480 : vector<1x1x16xf32> to vector<16xf32>
      %add3A_482 = arith.addf %add3A_424, %get3A_481 : vector<16xf32>
      %get3A_483 = arith.constant 2 : i32
      %get3A_484 = arith.index_cast %get3A_483 : i32 to index
      %get3A_485 = arith.index_cast %scan3A_461 : i32 to index
      %get3A_486 = arith.constant 48 : index
      %get3A_487 = tpu.vector_load %arg6[%get3A_484, %get3A_485, %get3A_486] {strides = array<i32>} : memref<4x128x128xf32, #tpu.memory_space<vmem>>, vector<1x1x16xf32>,
      %get3A_488 = vector.shape_cast %get3A_487 : vector<1x1x16xf32> to vector<16xf32>
      %add3A_489 = arith.addf %add3A_431, %get3A_488 : vector<16xf32>
      %get3A_490 = arith.constant 2 : i32
      %get3A_491 = arith.index_cast %get3A_490 : i32 to index
      %get3A_492 = arith.index_cast %scan3A_461 : i32 to index
      %get3A_493 = arith.constant 64 : index
      %get3A_494 = tpu.vector_load %arg6[%get3A_491, %get3A_492, %get3A_493] {strides = array<i32>} : memref<4x128x128xf32, #tpu.memory_space<vmem>>, vector<1x1x16xf32>,
      %get3A_495 = vector.shape_cast %get3A_494 : vector<1x1x16xf32> to vector<16xf32>
      %add3A_496 = arith.addf %add3A_438, %get3A_495 : vector<16xf32>
      %get3A_497 = arith.constant 2 : i32
      %get3A_498 = arith.index_cast %get3A_497 : i32 to index
      %get3A_499 = arith.index_cast %scan3A_461 : i32 to index
      %get3A_500 = arith.constant 80 : index
      %get3A_501 = tpu.vector_load %arg6[%get3A_498, %get3A_499, %get3A_500] {strides = array<i32>} : memref<4x128x128xf32, #tpu.memory_space<vmem>>, vector<1x1x16xf32>,
      %get3A_502 = vector.shape_cast %get3A_501 : vector<1x1x16xf32> to vector<16xf32>
      %add3A_503 = arith.addf %add3A_445, %get3A_502 : vector<16xf32>
      %get3A_504 = arith.constant 2 : i32
      %get3A_505 = arith.index_cast %get3A_504 : i32 to index
      %get3A_506 = arith.index_cast %scan3A_461 : i32 to index
      %get3A_507 = arith.constant 96 : index
      %get3A_508 = tpu.vector_load %arg6[%get3A_505, %get3A_506, %get3A_507] {strides = array<i32>} : memref<4x128x128xf32, #tpu.memory_space<vmem>>, vector<1x1x16xf32>,
      %get3A_509 = vector.shape_cast %get3A_508 : vector<1x1x16xf32> to vector<16xf32>
      %add3A_510 = arith.addf %add3A_452, %get3A_509 : vector<16xf32>
      %get3A_511 = arith.constant 2 : i32
      %get3A_512 = arith.index_cast %get3A_511 : i32 to index
      %get3A_513 = arith.index_cast %scan3A_461 : i32 to index
      %get3A_514 = arith.constant 112 : index
      %get3A_515 = tpu.vector_load %arg6[%get3A_512, %get3A_513, %get3A_514] {strides = array<i32>} : memref<4x128x128xf32, #tpu.memory_space<vmem>>, vector<1x1x16xf32>,
      %get3A_516 = vector.shape_cast %get3A_515 : vector<1x1x16xf32> to vector<16xf32>
      %add3A_517 = arith.addf %add3A_459, %get3A_516 : vector<16xf32>
      %scan3A_518 = arith.constant 6 : i32
      %scan3A_519 = arith.addi %scan3A_164, %scan3A_518 : i32
      %get3A_520 = arith.constant 2 : i32
      %get3A_521 = arith.index_cast %get3A_520 : i32 to index
      %get3A_522 = arith.index_cast %scan3A_519 : i32 to index
      %get3A_523 = arith.constant 0 : index
      %get3A_524 = tpu.vector_load %arg6[%get3A_521, %get3A_522, %get3A_523] {strides = array<i32>} : memref<4x128x128xf32, #tpu.memory_space<vmem>>, vector<1x1x16xf32>,
      %get3A_525 = vector.shape_cast %get3A_524 : vector<1x1x16xf32> to vector<16xf32>
      %add3A_526 = arith.addf %add3A_468, %get3A_525 : vector<16xf32>
      %get3A_527 = arith.constant 2 : i32
      %get3A_528 = arith.index_cast %get3A_527 : i32 to index
      %get3A_529 = arith.index_cast %scan3A_519 : i32 to index
      %get3A_530 = arith.constant 16 : index
      %get3A_531 = tpu.vector_load %arg6[%get3A_528, %get3A_529, %get3A_530] {strides = array<i32>} : memref<4x128x128xf32, #tpu.memory_space<vmem>>, vector<1x1x16xf32>,
      %get3A_532 = vector.shape_cast %get3A_531 : vector<1x1x16xf32> to vector<16xf32>
      %add3A_533 = arith.addf %add3A_475, %get3A_532 : vector<16xf32>
      %get3A_534 = arith.constant 2 : i32
      %get3A_535 = arith.index_cast %get3A_534 : i32 to index
      %get3A_536 = arith.index_cast %scan3A_519 : i32 to index
      %get3A_537 = arith.constant 32 : index
      %get3A_538 = tpu.vector_load %arg6[%get3A_535, %get3A_536, %get3A_537] {strides = array<i32>} : memref<4x128x128xf32, #tpu.memory_space<vmem>>, vector<1x1x16xf32>,
      %get3A_539 = vector.shape_cast %get3A_538 : vector<1x1x16xf32> to vector<16xf32>
      %add3A_540 = arith.addf %add3A_482, %get3A_539 : vector<16xf32>
      %get3A_541 = arith.constant 2 : i32
      %get3A_542 = arith.index_cast %get3A_541 : i32 to index
      %get3A_543 = arith.index_cast %scan3A_519 : i32 to index
      %get3A_544 = arith.constant 48 : index
      %get3A_545 = tpu.vector_load %arg6[%get3A_542, %get3A_543, %get3A_544] {strides = array<i32>} : memref<4x128x128xf32, #tpu.memory_space<vmem>>, vector<1x1x16xf32>,
      %get3A_546 = vector.shape_cast %get3A_545 : vector<1x1x16xf32> to vector<16xf32>
      %add3A_547 = arith.addf %add3A_489, %get3A_546 : vector<16xf32>
      %get3A_548 = arith.constant 2 : i32
      %get3A_549 = arith.index_cast %get3A_548 : i32 to index
      %get3A_550 = arith.index_cast %scan3A_519 : i32 to index
      %get3A_551 = arith.constant 64 : index
      %get3A_552 = tpu.vector_load %arg6[%get3A_549, %get3A_550, %get3A_551] {strides = array<i32>} : memref<4x128x128xf32, #tpu.memory_space<vmem>>, vector<1x1x16xf32>,
      %get3A_553 = vector.shape_cast %get3A_552 : vector<1x1x16xf32> to vector<16xf32>
      %add3A_554 = arith.addf %add3A_496, %get3A_553 : vector<16xf32>
      %get3A_555 = arith.constant 2 : i32
      %get3A_556 = arith.index_cast %get3A_555 : i32 to index
      %get3A_557 = arith.index_cast %scan3A_519 : i32 to index
      %get3A_558 = arith.constant 80 : index
      %get3A_559 = tpu.vector_load %arg6[%get3A_556, %get3A_557, %get3A_558] {strides = array<i32>} : memref<4x128x128xf32, #tpu.memory_space<vmem>>, vector<1x1x16xf32>,
      %get3A_560 = vector.shape_cast %get3A_559 : vector<1x1x16xf32> to vector<16xf32>
      %add3A_561 = arith.addf %add3A_503, %get3A_560 : vector<16xf32>
      %get3A_562 = arith.constant 2 : i32
      %get3A_563 = arith.index_cast %get3A_562 : i32 to index
      %get3A_564 = arith.index_cast %scan3A_519 : i32 to index
      %get3A_565 = arith.constant 96 : index
      %get3A_566 = tpu.vector_load %arg6[%get3A_563, %get3A_564, %get3A_565] {strides = array<i32>} : memref<4x128x128xf32, #tpu.memory_space<vmem>>, vector<1x1x16xf32>,
      %get3A_567 = vector.shape_cast %get3A_566 : vector<1x1x16xf32> to vector<16xf32>
      %add3A_568 = arith.addf %add3A_510, %get3A_567 : vector<16xf32>
      %get3A_569 = arith.constant 2 : i32
      %get3A_570 = arith.index_cast %get3A_569 : i32 to index
      %get3A_571 = arith.index_cast %scan3A_519 : i32 to index
      %get3A_572 = arith.constant 112 : index
      %get3A_573 = tpu.vector_load %arg6[%get3A_570, %get3A_571, %get3A_572] {strides = array<i32>} : memref<4x128x128xf32, #tpu.memory_space<vmem>>, vector<1x1x16xf32>,
      %get3A_574 = vector.shape_cast %get3A_573 : vector<1x1x16xf32> to vector<16xf32>
      %add3A_575 = arith.addf %add3A_517, %get3A_574 : vector<16xf32>
      %scan3A_576 = arith.constant 7 : i32
      %scan3A_577 = arith.addi %scan3A_164, %scan3A_576 : i32
      %get3A_578 = arith.constant 2 : i32
      %get3A_579 = arith.index_cast %get3A_578 : i32 to index
      %get3A_580 = arith.index_cast %scan3A_577 : i32 to index
      %get3A_581 = arith.constant 0 : index
      %get3A_582 = tpu.vector_load %arg6[%get3A_579, %get3A_580, %get3A_581] {strides = array<i32>} : memref<4x128x128xf32, #tpu.memory_space<vmem>>, vector<1x1x16xf32>,
      %get3A_583 = vector.shape_cast %get3A_582 : vector<1x1x16xf32> to vector<16xf32>
      %add3A_584 = arith.addf %add3A_526, %get3A_583 : vector<16xf32>
      %get3A_585 = arith.constant 2 : i32
      %get3A_586 = arith.index_cast %get3A_585 : i32 to index
      %get3A_587 = arith.index_cast %scan3A_577 : i32 to index
      %get3A_588 = arith.constant 16 : index
      %get3A_589 = tpu.vector_load %arg6[%get3A_586, %get3A_587, %get3A_588] {strides = array<i32>} : memref<4x128x128xf32, #tpu.memory_space<vmem>>, vector<1x1x16xf32>,
      %get3A_590 = vector.shape_cast %get3A_589 : vector<1x1x16xf32> to vector<16xf32>
      %add3A_591 = arith.addf %add3A_533, %get3A_590 : vector<16xf32>
      %get3A_592 = arith.constant 2 : i32
      %get3A_593 = arith.index_cast %get3A_592 : i32 to index
      %get3A_594 = arith.index_cast %scan3A_577 : i32 to index
      %get3A_595 = arith.constant 32 : index
      %get3A_596 = tpu.vector_load %arg6[%get3A_593, %get3A_594, %get3A_595] {strides = array<i32>} : memref<4x128x128xf32, #tpu.memory_space<vmem>>, vector<1x1x16xf32>,
      %get3A_597 = vector.shape_cast %get3A_596 : vector<1x1x16xf32> to vector<16xf32>
      %add3A_598 = arith.addf %add3A_540, %get3A_597 : vector<16xf32>
      %get3A_599 = arith.constant 2 : i32
      %get3A_600 = arith.index_cast %get3A_599 : i32 to index
      %get3A_601 = arith.index_cast %scan3A_577 : i32 to index
      %get3A_602 = arith.constant 48 : index
      %get3A_603 = tpu.vector_load %arg6[%get3A_600, %get3A_601, %get3A_602] {strides = array<i32>} : memref<4x128x128xf32, #tpu.memory_space<vmem>>, vector<1x1x16xf32>,
      %get3A_604 = vector.shape_cast %get3A_603 : vector<1x1x16xf32> to vector<16xf32>
      %add3A_605 = arith.addf %add3A_547, %get3A_604 : vector<16xf32>
      %get3A_606 = arith.constant 2 : i32
      %get3A_607 = arith.index_cast %get3A_606 : i32 to index
      %get3A_608 = arith.index_cast %scan3A_577 : i32 to index
      %get3A_609 = arith.constant 64 : index
      %get3A_610 = tpu.vector_load %arg6[%get3A_607, %get3A_608, %get3A_609] {strides = array<i32>} : memref<4x128x128xf32, #tpu.memory_space<vmem>>, vector<1x1x16xf32>,
      %get3A_611 = vector.shape_cast %get3A_610 : vector<1x1x16xf32> to vector<16xf32>
      %add3A_612 = arith.addf %add3A_554, %get3A_611 : vector<16xf32>
      %get3A_613 = arith.constant 2 : i32
      %get3A_614 = arith.index_cast %get3A_613 : i32 to index
      %get3A_615 = arith.index_cast %scan3A_577 : i32 to index
      %get3A_616 = arith.constant 80 : index
      %get3A_617 = tpu.vector_load %arg6[%get3A_614, %get3A_615, %get3A_616] {strides = array<i32>} : memref<4x128x128xf32, #tpu.memory_space<vmem>>, vector<1x1x16xf32>,
      %get3A_618 = vector.shape_cast %get3A_617 : vector<1x1x16xf32> to vector<16xf32>
      %add3A_619 = arith.addf %add3A_561, %get3A_618 : vector<16xf32>
      %get3A_620 = arith.constant 2 : i32
      %get3A_621 = arith.index_cast %get3A_620 : i32 to index
      %get3A_622 = arith.index_cast %scan3A_577 : i32 to index
      %get3A_623 = arith.constant 96 : index
      %get3A_624 = tpu.vector_load %arg6[%get3A_621, %get3A_622, %get3A_623] {strides = array<i32>} : memref<4x128x128xf32, #tpu.memory_space<vmem>>, vector<1x1x16xf32>,
      %get3A_625 = vector.shape_cast %get3A_624 : vector<1x1x16xf32> to vector<16xf32>
      %add3A_626 = arith.addf %add3A_568, %get3A_625 : vector<16xf32>
      %get3A_627 = arith.constant 2 : i32
      %get3A_628 = arith.index_cast %get3A_627 : i32 to index
      %get3A_629 = arith.index_cast %scan3A_577 : i32 to index
      %get3A_630 = arith.constant 112 : index
      %get3A_631 = tpu.vector_load %arg6[%get3A_628, %get3A_629, %get3A_630] {strides = array<i32>} : memref<4x128x128xf32, #tpu.memory_space<vmem>>, vector<1x1x16xf32>,
      %get3A_632 = vector.shape_cast %get3A_631 : vector<1x1x16xf32> to vector<16xf32>
      %add3A_633 = arith.addf %add3A_575, %get3A_632 : vector<16xf32>
      scf.yield %add3A_584, %add3A_591, %add3A_598, %add3A_605, %add3A_612, %add3A_619, %add3A_626, %add3A_633 : vector<16xf32>, vector<16xf32>, vector<16xf32>, vector<16xf32>, vector<16xf32>, vector<16xf32>, vector<16xf32>, vector<16xf32>
    }
    %scan3A_114 = arith.constant 128 : i32
    %dma_wait3A_115 = arith.constant 3 : i32
    %dma_wait3A_116 = arith.constant 3 : i32
    %dma_wait3A_117 = arith.constant 0 : i32
    %dma_wait3A_118 = arith.constant 0 : i32
    %dma_wait3A_119 = tpu.memref_slice %arg6[%dma_wait3A_116, %dma_wait3A_117, %dma_wait3A_118] : memref<4x128x128xf32, #tpu.memory_space<vmem>> -> memref<1x128x128xf32, #tpu.memory_space<vmem>>
    %dma_wait3A_120 = tpu.memref_squeeze %dma_wait3A_119 : memref<1x128x128xf32, #tpu.memory_space<vmem>> -> memref<128x128xf32, #tpu.memory_space<vmem>>
    %dma_wait3A_121 = arith.constant 0 : i32
    %dma_wait3A_122 = tpu.memref_slice %arg5[%dma_wait3A_115, %dma_wait3A_121] : memref<4x128xi32, #tpu.memory_space<vmem>> -> memref<1x128xi32, #tpu.memory_space<vmem>>
    %dma_wait3A_123 = tpu.memref_squeeze %dma_wait3A_122 : memref<1x128xi32, #tpu.memory_space<vmem>> -> memref<128xi32, #tpu.memory_space<vmem>>
    %dma_wait3A_124 = arith.constant 0 : i32
    %dma_wait3A_125 = arith.constant 0 : i32
    %dma_wait3A_126 = tpu.memref_slice %arg3[%dma_wait3A_124, %dma_wait3A_125] : memref<1000000x128xf32, #tpu.memory_space<hbm>> -> memref<1000000x128xf32, #tpu.memory_space<hbm>>
    tpu.wait_indirect_dma semaphore(%arg8 : memref<!tpu.dma_semaphore, #tpu.memory_space<semaphore_mem>>) src(%dma_wait3A_126 : memref<1000000x128xf32, #tpu.memory_space<hbm>>) dst(%dma_wait3A_120 : memref<128x128xf32, #tpu.memory_space<vmem>>)
    %scan3A_127 = arith.constant 0 : i32
    %scan3A_128 = arith.constant 128 : i32
    %scan3A_129 = arith.addi %scan3A_127, %scan3A_128 : i32
    %scan3A_130 = arith.constant 8 : i32
    %scan3A_131:8 = scf.for %scan3A_164 = %scan3A_127 to %scan3A_129 step %scan3A_130 iter_args(%scan3A_165 = %scan3A_113#0, %scan3A_166 = %scan3A_113#1, %scan3A_167 = %scan3A_113#2, %scan3A_168 = %scan3A_113#3, %scan3A_169 = %scan3A_113#4, %scan3A_170 = %scan3A_113#5, %scan3A_171 = %scan3A_113#6, %scan3A_172 = %scan3A_113#7) -> (vector<16xf32>, vector<16xf32>, vector<16xf32>, vector<16xf32>, vector<16xf32>, vector<16xf32>, vector<16xf32>, vector<16xf32>)  : i32 {
      %get3A = arith.constant 3 : i32
      %get3A_173 = arith.index_cast %get3A : i32 to index
      %get3A_174 = arith.index_cast %scan3A_164 : i32 to index
      %get3A_175 = arith.constant 0 : index
      %get3A_176 = tpu.vector_load %arg6[%get3A_173, %get3A_174, %get3A_175] {strides = array<i32>} : memref<4x128x128xf32, #tpu.memory_space<vmem>>, vector<1x1x16xf32>,
      %get3A_177 = vector.shape_cast %get3A_176 : vector<1x1x16xf32> to vector<16xf32>
      %add3A_178 = arith.addf %scan3A_165, %get3A_177 : vector<16xf32>
      %get3A_179 = arith.constant 3 : i32
      %get3A_180 = arith.index_cast %get3A_179 : i32 to index
      %get3A_181 = arith.index_cast %scan3A_164 : i32 to index
      %get3A_182 = arith.constant 16 : index
      %get3A_183 = tpu.vector_load %arg6[%get3A_180, %get3A_181, %get3A_182] {strides = array<i32>} : memref<4x128x128xf32, #tpu.memory_space<vmem>>, vector<1x1x16xf32>,
      %get3A_184 = vector.shape_cast %get3A_183 : vector<1x1x16xf32> to vector<16xf32>
      %add3A_185 = arith.addf %scan3A_166, %get3A_184 : vector<16xf32>
      %get3A_186 = arith.constant 3 : i32
      %get3A_187 = arith.index_cast %get3A_186 : i32 to index
      %get3A_188 = arith.index_cast %scan3A_164 : i32 to index
      %get3A_189 = arith.constant 32 : index
      %get3A_190 = tpu.vector_load %arg6[%get3A_187, %get3A_188, %get3A_189] {strides = array<i32>} : memref<4x128x128xf32, #tpu.memory_space<vmem>>, vector<1x1x16xf32>,
      %get3A_191 = vector.shape_cast %get3A_190 : vector<1x1x16xf32> to vector<16xf32>
      %add3A_192 = arith.addf %scan3A_167, %get3A_191 : vector<16xf32>
      %get3A_193 = arith.constant 3 : i32
      %get3A_194 = arith.index_cast %get3A_193 : i32 to index
      %get3A_195 = arith.index_cast %scan3A_164 : i32 to index
      %get3A_196 = arith.constant 48 : index
      %get3A_197 = tpu.vector_load %arg6[%get3A_194, %get3A_195, %get3A_196] {strides = array<i32>} : memref<4x128x128xf32, #tpu.memory_space<vmem>>, vector<1x1x16xf32>,
      %get3A_198 = vector.shape_cast %get3A_197 : vector<1x1x16xf32> to vector<16xf32>
      %add3A_199 = arith.addf %scan3A_168, %get3A_198 : vector<16xf32>
      %get3A_200 = arith.constant 3 : i32
      %get3A_201 = arith.index_cast %get3A_200 : i32 to index
      %get3A_202 = arith.index_cast %scan3A_164 : i32 to index
      %get3A_203 = arith.constant 64 : index
      %get3A_204 = tpu.vector_load %arg6[%get3A_201, %get3A_202, %get3A_203] {strides = array<i32>} : memref<4x128x128xf32, #tpu.memory_space<vmem>>, vector<1x1x16xf32>,
      %get3A_205 = vector.shape_cast %get3A_204 : vector<1x1x16xf32> to vector<16xf32>
      %add3A_206 = arith.addf %scan3A_169, %get3A_205 : vector<16xf32>
      %get3A_207 = arith.constant 3 : i32
      %get3A_208 = arith.index_cast %get3A_207 : i32 to index
      %get3A_209 = arith.index_cast %scan3A_164 : i32 to index
      %get3A_210 = arith.constant 80 : index
      %get3A_211 = tpu.vector_load %arg6[%get3A_208, %get3A_209, %get3A_210] {strides = array<i32>} : memref<4x128x128xf32, #tpu.memory_space<vmem>>, vector<1x1x16xf32>,
      %get3A_212 = vector.shape_cast %get3A_211 : vector<1x1x16xf32> to vector<16xf32>
      %add3A_213 = arith.addf %scan3A_170, %get3A_212 : vector<16xf32>
      %get3A_214 = arith.constant 3 : i32
      %get3A_215 = arith.index_cast %get3A_214 : i32 to index
      %get3A_216 = arith.index_cast %scan3A_164 : i32 to index
      %get3A_217 = arith.constant 96 : index
      %get3A_218 = tpu.vector_load %arg6[%get3A_215, %get3A_216, %get3A_217] {strides = array<i32>} : memref<4x128x128xf32, #tpu.memory_space<vmem>>, vector<1x1x16xf32>,
      %get3A_219 = vector.shape_cast %get3A_218 : vector<1x1x16xf32> to vector<16xf32>
      %add3A_220 = arith.addf %scan3A_171, %get3A_219 : vector<16xf32>
      %get3A_221 = arith.constant 3 : i32
      %get3A_222 = arith.index_cast %get3A_221 : i32 to index
      %get3A_223 = arith.index_cast %scan3A_164 : i32 to index
      %get3A_224 = arith.constant 112 : index
      %get3A_225 = tpu.vector_load %arg6[%get3A_222, %get3A_223, %get3A_224] {strides = array<i32>} : memref<4x128x128xf32, #tpu.memory_space<vmem>>, vector<1x1x16xf32>,
      %get3A_226 = vector.shape_cast %get3A_225 : vector<1x1x16xf32> to vector<16xf32>
      %add3A_227 = arith.addf %scan3A_172, %get3A_226 : vector<16xf32>
      %scan3A_228 = arith.constant 1 : i32
      %scan3A_229 = arith.addi %scan3A_164, %scan3A_228 : i32
      %get3A_230 = arith.constant 3 : i32
      %get3A_231 = arith.index_cast %get3A_230 : i32 to index
      %get3A_232 = arith.index_cast %scan3A_229 : i32 to index
      %get3A_233 = arith.constant 0 : index
      %get3A_234 = tpu.vector_load %arg6[%get3A_231, %get3A_232, %get3A_233] {strides = array<i32>} : memref<4x128x128xf32, #tpu.memory_space<vmem>>, vector<1x1x16xf32>,
      %get3A_235 = vector.shape_cast %get3A_234 : vector<1x1x16xf32> to vector<16xf32>
      %add3A_236 = arith.addf %add3A_178, %get3A_235 : vector<16xf32>
      %get3A_237 = arith.constant 3 : i32
      %get3A_238 = arith.index_cast %get3A_237 : i32 to index
      %get3A_239 = arith.index_cast %scan3A_229 : i32 to index
      %get3A_240 = arith.constant 16 : index
      %get3A_241 = tpu.vector_load %arg6[%get3A_238, %get3A_239, %get3A_240] {strides = array<i32>} : memref<4x128x128xf32, #tpu.memory_space<vmem>>, vector<1x1x16xf32>,
      %get3A_242 = vector.shape_cast %get3A_241 : vector<1x1x16xf32> to vector<16xf32>
      %add3A_243 = arith.addf %add3A_185, %get3A_242 : vector<16xf32>
      %get3A_244 = arith.constant 3 : i32
      %get3A_245 = arith.index_cast %get3A_244 : i32 to index
      %get3A_246 = arith.index_cast %scan3A_229 : i32 to index
      %get3A_247 = arith.constant 32 : index
      %get3A_248 = tpu.vector_load %arg6[%get3A_245, %get3A_246, %get3A_247] {strides = array<i32>} : memref<4x128x128xf32, #tpu.memory_space<vmem>>, vector<1x1x16xf32>,
      %get3A_249 = vector.shape_cast %get3A_248 : vector<1x1x16xf32> to vector<16xf32>
      %add3A_250 = arith.addf %add3A_192, %get3A_249 : vector<16xf32>
      %get3A_251 = arith.constant 3 : i32
      %get3A_252 = arith.index_cast %get3A_251 : i32 to index
      %get3A_253 = arith.index_cast %scan3A_229 : i32 to index
      %get3A_254 = arith.constant 48 : index
      %get3A_255 = tpu.vector_load %arg6[%get3A_252, %get3A_253, %get3A_254] {strides = array<i32>} : memref<4x128x128xf32, #tpu.memory_space<vmem>>, vector<1x1x16xf32>,
      %get3A_256 = vector.shape_cast %get3A_255 : vector<1x1x16xf32> to vector<16xf32>
      %add3A_257 = arith.addf %add3A_199, %get3A_256 : vector<16xf32>
      %get3A_258 = arith.constant 3 : i32
      %get3A_259 = arith.index_cast %get3A_258 : i32 to index
      %get3A_260 = arith.index_cast %scan3A_229 : i32 to index
      %get3A_261 = arith.constant 64 : index
      %get3A_262 = tpu.vector_load %arg6[%get3A_259, %get3A_260, %get3A_261] {strides = array<i32>} : memref<4x128x128xf32, #tpu.memory_space<vmem>>, vector<1x1x16xf32>,
      %get3A_263 = vector.shape_cast %get3A_262 : vector<1x1x16xf32> to vector<16xf32>
      %add3A_264 = arith.addf %add3A_206, %get3A_263 : vector<16xf32>
      %get3A_265 = arith.constant 3 : i32
      %get3A_266 = arith.index_cast %get3A_265 : i32 to index
      %get3A_267 = arith.index_cast %scan3A_229 : i32 to index
      %get3A_268 = arith.constant 80 : index
      %get3A_269 = tpu.vector_load %arg6[%get3A_266, %get3A_267, %get3A_268] {strides = array<i32>} : memref<4x128x128xf32, #tpu.memory_space<vmem>>, vector<1x1x16xf32>,
      %get3A_270 = vector.shape_cast %get3A_269 : vector<1x1x16xf32> to vector<16xf32>
      %add3A_271 = arith.addf %add3A_213, %get3A_270 : vector<16xf32>
      %get3A_272 = arith.constant 3 : i32
      %get3A_273 = arith.index_cast %get3A_272 : i32 to index
      %get3A_274 = arith.index_cast %scan3A_229 : i32 to index
      %get3A_275 = arith.constant 96 : index
      %get3A_276 = tpu.vector_load %arg6[%get3A_273, %get3A_274, %get3A_275] {strides = array<i32>} : memref<4x128x128xf32, #tpu.memory_space<vmem>>, vector<1x1x16xf32>,
      %get3A_277 = vector.shape_cast %get3A_276 : vector<1x1x16xf32> to vector<16xf32>
      %add3A_278 = arith.addf %add3A_220, %get3A_277 : vector<16xf32>
      %get3A_279 = arith.constant 3 : i32
      %get3A_280 = arith.index_cast %get3A_279 : i32 to index
      %get3A_281 = arith.index_cast %scan3A_229 : i32 to index
      %get3A_282 = arith.constant 112 : index
      %get3A_283 = tpu.vector_load %arg6[%get3A_280, %get3A_281, %get3A_282] {strides = array<i32>} : memref<4x128x128xf32, #tpu.memory_space<vmem>>, vector<1x1x16xf32>,
      %get3A_284 = vector.shape_cast %get3A_283 : vector<1x1x16xf32> to vector<16xf32>
      %add3A_285 = arith.addf %add3A_227, %get3A_284 : vector<16xf32>
      %scan3A_286 = arith.constant 2 : i32
      %scan3A_287 = arith.addi %scan3A_164, %scan3A_286 : i32
      %get3A_288 = arith.constant 3 : i32
      %get3A_289 = arith.index_cast %get3A_288 : i32 to index
      %get3A_290 = arith.index_cast %scan3A_287 : i32 to index
      %get3A_291 = arith.constant 0 : index
      %get3A_292 = tpu.vector_load %arg6[%get3A_289, %get3A_290, %get3A_291] {strides = array<i32>} : memref<4x128x128xf32, #tpu.memory_space<vmem>>, vector<1x1x16xf32>,
      %get3A_293 = vector.shape_cast %get3A_292 : vector<1x1x16xf32> to vector<16xf32>
      %add3A_294 = arith.addf %add3A_236, %get3A_293 : vector<16xf32>
      %get3A_295 = arith.constant 3 : i32
      %get3A_296 = arith.index_cast %get3A_295 : i32 to index
      %get3A_297 = arith.index_cast %scan3A_287 : i32 to index
      %get3A_298 = arith.constant 16 : index
      %get3A_299 = tpu.vector_load %arg6[%get3A_296, %get3A_297, %get3A_298] {strides = array<i32>} : memref<4x128x128xf32, #tpu.memory_space<vmem>>, vector<1x1x16xf32>,
      %get3A_300 = vector.shape_cast %get3A_299 : vector<1x1x16xf32> to vector<16xf32>
      %add3A_301 = arith.addf %add3A_243, %get3A_300 : vector<16xf32>
      %get3A_302 = arith.constant 3 : i32
      %get3A_303 = arith.index_cast %get3A_302 : i32 to index
      %get3A_304 = arith.index_cast %scan3A_287 : i32 to index
      %get3A_305 = arith.constant 32 : index
      %get3A_306 = tpu.vector_load %arg6[%get3A_303, %get3A_304, %get3A_305] {strides = array<i32>} : memref<4x128x128xf32, #tpu.memory_space<vmem>>, vector<1x1x16xf32>,
      %get3A_307 = vector.shape_cast %get3A_306 : vector<1x1x16xf32> to vector<16xf32>
      %add3A_308 = arith.addf %add3A_250, %get3A_307 : vector<16xf32>
      %get3A_309 = arith.constant 3 : i32
      %get3A_310 = arith.index_cast %get3A_309 : i32 to index
      %get3A_311 = arith.index_cast %scan3A_287 : i32 to index
      %get3A_312 = arith.constant 48 : index
      %get3A_313 = tpu.vector_load %arg6[%get3A_310, %get3A_311, %get3A_312] {strides = array<i32>} : memref<4x128x128xf32, #tpu.memory_space<vmem>>, vector<1x1x16xf32>,
      %get3A_314 = vector.shape_cast %get3A_313 : vector<1x1x16xf32> to vector<16xf32>
      %add3A_315 = arith.addf %add3A_257, %get3A_314 : vector<16xf32>
      %get3A_316 = arith.constant 3 : i32
      %get3A_317 = arith.index_cast %get3A_316 : i32 to index
      %get3A_318 = arith.index_cast %scan3A_287 : i32 to index
      %get3A_319 = arith.constant 64 : index
      %get3A_320 = tpu.vector_load %arg6[%get3A_317, %get3A_318, %get3A_319] {strides = array<i32>} : memref<4x128x128xf32, #tpu.memory_space<vmem>>, vector<1x1x16xf32>,
      %get3A_321 = vector.shape_cast %get3A_320 : vector<1x1x16xf32> to vector<16xf32>
      %add3A_322 = arith.addf %add3A_264, %get3A_321 : vector<16xf32>
      %get3A_323 = arith.constant 3 : i32
      %get3A_324 = arith.index_cast %get3A_323 : i32 to index
      %get3A_325 = arith.index_cast %scan3A_287 : i32 to index
      %get3A_326 = arith.constant 80 : index
      %get3A_327 = tpu.vector_load %arg6[%get3A_324, %get3A_325, %get3A_326] {strides = array<i32>} : memref<4x128x128xf32, #tpu.memory_space<vmem>>, vector<1x1x16xf32>,
      %get3A_328 = vector.shape_cast %get3A_327 : vector<1x1x16xf32> to vector<16xf32>
      %add3A_329 = arith.addf %add3A_271, %get3A_328 : vector<16xf32>
      %get3A_330 = arith.constant 3 : i32
      %get3A_331 = arith.index_cast %get3A_330 : i32 to index
      %get3A_332 = arith.index_cast %scan3A_287 : i32 to index
      %get3A_333 = arith.constant 96 : index
      %get3A_334 = tpu.vector_load %arg6[%get3A_331, %get3A_332, %get3A_333] {strides = array<i32>} : memref<4x128x128xf32, #tpu.memory_space<vmem>>, vector<1x1x16xf32>,
      %get3A_335 = vector.shape_cast %get3A_334 : vector<1x1x16xf32> to vector<16xf32>
      %add3A_336 = arith.addf %add3A_278, %get3A_335 : vector<16xf32>
      %get3A_337 = arith.constant 3 : i32
      %get3A_338 = arith.index_cast %get3A_337 : i32 to index
      %get3A_339 = arith.index_cast %scan3A_287 : i32 to index
      %get3A_340 = arith.constant 112 : index
      %get3A_341 = tpu.vector_load %arg6[%get3A_338, %get3A_339, %get3A_340] {strides = array<i32>} : memref<4x128x128xf32, #tpu.memory_space<vmem>>, vector<1x1x16xf32>,
      %get3A_342 = vector.shape_cast %get3A_341 : vector<1x1x16xf32> to vector<16xf32>
      %add3A_343 = arith.addf %add3A_285, %get3A_342 : vector<16xf32>
      %scan3A_344 = arith.constant 3 : i32
      %scan3A_345 = arith.addi %scan3A_164, %scan3A_344 : i32
      %get3A_346 = arith.constant 3 : i32
      %get3A_347 = arith.index_cast %get3A_346 : i32 to index
      %get3A_348 = arith.index_cast %scan3A_345 : i32 to index
      %get3A_349 = arith.constant 0 : index
      %get3A_350 = tpu.vector_load %arg6[%get3A_347, %get3A_348, %get3A_349] {strides = array<i32>} : memref<4x128x128xf32, #tpu.memory_space<vmem>>, vector<1x1x16xf32>,
      %get3A_351 = vector.shape_cast %get3A_350 : vector<1x1x16xf32> to vector<16xf32>
      %add3A_352 = arith.addf %add3A_294, %get3A_351 : vector<16xf32>
      %get3A_353 = arith.constant 3 : i32
      %get3A_354 = arith.index_cast %get3A_353 : i32 to index
      %get3A_355 = arith.index_cast %scan3A_345 : i32 to index
      %get3A_356 = arith.constant 16 : index
      %get3A_357 = tpu.vector_load %arg6[%get3A_354, %get3A_355, %get3A_356] {strides = array<i32>} : memref<4x128x128xf32, #tpu.memory_space<vmem>>, vector<1x1x16xf32>,
      %get3A_358 = vector.shape_cast %get3A_357 : vector<1x1x16xf32> to vector<16xf32>
      %add3A_359 = arith.addf %add3A_301, %get3A_358 : vector<16xf32>
      %get3A_360 = arith.constant 3 : i32
      %get3A_361 = arith.index_cast %get3A_360 : i32 to index
      %get3A_362 = arith.index_cast %scan3A_345 : i32 to index
      %get3A_363 = arith.constant 32 : index
      %get3A_364 = tpu.vector_load %arg6[%get3A_361, %get3A_362, %get3A_363] {strides = array<i32>} : memref<4x128x128xf32, #tpu.memory_space<vmem>>, vector<1x1x16xf32>,
      %get3A_365 = vector.shape_cast %get3A_364 : vector<1x1x16xf32> to vector<16xf32>
      %add3A_366 = arith.addf %add3A_308, %get3A_365 : vector<16xf32>
      %get3A_367 = arith.constant 3 : i32
      %get3A_368 = arith.index_cast %get3A_367 : i32 to index
      %get3A_369 = arith.index_cast %scan3A_345 : i32 to index
      %get3A_370 = arith.constant 48 : index
      %get3A_371 = tpu.vector_load %arg6[%get3A_368, %get3A_369, %get3A_370] {strides = array<i32>} : memref<4x128x128xf32, #tpu.memory_space<vmem>>, vector<1x1x16xf32>,
      %get3A_372 = vector.shape_cast %get3A_371 : vector<1x1x16xf32> to vector<16xf32>
      %add3A_373 = arith.addf %add3A_315, %get3A_372 : vector<16xf32>
      %get3A_374 = arith.constant 3 : i32
      %get3A_375 = arith.index_cast %get3A_374 : i32 to index
      %get3A_376 = arith.index_cast %scan3A_345 : i32 to index
      %get3A_377 = arith.constant 64 : index
      %get3A_378 = tpu.vector_load %arg6[%get3A_375, %get3A_376, %get3A_377] {strides = array<i32>} : memref<4x128x128xf32, #tpu.memory_space<vmem>>, vector<1x1x16xf32>,
      %get3A_379 = vector.shape_cast %get3A_378 : vector<1x1x16xf32> to vector<16xf32>
      %add3A_380 = arith.addf %add3A_322, %get3A_379 : vector<16xf32>
      %get3A_381 = arith.constant 3 : i32
      %get3A_382 = arith.index_cast %get3A_381 : i32 to index
      %get3A_383 = arith.index_cast %scan3A_345 : i32 to index
      %get3A_384 = arith.constant 80 : index
      %get3A_385 = tpu.vector_load %arg6[%get3A_382, %get3A_383, %get3A_384] {strides = array<i32>} : memref<4x128x128xf32, #tpu.memory_space<vmem>>, vector<1x1x16xf32>,
      %get3A_386 = vector.shape_cast %get3A_385 : vector<1x1x16xf32> to vector<16xf32>
      %add3A_387 = arith.addf %add3A_329, %get3A_386 : vector<16xf32>
      %get3A_388 = arith.constant 3 : i32
      %get3A_389 = arith.index_cast %get3A_388 : i32 to index
      %get3A_390 = arith.index_cast %scan3A_345 : i32 to index
      %get3A_391 = arith.constant 96 : index
      %get3A_392 = tpu.vector_load %arg6[%get3A_389, %get3A_390, %get3A_391] {strides = array<i32>} : memref<4x128x128xf32, #tpu.memory_space<vmem>>, vector<1x1x16xf32>,
      %get3A_393 = vector.shape_cast %get3A_392 : vector<1x1x16xf32> to vector<16xf32>
      %add3A_394 = arith.addf %add3A_336, %get3A_393 : vector<16xf32>
      %get3A_395 = arith.constant 3 : i32
      %get3A_396 = arith.index_cast %get3A_395 : i32 to index
      %get3A_397 = arith.index_cast %scan3A_345 : i32 to index
      %get3A_398 = arith.constant 112 : index
      %get3A_399 = tpu.vector_load %arg6[%get3A_396, %get3A_397, %get3A_398] {strides = array<i32>} : memref<4x128x128xf32, #tpu.memory_space<vmem>>, vector<1x1x16xf32>,
      %get3A_400 = vector.shape_cast %get3A_399 : vector<1x1x16xf32> to vector<16xf32>
      %add3A_401 = arith.addf %add3A_343, %get3A_400 : vector<16xf32>
      %scan3A_402 = arith.constant 4 : i32
      %scan3A_403 = arith.addi %scan3A_164, %scan3A_402 : i32
      %get3A_404 = arith.constant 3 : i32
      %get3A_405 = arith.index_cast %get3A_404 : i32 to index
      %get3A_406 = arith.index_cast %scan3A_403 : i32 to index
      %get3A_407 = arith.constant 0 : index
      %get3A_408 = tpu.vector_load %arg6[%get3A_405, %get3A_406, %get3A_407] {strides = array<i32>} : memref<4x128x128xf32, #tpu.memory_space<vmem>>, vector<1x1x16xf32>,
      %get3A_409 = vector.shape_cast %get3A_408 : vector<1x1x16xf32> to vector<16xf32>
      %add3A_410 = arith.addf %add3A_352, %get3A_409 : vector<16xf32>
      %get3A_411 = arith.constant 3 : i32
      %get3A_412 = arith.index_cast %get3A_411 : i32 to index
      %get3A_413 = arith.index_cast %scan3A_403 : i32 to index
      %get3A_414 = arith.constant 16 : index
      %get3A_415 = tpu.vector_load %arg6[%get3A_412, %get3A_413, %get3A_414] {strides = array<i32>} : memref<4x128x128xf32, #tpu.memory_space<vmem>>, vector<1x1x16xf32>,
      %get3A_416 = vector.shape_cast %get3A_415 : vector<1x1x16xf32> to vector<16xf32>
      %add3A_417 = arith.addf %add3A_359, %get3A_416 : vector<16xf32>
      %get3A_418 = arith.constant 3 : i32
      %get3A_419 = arith.index_cast %get3A_418 : i32 to index
      %get3A_420 = arith.index_cast %scan3A_403 : i32 to index
      %get3A_421 = arith.constant 32 : index
      %get3A_422 = tpu.vector_load %arg6[%get3A_419, %get3A_420, %get3A_421] {strides = array<i32>} : memref<4x128x128xf32, #tpu.memory_space<vmem>>, vector<1x1x16xf32>,
      %get3A_423 = vector.shape_cast %get3A_422 : vector<1x1x16xf32> to vector<16xf32>
      %add3A_424 = arith.addf %add3A_366, %get3A_423 : vector<16xf32>
      %get3A_425 = arith.constant 3 : i32
      %get3A_426 = arith.index_cast %get3A_425 : i32 to index
      %get3A_427 = arith.index_cast %scan3A_403 : i32 to index
      %get3A_428 = arith.constant 48 : index
      %get3A_429 = tpu.vector_load %arg6[%get3A_426, %get3A_427, %get3A_428] {strides = array<i32>} : memref<4x128x128xf32, #tpu.memory_space<vmem>>, vector<1x1x16xf32>,
      %get3A_430 = vector.shape_cast %get3A_429 : vector<1x1x16xf32> to vector<16xf32>
      %add3A_431 = arith.addf %add3A_373, %get3A_430 : vector<16xf32>
      %get3A_432 = arith.constant 3 : i32
      %get3A_433 = arith.index_cast %get3A_432 : i32 to index
      %get3A_434 = arith.index_cast %scan3A_403 : i32 to index
      %get3A_435 = arith.constant 64 : index
      %get3A_436 = tpu.vector_load %arg6[%get3A_433, %get3A_434, %get3A_435] {strides = array<i32>} : memref<4x128x128xf32, #tpu.memory_space<vmem>>, vector<1x1x16xf32>,
      %get3A_437 = vector.shape_cast %get3A_436 : vector<1x1x16xf32> to vector<16xf32>
      %add3A_438 = arith.addf %add3A_380, %get3A_437 : vector<16xf32>
      %get3A_439 = arith.constant 3 : i32
      %get3A_440 = arith.index_cast %get3A_439 : i32 to index
      %get3A_441 = arith.index_cast %scan3A_403 : i32 to index
      %get3A_442 = arith.constant 80 : index
      %get3A_443 = tpu.vector_load %arg6[%get3A_440, %get3A_441, %get3A_442] {strides = array<i32>} : memref<4x128x128xf32, #tpu.memory_space<vmem>>, vector<1x1x16xf32>,
      %get3A_444 = vector.shape_cast %get3A_443 : vector<1x1x16xf32> to vector<16xf32>
      %add3A_445 = arith.addf %add3A_387, %get3A_444 : vector<16xf32>
      %get3A_446 = arith.constant 3 : i32
      %get3A_447 = arith.index_cast %get3A_446 : i32 to index
      %get3A_448 = arith.index_cast %scan3A_403 : i32 to index
      %get3A_449 = arith.constant 96 : index
      %get3A_450 = tpu.vector_load %arg6[%get3A_447, %get3A_448, %get3A_449] {strides = array<i32>} : memref<4x128x128xf32, #tpu.memory_space<vmem>>, vector<1x1x16xf32>,
      %get3A_451 = vector.shape_cast %get3A_450 : vector<1x1x16xf32> to vector<16xf32>
      %add3A_452 = arith.addf %add3A_394, %get3A_451 : vector<16xf32>
      %get3A_453 = arith.constant 3 : i32
      %get3A_454 = arith.index_cast %get3A_453 : i32 to index
      %get3A_455 = arith.index_cast %scan3A_403 : i32 to index
      %get3A_456 = arith.constant 112 : index
      %get3A_457 = tpu.vector_load %arg6[%get3A_454, %get3A_455, %get3A_456] {strides = array<i32>} : memref<4x128x128xf32, #tpu.memory_space<vmem>>, vector<1x1x16xf32>,
      %get3A_458 = vector.shape_cast %get3A_457 : vector<1x1x16xf32> to vector<16xf32>
      %add3A_459 = arith.addf %add3A_401, %get3A_458 : vector<16xf32>
      %scan3A_460 = arith.constant 5 : i32
      %scan3A_461 = arith.addi %scan3A_164, %scan3A_460 : i32
      %get3A_462 = arith.constant 3 : i32
      %get3A_463 = arith.index_cast %get3A_462 : i32 to index
      %get3A_464 = arith.index_cast %scan3A_461 : i32 to index
      %get3A_465 = arith.constant 0 : index
      %get3A_466 = tpu.vector_load %arg6[%get3A_463, %get3A_464, %get3A_465] {strides = array<i32>} : memref<4x128x128xf32, #tpu.memory_space<vmem>>, vector<1x1x16xf32>,
      %get3A_467 = vector.shape_cast %get3A_466 : vector<1x1x16xf32> to vector<16xf32>
      %add3A_468 = arith.addf %add3A_410, %get3A_467 : vector<16xf32>
      %get3A_469 = arith.constant 3 : i32
      %get3A_470 = arith.index_cast %get3A_469 : i32 to index
      %get3A_471 = arith.index_cast %scan3A_461 : i32 to index
      %get3A_472 = arith.constant 16 : index
      %get3A_473 = tpu.vector_load %arg6[%get3A_470, %get3A_471, %get3A_472] {strides = array<i32>} : memref<4x128x128xf32, #tpu.memory_space<vmem>>, vector<1x1x16xf32>,
      %get3A_474 = vector.shape_cast %get3A_473 : vector<1x1x16xf32> to vector<16xf32>
      %add3A_475 = arith.addf %add3A_417, %get3A_474 : vector<16xf32>
      %get3A_476 = arith.constant 3 : i32
      %get3A_477 = arith.index_cast %get3A_476 : i32 to index
      %get3A_478 = arith.index_cast %scan3A_461 : i32 to index
      %get3A_479 = arith.constant 32 : index
      %get3A_480 = tpu.vector_load %arg6[%get3A_477, %get3A_478, %get3A_479] {strides = array<i32>} : memref<4x128x128xf32, #tpu.memory_space<vmem>>, vector<1x1x16xf32>,
      %get3A_481 = vector.shape_cast %get3A_480 : vector<1x1x16xf32> to vector<16xf32>
      %add3A_482 = arith.addf %add3A_424, %get3A_481 : vector<16xf32>
      %get3A_483 = arith.constant 3 : i32
      %get3A_484 = arith.index_cast %get3A_483 : i32 to index
      %get3A_485 = arith.index_cast %scan3A_461 : i32 to index
      %get3A_486 = arith.constant 48 : index
      %get3A_487 = tpu.vector_load %arg6[%get3A_484, %get3A_485, %get3A_486] {strides = array<i32>} : memref<4x128x128xf32, #tpu.memory_space<vmem>>, vector<1x1x16xf32>,
      %get3A_488 = vector.shape_cast %get3A_487 : vector<1x1x16xf32> to vector<16xf32>
      %add3A_489 = arith.addf %add3A_431, %get3A_488 : vector<16xf32>
      %get3A_490 = arith.constant 3 : i32
      %get3A_491 = arith.index_cast %get3A_490 : i32 to index
      %get3A_492 = arith.index_cast %scan3A_461 : i32 to index
      %get3A_493 = arith.constant 64 : index
      %get3A_494 = tpu.vector_load %arg6[%get3A_491, %get3A_492, %get3A_493] {strides = array<i32>} : memref<4x128x128xf32, #tpu.memory_space<vmem>>, vector<1x1x16xf32>,
      %get3A_495 = vector.shape_cast %get3A_494 : vector<1x1x16xf32> to vector<16xf32>
      %add3A_496 = arith.addf %add3A_438, %get3A_495 : vector<16xf32>
      %get3A_497 = arith.constant 3 : i32
      %get3A_498 = arith.index_cast %get3A_497 : i32 to index
      %get3A_499 = arith.index_cast %scan3A_461 : i32 to index
      %get3A_500 = arith.constant 80 : index
      %get3A_501 = tpu.vector_load %arg6[%get3A_498, %get3A_499, %get3A_500] {strides = array<i32>} : memref<4x128x128xf32, #tpu.memory_space<vmem>>, vector<1x1x16xf32>,
      %get3A_502 = vector.shape_cast %get3A_501 : vector<1x1x16xf32> to vector<16xf32>
      %add3A_503 = arith.addf %add3A_445, %get3A_502 : vector<16xf32>
      %get3A_504 = arith.constant 3 : i32
      %get3A_505 = arith.index_cast %get3A_504 : i32 to index
      %get3A_506 = arith.index_cast %scan3A_461 : i32 to index
      %get3A_507 = arith.constant 96 : index
      %get3A_508 = tpu.vector_load %arg6[%get3A_505, %get3A_506, %get3A_507] {strides = array<i32>} : memref<4x128x128xf32, #tpu.memory_space<vmem>>, vector<1x1x16xf32>,
      %get3A_509 = vector.shape_cast %get3A_508 : vector<1x1x16xf32> to vector<16xf32>
      %add3A_510 = arith.addf %add3A_452, %get3A_509 : vector<16xf32>
      %get3A_511 = arith.constant 3 : i32
      %get3A_512 = arith.index_cast %get3A_511 : i32 to index
      %get3A_513 = arith.index_cast %scan3A_461 : i32 to index
      %get3A_514 = arith.constant 112 : index
      %get3A_515 = tpu.vector_load %arg6[%get3A_512, %get3A_513, %get3A_514] {strides = array<i32>} : memref<4x128x128xf32, #tpu.memory_space<vmem>>, vector<1x1x16xf32>,
      %get3A_516 = vector.shape_cast %get3A_515 : vector<1x1x16xf32> to vector<16xf32>
      %add3A_517 = arith.addf %add3A_459, %get3A_516 : vector<16xf32>
      %scan3A_518 = arith.constant 6 : i32
      %scan3A_519 = arith.addi %scan3A_164, %scan3A_518 : i32
      %get3A_520 = arith.constant 3 : i32
      %get3A_521 = arith.index_cast %get3A_520 : i32 to index
      %get3A_522 = arith.index_cast %scan3A_519 : i32 to index
      %get3A_523 = arith.constant 0 : index
      %get3A_524 = tpu.vector_load %arg6[%get3A_521, %get3A_522, %get3A_523] {strides = array<i32>} : memref<4x128x128xf32, #tpu.memory_space<vmem>>, vector<1x1x16xf32>,
      %get3A_525 = vector.shape_cast %get3A_524 : vector<1x1x16xf32> to vector<16xf32>
      %add3A_526 = arith.addf %add3A_468, %get3A_525 : vector<16xf32>
      %get3A_527 = arith.constant 3 : i32
      %get3A_528 = arith.index_cast %get3A_527 : i32 to index
      %get3A_529 = arith.index_cast %scan3A_519 : i32 to index
      %get3A_530 = arith.constant 16 : index
      %get3A_531 = tpu.vector_load %arg6[%get3A_528, %get3A_529, %get3A_530] {strides = array<i32>} : memref<4x128x128xf32, #tpu.memory_space<vmem>>, vector<1x1x16xf32>,
      %get3A_532 = vector.shape_cast %get3A_531 : vector<1x1x16xf32> to vector<16xf32>
      %add3A_533 = arith.addf %add3A_475, %get3A_532 : vector<16xf32>
      %get3A_534 = arith.constant 3 : i32
      %get3A_535 = arith.index_cast %get3A_534 : i32 to index
      %get3A_536 = arith.index_cast %scan3A_519 : i32 to index
      %get3A_537 = arith.constant 32 : index
      %get3A_538 = tpu.vector_load %arg6[%get3A_535, %get3A_536, %get3A_537] {strides = array<i32>} : memref<4x128x128xf32, #tpu.memory_space<vmem>>, vector<1x1x16xf32>,
      %get3A_539 = vector.shape_cast %get3A_538 : vector<1x1x16xf32> to vector<16xf32>
      %add3A_540 = arith.addf %add3A_482, %get3A_539 : vector<16xf32>
      %get3A_541 = arith.constant 3 : i32
      %get3A_542 = arith.index_cast %get3A_541 : i32 to index
      %get3A_543 = arith.index_cast %scan3A_519 : i32 to index
      %get3A_544 = arith.constant 48 : index
      %get3A_545 = tpu.vector_load %arg6[%get3A_542, %get3A_543, %get3A_544] {strides = array<i32>} : memref<4x128x128xf32, #tpu.memory_space<vmem>>, vector<1x1x16xf32>,
      %get3A_546 = vector.shape_cast %get3A_545 : vector<1x1x16xf32> to vector<16xf32>
      %add3A_547 = arith.addf %add3A_489, %get3A_546 : vector<16xf32>
      %get3A_548 = arith.constant 3 : i32
      %get3A_549 = arith.index_cast %get3A_548 : i32 to index
      %get3A_550 = arith.index_cast %scan3A_519 : i32 to index
      %get3A_551 = arith.constant 64 : index
      %get3A_552 = tpu.vector_load %arg6[%get3A_549, %get3A_550, %get3A_551] {strides = array<i32>} : memref<4x128x128xf32, #tpu.memory_space<vmem>>, vector<1x1x16xf32>,
      %get3A_553 = vector.shape_cast %get3A_552 : vector<1x1x16xf32> to vector<16xf32>
      %add3A_554 = arith.addf %add3A_496, %get3A_553 : vector<16xf32>
      %get3A_555 = arith.constant 3 : i32
      %get3A_556 = arith.index_cast %get3A_555 : i32 to index
      %get3A_557 = arith.index_cast %scan3A_519 : i32 to index
      %get3A_558 = arith.constant 80 : index
      %get3A_559 = tpu.vector_load %arg6[%get3A_556, %get3A_557, %get3A_558] {strides = array<i32>} : memref<4x128x128xf32, #tpu.memory_space<vmem>>, vector<1x1x16xf32>,
      %get3A_560 = vector.shape_cast %get3A_559 : vector<1x1x16xf32> to vector<16xf32>
      %add3A_561 = arith.addf %add3A_503, %get3A_560 : vector<16xf32>
      %get3A_562 = arith.constant 3 : i32
      %get3A_563 = arith.index_cast %get3A_562 : i32 to index
      %get3A_564 = arith.index_cast %scan3A_519 : i32 to index
      %get3A_565 = arith.constant 96 : index
      %get3A_566 = tpu.vector_load %arg6[%get3A_563, %get3A_564, %get3A_565] {strides = array<i32>} : memref<4x128x128xf32, #tpu.memory_space<vmem>>, vector<1x1x16xf32>,
      %get3A_567 = vector.shape_cast %get3A_566 : vector<1x1x16xf32> to vector<16xf32>
      %add3A_568 = arith.addf %add3A_510, %get3A_567 : vector<16xf32>
      %get3A_569 = arith.constant 3 : i32
      %get3A_570 = arith.index_cast %get3A_569 : i32 to index
      %get3A_571 = arith.index_cast %scan3A_519 : i32 to index
      %get3A_572 = arith.constant 112 : index
      %get3A_573 = tpu.vector_load %arg6[%get3A_570, %get3A_571, %get3A_572] {strides = array<i32>} : memref<4x128x128xf32, #tpu.memory_space<vmem>>, vector<1x1x16xf32>,
      %get3A_574 = vector.shape_cast %get3A_573 : vector<1x1x16xf32> to vector<16xf32>
      %add3A_575 = arith.addf %add3A_517, %get3A_574 : vector<16xf32>
      %scan3A_576 = arith.constant 7 : i32
      %scan3A_577 = arith.addi %scan3A_164, %scan3A_576 : i32
      %get3A_578 = arith.constant 3 : i32
      %get3A_579 = arith.index_cast %get3A_578 : i32 to index
      %get3A_580 = arith.index_cast %scan3A_577 : i32 to index
      %get3A_581 = arith.constant 0 : index
      %get3A_582 = tpu.vector_load %arg6[%get3A_579, %get3A_580, %get3A_581] {strides = array<i32>} : memref<4x128x128xf32, #tpu.memory_space<vmem>>, vector<1x1x16xf32>,
      %get3A_583 = vector.shape_cast %get3A_582 : vector<1x1x16xf32> to vector<16xf32>
      %add3A_584 = arith.addf %add3A_526, %get3A_583 : vector<16xf32>
      %get3A_585 = arith.constant 3 : i32
      %get3A_586 = arith.index_cast %get3A_585 : i32 to index
      %get3A_587 = arith.index_cast %scan3A_577 : i32 to index
      %get3A_588 = arith.constant 16 : index
      %get3A_589 = tpu.vector_load %arg6[%get3A_586, %get3A_587, %get3A_588] {strides = array<i32>} : memref<4x128x128xf32, #tpu.memory_space<vmem>>, vector<1x1x16xf32>,
      %get3A_590 = vector.shape_cast %get3A_589 : vector<1x1x16xf32> to vector<16xf32>
      %add3A_591 = arith.addf %add3A_533, %get3A_590 : vector<16xf32>
      %get3A_592 = arith.constant 3 : i32
      %get3A_593 = arith.index_cast %get3A_592 : i32 to index
      %get3A_594 = arith.index_cast %scan3A_577 : i32 to index
      %get3A_595 = arith.constant 32 : index
      %get3A_596 = tpu.vector_load %arg6[%get3A_593, %get3A_594, %get3A_595] {strides = array<i32>} : memref<4x128x128xf32, #tpu.memory_space<vmem>>, vector<1x1x16xf32>,
      %get3A_597 = vector.shape_cast %get3A_596 : vector<1x1x16xf32> to vector<16xf32>
      %add3A_598 = arith.addf %add3A_540, %get3A_597 : vector<16xf32>
      %get3A_599 = arith.constant 3 : i32
      %get3A_600 = arith.index_cast %get3A_599 : i32 to index
      %get3A_601 = arith.index_cast %scan3A_577 : i32 to index
      %get3A_602 = arith.constant 48 : index
      %get3A_603 = tpu.vector_load %arg6[%get3A_600, %get3A_601, %get3A_602] {strides = array<i32>} : memref<4x128x128xf32, #tpu.memory_space<vmem>>, vector<1x1x16xf32>,
      %get3A_604 = vector.shape_cast %get3A_603 : vector<1x1x16xf32> to vector<16xf32>
      %add3A_605 = arith.addf %add3A_547, %get3A_604 : vector<16xf32>
      %get3A_606 = arith.constant 3 : i32
      %get3A_607 = arith.index_cast %get3A_606 : i32 to index
      %get3A_608 = arith.index_cast %scan3A_577 : i32 to index
      %get3A_609 = arith.constant 64 : index
      %get3A_610 = tpu.vector_load %arg6[%get3A_607, %get3A_608, %get3A_609] {strides = array<i32>} : memref<4x128x128xf32, #tpu.memory_space<vmem>>, vector<1x1x16xf32>,
      %get3A_611 = vector.shape_cast %get3A_610 : vector<1x1x16xf32> to vector<16xf32>
      %add3A_612 = arith.addf %add3A_554, %get3A_611 : vector<16xf32>
      %get3A_613 = arith.constant 3 : i32
      %get3A_614 = arith.index_cast %get3A_613 : i32 to index
      %get3A_615 = arith.index_cast %scan3A_577 : i32 to index
      %get3A_616 = arith.constant 80 : index
      %get3A_617 = tpu.vector_load %arg6[%get3A_614, %get3A_615, %get3A_616] {strides = array<i32>} : memref<4x128x128xf32, #tpu.memory_space<vmem>>, vector<1x1x16xf32>,
      %get3A_618 = vector.shape_cast %get3A_617 : vector<1x1x16xf32> to vector<16xf32>
      %add3A_619 = arith.addf %add3A_561, %get3A_618 : vector<16xf32>
      %get3A_620 = arith.constant 3 : i32
      %get3A_621 = arith.index_cast %get3A_620 : i32 to index
      %get3A_622 = arith.index_cast %scan3A_577 : i32 to index
      %get3A_623 = arith.constant 96 : index
      %get3A_624 = tpu.vector_load %arg6[%get3A_621, %get3A_622, %get3A_623] {strides = array<i32>} : memref<4x128x128xf32, #tpu.memory_space<vmem>>, vector<1x1x16xf32>,
      %get3A_625 = vector.shape_cast %get3A_624 : vector<1x1x16xf32> to vector<16xf32>
      %add3A_626 = arith.addf %add3A_568, %get3A_625 : vector<16xf32>
      %get3A_627 = arith.constant 3 : i32
      %get3A_628 = arith.index_cast %get3A_627 : i32 to index
      %get3A_629 = arith.index_cast %scan3A_577 : i32 to index
      %get3A_630 = arith.constant 112 : index
      %get3A_631 = tpu.vector_load %arg6[%get3A_628, %get3A_629, %get3A_630] {strides = array<i32>} : memref<4x128x128xf32, #tpu.memory_space<vmem>>, vector<1x1x16xf32>,
      %get3A_632 = vector.shape_cast %get3A_631 : vector<1x1x16xf32> to vector<16xf32>
      %add3A_633 = arith.addf %add3A_575, %get3A_632 : vector<16xf32>
      scf.yield %add3A_584, %add3A_591, %add3A_598, %add3A_605, %add3A_612, %add3A_619, %add3A_626, %add3A_633 : vector<16xf32>, vector<16xf32>, vector<16xf32>, vector<16xf32>, vector<16xf32>, vector<16xf32>, vector<16xf32>, vector<16xf32>
    }
    %scan3A_132 = arith.constant 128 : i32
    %swap3A = arith.constant 0 : index
    %swap3A_133 = tpu.vector_load %arg7[%swap3A] {strides = array<i32>} : memref<128xf32, #tpu.memory_space<vmem>>, vector<16xf32>,
    %swap3A_134 = vector.shape_cast %swap3A_133 : vector<16xf32> to vector<16xf32>
    %swap3A_135 = vector.shape_cast %scan3A_131#0 : vector<16xf32> to vector<16xf32>
    tpu.vector_store %arg7[%swap3A], %swap3A_135 {strides = array<i32>} : memref<128xf32, #tpu.memory_space<vmem>>, vector<16xf32>,
    %swap3A_136 = arith.constant 16 : index
    %swap3A_137 = tpu.vector_load %arg7[%swap3A_136] {strides = array<i32>} : memref<128xf32, #tpu.memory_space<vmem>>, vector<16xf32>,
    %swap3A_138 = vector.shape_cast %swap3A_137 : vector<16xf32> to vector<16xf32>
    %swap3A_139 = vector.shape_cast %scan3A_131#1 : vector<16xf32> to vector<16xf32>
    tpu.vector_store %arg7[%swap3A_136], %swap3A_139 {strides = array<i32>} : memref<128xf32, #tpu.memory_space<vmem>>, vector<16xf32>,
    %swap3A_140 = arith.constant 32 : index
    %swap3A_141 = tpu.vector_load %arg7[%swap3A_140] {strides = array<i32>} : memref<128xf32, #tpu.memory_space<vmem>>, vector<16xf32>,
    %swap3A_142 = vector.shape_cast %swap3A_141 : vector<16xf32> to vector<16xf32>
    %swap3A_143 = vector.shape_cast %scan3A_131#2 : vector<16xf32> to vector<16xf32>
    tpu.vector_store %arg7[%swap3A_140], %swap3A_143 {strides = array<i32>} : memref<128xf32, #tpu.memory_space<vmem>>, vector<16xf32>,
    %swap3A_144 = arith.constant 48 : index
    %swap3A_145 = tpu.vector_load %arg7[%swap3A_144] {strides = array<i32>} : memref<128xf32, #tpu.memory_space<vmem>>, vector<16xf32>,
    %swap3A_146 = vector.shape_cast %swap3A_145 : vector<16xf32> to vector<16xf32>
    %swap3A_147 = vector.shape_cast %scan3A_131#3 : vector<16xf32> to vector<16xf32>
    tpu.vector_store %arg7[%swap3A_144], %swap3A_147 {strides = array<i32>} : memref<128xf32, #tpu.memory_space<vmem>>, vector<16xf32>,
    %swap3A_148 = arith.constant 64 : index
    %swap3A_149 = tpu.vector_load %arg7[%swap3A_148] {strides = array<i32>} : memref<128xf32, #tpu.memory_space<vmem>>, vector<16xf32>,
    %swap3A_150 = vector.shape_cast %swap3A_149 : vector<16xf32> to vector<16xf32>
    %swap3A_151 = vector.shape_cast %scan3A_131#4 : vector<16xf32> to vector<16xf32>
    tpu.vector_store %arg7[%swap3A_148], %swap3A_151 {strides = array<i32>} : memref<128xf32, #tpu.memory_space<vmem>>, vector<16xf32>,
    %swap3A_152 = arith.constant 80 : index
    %swap3A_153 = tpu.vector_load %arg7[%swap3A_152] {strides = array<i32>} : memref<128xf32, #tpu.memory_space<vmem>>, vector<16xf32>,
    %swap3A_154 = vector.shape_cast %swap3A_153 : vector<16xf32> to vector<16xf32>
    %swap3A_155 = vector.shape_cast %scan3A_131#5 : vector<16xf32> to vector<16xf32>
    tpu.vector_store %arg7[%swap3A_152], %swap3A_155 {strides = array<i32>} : memref<128xf32, #tpu.memory_space<vmem>>, vector<16xf32>,
    %swap3A_156 = arith.constant 96 : index
    %swap3A_157 = tpu.vector_load %arg7[%swap3A_156] {strides = array<i32>} : memref<128xf32, #tpu.memory_space<vmem>>, vector<16xf32>,
    %swap3A_158 = vector.shape_cast %swap3A_157 : vector<16xf32> to vector<16xf32>
    %swap3A_159 = vector.shape_cast %scan3A_131#6 : vector<16xf32> to vector<16xf32>
    tpu.vector_store %arg7[%swap3A_156], %swap3A_159 {strides = array<i32>} : memref<128xf32, #tpu.memory_space<vmem>>, vector<16xf32>,
    %swap3A_160 = arith.constant 112 : index
    %swap3A_161 = tpu.vector_load %arg7[%swap3A_160] {strides = array<i32>} : memref<128xf32, #tpu.memory_space<vmem>>, vector<16xf32>,
    %swap3A_162 = vector.shape_cast %swap3A_161 : vector<16xf32> to vector<16xf32>
    %swap3A_163 = vector.shape_cast %scan3A_131#7 : vector<16xf32> to vector<16xf32>
    tpu.vector_store %arg7[%swap3A_160], %swap3A_163 {strides = array<i32>} : memref<128xf32, #tpu.memory_space<vmem>>, vector<16xf32>,
    "tpu.region"() ({
      %run_scoped3A = tpu.sem_alloc : memref<!tpu.dma_semaphore, #tpu.memory_space<semaphore_mem>>
      %dma_start3A_164 = arith.constant 0 : i32
      %dma_start3A_165 = tpu.memref_slice %arg4[%add3A, %dma_start3A_164] : memref<32x128xf32, #tpu.memory_space<hbm>> -> memref<1x128xf32, #tpu.memory_space<hbm>>
      %dma_start3A_166 = tpu.memref_squeeze %dma_start3A_165 : memref<1x128xf32, #tpu.memory_space<hbm>> -> memref<128xf32, #tpu.memory_space<hbm>>
      %dma_start3A_167 = arith.constant 0 : i32
      %dma_start3A_168 = tpu.memref_slice %arg4[%add3A, %dma_start3A_167] : memref<32x128xf32, #tpu.memory_space<hbm>> -> memref<1x128xf32, #tpu.memory_space<hbm>>
      %dma_start3A_169 = tpu.memref_squeeze %dma_start3A_168 : memref<1x128xf32, #tpu.memory_space<hbm>> -> memref<128xf32, #tpu.memory_space<hbm>>
      tpu.enqueue_dma source(%arg7 : memref<128xf32, #tpu.memory_space<vmem>>) target(%dma_start3A_169 : memref<128xf32, #tpu.memory_space<hbm>>) target_semaphore(%run_scoped3A : memref<!tpu.dma_semaphore, #tpu.memory_space<semaphore_mem>>)
      %dma_wait3A_170 = arith.constant 0 : i32
      %dma_wait3A_171 = tpu.memref_slice %arg4[%add3A, %dma_wait3A_170] : memref<32x128xf32, #tpu.memory_space<hbm>> -> memref<1x128xf32, #tpu.memory_space<hbm>>
      %dma_wait3A_172 = tpu.memref_squeeze %dma_wait3A_171 : memref<1x128xf32, #tpu.memory_space<hbm>> -> memref<128xf32, #tpu.memory_space<hbm>>
      %dma_wait3A_173 = arith.constant 0 : i32
      %dma_wait3A_174 = tpu.memref_slice %arg4[%add3A, %dma_wait3A_173] : memref<32x128xf32, #tpu.memory_space<hbm>> -> memref<1x128xf32, #tpu.memory_space<hbm>>
      %dma_wait3A_175 = tpu.memref_squeeze %dma_wait3A_174 : memref<1x128xf32, #tpu.memory_space<hbm>> -> memref<128xf32, #tpu.memory_space<hbm>>
      tpu.wait_dma2 semaphore(%run_scoped3A : memref<!tpu.dma_semaphore, #tpu.memory_space<semaphore_mem>>) src(%arg7 : memref<128xf32, #tpu.memory_space<vmem>>) dst(%dma_wait3A_175 : memref<128xf32, #tpu.memory_space<hbm>>)
      tpu.yield
    }) : () -> ()
    return
  }
}

module attributes {stable_mosaic.version = 14 : i64} {
  func.func @_matvec_kernel(%arg0: i32, %arg1: memref<32x128xf32, #tpu.memory_space<vmem>>, %arg2: memref<16384x128xf32, #tpu.memory_space<vmem>>, %arg3: memref<1x16384xf32, #tpu.memory_space<vmem>>, %arg4: memref<1x16384xf32, #tpu.memory_space<vmem>>) attributes {dimension_semantics = [#tpu.dimension_semantics<arbitrary>], iteration_bounds = array<i64: 62>, scalar_prefetch = 0 : i64, scratch_operands = 0 : i64, tpu.core_type = #tpu.core_type<tc>, window_params = [{pipeline_mode = #tpu.pipeline_mode<synchronous>, transform_indices = @transform_0, window_bounds = array<i64: 32, 128>}, {transform_indices = @transform_1, window_bounds = array<i64: 16384, 128>}, {transform_indices = @transform_2, window_bounds = array<i64: 1, 16384>}, {transform_indices = @transform_3, window_bounds = array<i64: 1, 16384>}]} {
    %get3A = arith.constant 0 : index
    %get3A_0 = arith.constant 0 : index
    %get3A_1 = vector.load %arg1[%get3A, %get3A_0] : memref<32x128xf32, #tpu.memory_space<vmem>>, vector<32x128xf32>
    %reduce_sum3A = arith.constant dense<0.000000e+00> : vector<128xf32>
    %reduce_sum3A_2 = vector.multi_reduction <add>, %get3A_1, %reduce_sum3A [0] : vector<32x128xf32> to vector<128xf32>
    %broadcast_in_dim3A = vector.shape_cast %reduce_sum3A_2 : vector<128xf32> to vector<1x128xf32>
    %mul3A = arith.constant 6.10351563E-5 : f32
    %mul3A_3 = vector.broadcast %mul3A : f32 to vector<1x128xf32>
    %mul3A_4 = arith.mulf %broadcast_in_dim3A, %mul3A_3 : vector<1x128xf32>
    %get3A_5 = arith.constant 0 : index
    %get3A_6 = arith.constant 0 : index
    %get3A_7 = vector.load %arg2[%get3A_5, %get3A_6] : memref<16384x128xf32, #tpu.memory_space<vmem>>, vector<16384x128xf32>
    %dot_general3A = arith.constant dense<0.000000e+00> : vector<1x16384xf32>
    %dot_general3A_8 = tpu.matmul %mul3A_4, %get3A_7, %dot_general3A {dimension_numbers = #tpu.dot_dimension_numbers<[1], [1], [0], [0], [0, 0, 1, 0], [], []>, transpose_lhs_hint = false} : vector<1x128xf32>, vector<16384x128xf32>, vector<1x16384xf32> -> vector<1x16384xf32>
    %get3A_9 = arith.constant 0 : index
    %get3A_10 = arith.constant 0 : index
    %get3A_11 = vector.load %arg3[%get3A_9, %get3A_10] : memref<1x16384xf32, #tpu.memory_space<vmem>>, vector<1x16384xf32>
    %add3A = arith.addf %dot_general3A_8, %get3A_11 : vector<1x16384xf32>
    %swap3A = arith.constant 0 : index
    %swap3A_12 = arith.constant 0 : index
    %swap3A_13 = vector.load %arg4[%swap3A, %swap3A_12] : memref<1x16384xf32, #tpu.memory_space<vmem>>, vector<1x16384xf32>
    tpu.vector_store %arg4[%swap3A, %swap3A_12], %add3A {strides = array<i32>} : memref<1x16384xf32, #tpu.memory_space<vmem>>, vector<1x16384xf32>,
    return
  }
  func.func @transform_0(%arg0: i32) -> (i32, i32) {
    %c0_i32 = arith.constant 0 : i32
    %c0_i32_0 = arith.constant 0 : i32
    %c0_i32_1 = arith.constant 0 : i32
    return %c0_i32, %c0_i32_0 : i32, i32
  }
  func.func @transform_1(%arg0: i32) -> (i32, i32) {
    %c0_i32 = arith.constant 0 : i32
    %c0_i32_0 = arith.constant 0 : i32
    return %arg0, %c0_i32 : i32, i32
  }
  func.func @transform_2(%arg0: i32) -> (i32, i32) {
    %c0_i32 = arith.constant 0 : i32
    %c0_i32_0 = arith.constant 0 : i32
    return %c0_i32, %arg0 : i32, i32
  }
  func.func @transform_3(%arg0: i32) -> (i32, i32) {
    %c0_i32 = arith.constant 0 : i32
    %c0_i32_0 = arith.constant 0 : i32
    return %c0_i32, %arg0 : i32, i32
  }
}

</mosaic_0001>

<sc_bundles>
// kernel: kernel.4.cloned.1.call-start
scs
__scs_entry_jumppad:
0x0: {  	(pc) =	sbr.rel $0x88, $3  }
0x1: {  	(tag) =	ssettag $0x0;
	lr =	simm.s32 $0x1  }
0x2: {  	[smem:$0x3F9D] =	sst lr;
	_ =	strace $0xD0000000  }
0x3: {  	_ = 	snop  }
0x4: {  	_ = 	snop  }
0x5: {  	_ = 	snop  }
0x6: {  	_ = 	snop  }
0x7: {  	_ = 	snop  }
__scs_overlays_trampoline_lowered:
0x8: {  	[smem:$0x3FAC] =	sst s0  }
0x9: {  	[smem:$0x3FAD] =	sst s1  }
0xa: {  	[smem:$0x3FAE] =	sst s2  }
0xb: {  	[smem:$0x3FAF] =	sst s3  }
0xc: {  	[smem:$0x3FB0] =	sst s4  }
0xd: {  	[smem:$0x3FB1] =	sst s5  }
0xe: {  	[smem:$0x3FB2] =	sst s6  }
0xf: {  	[smem:$0x3FB3] =	sst s7  }
0x10: {  	[smem:$0x3FB4] =	sst s8  }
0x11: {  	[smem:$0x3FB5] =	sst s9;
	s0 =	simm.s32 @!p0 $0x0  }
0x12: {  	s1 =	sld [smem:$0x3F9B];
	s0 =	simm.s32 @p0 $0x1  }
0x13: {  	[smem:$0x3FB6] =	sst s0;
	s0 =	simm.s32 @!p1 $0x0  }
0x14: {  	s2 =	sld [smem:$0x3F9A];
	s0 =	simm.s32 @p1 $0x1  }
0x15: {  	[smem:$0x3FB7] =	sst s0;
	s0 =	simm.s32 @!p2 $0x0  }
0x16: {  	s3 =	sld [smem:$0x3FDB];
	s0 =	simm.s32 @p2 $0x1  }
0x17: {  	s4 =	simm.s32 $0x1BF5;
	[smem:$0x3FB9] =	sst s0  }
0x18: {  	s0 =	sld [smem:$0x3F9C];
	_ =	swait.ge [sflag:s4], $0x0  }
0x19: {  	s7 =	sld [smem:$0x3F9D]  }
0x1a: {  	s8 =	sadd.s32 $0xFFFFE003, lr  }
0x1b: {  	s9 =	sadd.s32 $0xFFFFFEF7, lr;
	s5 =	simm.s32 $0xFFFFFFFF;
	p2 =	slt.u32 s8, $0xFFFFF086  }
0x1c: {  	p1 =	slt.u32 s9, $0xF7A;
	s5 =	simm.s32 @!p2 $0x0  }
0x1d: {  	s5 =	simm.s32 @p1 $0x1;
	p0 =	seq.s32 s7, s2  }
0x1e: {  	s7 =	smul.u32 @!p0 $0xF7A, s2;
	p2 =	seq.s32 @!p0 s5, $0x0  }
0x1f: {  	s9 =	smul.u32 $0xF7A, s1;
	s8 =	simm.s32 @!p0 $0x1BF5;
	p2 =	por !p2, p0  }
0x20: {  	[sflag:s8] =	ssyncset.s32 @!p0 $0xFFFFF086;
	s6 =	sadd.s32 @!p0 s3, s7;
	s7 =	simm.s32 @!p0 $0x108  }
0x21: {  	s3 =	sadd.s32 s3, s9;
	s6 =	sadd.s32 @!p0 $0x88, s6;
	s7 =	simm.s32 @p2 $0x1082  }
0x22: {  	[simem:s7], [sflag:s8] =	dma.local @!p0 [hbm:s6], $0xF7A  }
0x23: {  	s9 =	sor.u32 $0xD0000000, s2;
	s6 =	simm.s32 $0x108;
	_ =	swait.ge @!p0 [sflag:s8], $0x0  }
0x24: {  	s3 =	sadd.s32 $0x88, s3;
	s6 =	simm.s32 @!p1 $0x1082;
	[sflag:s4] =	ssyncset.s32 $0xFFFFF086  }
0x25: {  	[simem:s6], [sflag:s4] =	dma.local [hbm:s3], $0xF7A  }
0x26: {  	[smem:$0x3F9D] =	sst s1;
	(tag) =	ssettag s2;
	_ =	strace s9  }
0x27: {  	s1 =	sld [smem:$0x3FAD]  }
0x28: {  	s2 =	sld [smem:$0x3FAE]  }
0x29: {  	s4 =	sld [smem:$0x3FB0]  }
0x2a: {  	p0 =	seq.s32 s5, $0x0;
	s5 =	sld [smem:$0x3FB1]  }
0x2b: {  	s6 =	sld [smem:$0x3FB2]  }
0x2c: {  	s7 =	sld [smem:$0x3FB3]  }
0x2d: {  	s3 =	simm.s32 $0x108;
	s8 =	sld [smem:$0x3FB4]  }
0x2e: {  	s3 =	simm.s32 @!p0 $0x1082;
	s9 =	sld [smem:$0x3FB5]  }
0x2f: {  	lr =	sadd.s32 s0, s3;
	s0 =	sld [smem:$0x3FAC]  }
0x30: {  	s3 =	sld [smem:$0x3FAF]  }
0x31: {  	[smem:$0x3FB8] =	sst s10  }
0x32: {  	s10 =	sld [smem:$0x3FB6];
	_ =	sdelay $0x3  }
0x33: {  	p0 =	seq.s32 s10, $0x1;
	s10 =	sld [smem:$0x3FB8];
	_ =	sdelay $0x3  }
0x34: {  	[smem:$0x3FB8] =	sst s10  }
0x35: {  	s10 =	sld [smem:$0x3FB7];
	_ =	sdelay $0x3  }
0x36: {  	p1 =	seq.s32 s10, $0x1;
	s10 =	sld [smem:$0x3FB8];
	_ =	sdelay $0x3  }
0x37: {  	[smem:$0x3FB8] =	sst s10  }
0x38: {  	s10 =	sld [smem:$0x3FB9]  }
0x39: {  	_ = 	snop;
	(pc) =	sbr.ind lr, $3  }
0x3a: {  	_ = 	snop  }
0x3b: {  	_ = 	snop  }
0x3c: {  	p2 =	seq.s32 s10, $0x1;
	s10 =	sld [smem:$0x3FB8]  }
0x3d: {  	_ =	shalt  }
0x3e: {  	_ =	shalt  }
0x3f: {  	_ =	shalt  }
0x40: {  	_ =	shalt  }
0x41: {  	_ =	shalt  }
0x42: {  	_ =	shalt  }
0x43: {  	_ =	shalt  }
0x44: {  	_ =	shalt  }
0x45: {  	_ =	shalt  }
0x46: {  	_ =	shalt  }
0x47: {  	_ =	shalt  }
0x48: {  	_ =	shalt  }
0x49: {  	_ =	shalt  }
0x4a: {  	_ =	shalt  }
0x4b: {  	_ =	shalt  }
0x4c: {  	_ =	shalt  }
0x4d: {  	_ =	shalt  }
0x4e: {  	_ =	shalt  }
0x4f: {  	_ =	shalt  }
0x50: {  	_ =	shalt  }
0x51: {  	_ =	shalt  }
0x52: {  	_ =	shalt  }
0x53: {  	_ =	shalt  }
0x54: {  	_ =	shalt  }
0x55: {  	_ =	shalt  }
0x56: {  	_ =	shalt  }
0x57: {  	_ =	shalt  }
0x58: {  	_ =	shalt  }
0x59: {  	_ =	shalt  }
0x5a: {  	_ =	shalt  }
0x5b: {  	_ =	shalt  }
0x5c: {  	_ =	shalt  }
0x5d: {  	_ =	shalt  }
0x5e: {  	_ =	shalt  }
0x5f: {  	_ =	shalt  }
0x60: {  	_ =	shalt  }
0x61: {  	_ =	shalt  }
0x62: {  	_ =	shalt  }
0x63: {  	_ =	shalt  }
0x64: {  	_ =	shalt  }
0x65: {  	_ =	shalt  }
0x66: {  	_ =	shalt  }
0x67: {  	_ =	shalt  }
0x68: {  	_ =	shalt  }
0x69: {  	_ =	shalt  }
0x6a: {  	_ =	shalt  }
0x6b: {  	_ =	shalt  }
0x6c: {  	_ =	shalt  }
0x6d: {  	_ =	shalt  }
0x6e: {  	_ =	shalt  }
0x6f: {  	_ =	shalt  }
0x70: {  	_ =	shalt  }
0x71: {  	_ =	shalt  }
0x72: {  	_ =	shalt  }
0x73: {  	_ =	shalt  }
0x74: {  	_ =	shalt  }
0x75: {  	_ =	shalt  }
0x76: {  	_ =	shalt  }
0x77: {  	_ =	shalt  }
0x78: {  	_ =	shalt  }
0x79: {  	_ =	shalt  }
0x7a: {  	_ =	shalt  }
0x7b: {  	_ =	shalt  }
0x7c: {  	_ =	shalt  }
0x7d: {  	_ =	shalt  }
0x7e: {  	_ =	shalt  }
0x7f: {  	_ =	shalt  }
0x80: {  	_ =	shalt  }
0x81: {  	_ =	shalt  }
0x82: {  	_ =	shalt  }
0x83: {  	_ =	shalt  }
0x84: {  	_ =	shalt  }
0x85: {  	_ =	shalt  }
0x86: {  	_ =	shalt  }
0x87: {  	_ =	shalt  }
.Lfunc_end0:
.L_simem_size_0:
called_computation_lowered:
.L_overlay_start_0:
0x88: {  	s2 =	sld [smem:$0x3FD9]  }
0x89: {  	s3 =	sld [smem:$0x3FFE];
	_ =	sdelay $0x1  }
0x8a: {  	s1 =	srdreg.scid  }
0x8b: {  	s0 =	sand.u32 $0x1, s1  }
0x8c: {  	s18 =	sshll.u32 s0, $0xA;
	s2 =	sadd.s32 s3, s2  }
0x8d: {  	s2 =	sadd.s32 s2, s18  }
0x8e: {  	[smem:$0x3FC4] =	sst s2  }
0x8f: {  	_ = 	snop  }
0x90: {  	s2 =	sld [smem:$0x3FC9]  }
0x91: {  	s19 =	sld [smem:$0x3FC8]  }
0x92: {  	s4 =	sld [smem:$0x3FD0];
	(tm) =	ssettm $0x1  }
0x93: {  	s5 =	sld [smem:$0x3FFB];
	_ =	sdelay $0x3  }
0x94: {  	_ =	strace s5  }
0x95: {  	s5 =	sld [smem:$0x3FFC];
	_ =	sdelay $0x3  }
0x96: {  	_ =	strace s5  }
0x97: {  	s5 =	sld [smem:$0x3FFD];
	_ =	sdelay $0x3  }
0x98: {  	_ =	strace s5  }
0x99: {  	_ =	strace $0x8FFFFFFF  }
0x9a: {  	s20 =	sld [smem:$0x3FDB];
	_ =	sdelay $0x1  }
0x9b: {  	s6 =	simm.s32 $_scs_section_size  }
0x9c: {  	s7 =	simm.s32 $_size__tile_overlayer_lowered;
	s8 =	simm.s32 $_tile_overlayer_lowered  }
0x9d: {  	s23 =	simm.s32 $0x1BFF;
	s22 =	sshll.u32 s8, $0x1;
	s5 =	sadd.s32 s6, s20  }
0x9e: {  	s9 =	simm.s32 $0x0;
	s21 =	sshll.u32 s7, $0x1;
	s7 =	sadd.s32 s22, s5  }
0x9f: {  	[timem:s9], [sflag:s23] =	dma.local [hbm:s7], s21  }
0xa0: {  	_ =	swait.ge [sflag:s23], s21  }
0xa1: {  	s6 =	ssub.s32 $0x0, s21;
	[sflag:s23] =	ssyncset.done $0x0  }
0xa2: {  	[sflag:s23] =	ssyncadd.s32 s6;
	_ =	sdelay $0x1  }
0xa3: {  	s24 =	simm.s32 $0x1B8B  }
0xa4: {  	_ =	swait.ge [sflag:s24], $0x1  }
0xa5: {  	[sflag:s24] =	ssyncset.done $0x0  }
0xa6: {  	s25 =	simm.s32 $0x1B8E;
	[sflag:s24] =	ssyncadd.s32 $0xFFFFFFFF  }
0xa7: {  	s26 =	simm.s32 $execute0_lowered;
	[smem:$0x3FD2] =	sst s25  }
0xa8: {  	s6 =	sshll.u32 s26, $0x1;
	_ =	strace $0x80000046;
	[dreg:$0x1] =	wrdreg $0xFFFFFFFF  }
0xa9: {  	s28 =	simm.s32 $_size_execute0_lowered;
	s5 =	sadd.s32 s5, s6;
	[dreg:$0x0] =	wrdreg $0x0  }
0xaa: {  	s6 =	sshll.u32 s28, $0x1;
	[dreg:$0x2] =	wrdreg s5  }
0xab: {  	[dreg:$0x3] =	wrdreg s6  }
0xac: {  	[dreg:$0x4] =	wrdreg $0xC0  }
0xad: {  	_ =	task [dreg:s9], $0x5FFFF  }
0xae: {  	[dreg:$0x1] =	wrdreg $0xFFFFFFFF  }
0xaf: {  	[dreg:$0x0] =	wrdreg $0x60  }
0xb0: {  	[dreg:$0x2] =	wrdreg s2  }
0xb1: {  	[dreg:$0x3] =	wrdreg s19  }
0xb2: {  	[dreg:$0x4] =	wrdreg s4  }
0xb3: {  	[dreg:$0x5] =	wrdreg $0x9  }
0xb4: {  	_ =	task.clear_ibuf [dreg:s9], $0x6FFFF;
	_ =	strace $0x90000046  }
0xb5: {  	s29 =	simm.s32 $0x9;
	_ =	strace $0x80000048  }
0xb6: {  	_ =	swait.ge [sflag:s29], $0x1  }
0xb7: {  	[sflag:s29] =	ssyncadd.s32 $0xFFFFFFFF  }
0xb8: {  	_ =	strace $0x90000048  }
0xb9: {  	_ =	sfence  }
0xba: {  	s30 =	sld [smem:$0x0];
	_ =	sdelay $0x2  }
0xbb: {  	s31 =	sshll.u32 s1, $0xD;
	s1 =	sshrl.u32 s1, $0x2  }
0xbc: {  	s3 =	sand.u32 $0x4000, s31;
	s1 =	sadd.s32 s1, s30  }
0xbd: {  	s0 =	sor.u32 s3, s0;
	s1 =	sshll.u32 s1, $0x11  }
0xbe: {  	s0 =	sor.u32 s1, s0  }
0xbf: {  	s0 =	sadd.s32 $0x8F2B, s0  }
0xc0: {  	[sflag:s0] =	ssyncadd.remote.s32 $0x1  }
0xc1: {  	_ =	sfence.sel $0xFFFF  }
0xc2: {  	[dreg:$0x0] =	wrdreg $0xFFFFFFFF;
	(pc) =	sbr.abs _section_cstart, $3  }
0xc3: {  	[dreg:$0x1] =	wrdreg $0xFFFFFFFF  }
0xc4: {  	_ =	task.clear_ibuf [dreg:s9], $0x2FFFF;
	_ =	strace $0x9FFFFFFF  }
0xc5: {  	(tm) =	ssettm $0x7FFFFFFF  }
tec
execute0_lowered:
.L_overlay_start_1:
0x0: {  	(tag) =	ssettag $0x1  }
0x1: {  	s4 =	rddreg [dreg:$0x0]  }
0x2: {  	s1 =	rddreg [dreg:$0x1]  }
0x3: {  	s5 =	rddreg [dreg:$0x2]  }
0x4: {  	s0 =	rddreg [dreg:$0x3]  }
0x5: {  	s3 =	simm.s32 $0x0;
	s6 =	srdreg.scid;
	s2 =	stileid.u32  }
0x6: {  	s10 =	simm.s32 $0x4200;
	s11 =	simm.s32 $0x100;
	s12 =	simm.s32 $0x8200  }
0x7: {  	s13 =	simm.s32 $0x180;
	s14 =	simm.s32 $0xC200;
	s15 =	simm.s32 $0x1  }
0x8: {  	s16 =	simm.s32 $0x10200;
	s17 =	simm.s32 $0x0;
	s6 =	sand.u32 $0x1, s6  }
0x9: {  	[smem:$0x7FF] =	sst s3;
	s7 =	sshll.u32 s2, $0x1;
	s8 =	ssub.s32 $0x2, s6  }
0xa: {  	_ =	strace $0x80000047;
	s6 =	sor.u32 s6, s7;
	s31 =	sshrl.u32 s8, $0x1  }
0xb: {  	s9 =	sshll.u32 s6, $0x6;
	s6 =	sshll.u32 s6, $0x4;
	s7 =	ssub.s32 s8, s31  }
0xc: {  	s4 =	sadd.s32 s4, s9;
	s5 =	sadd.s32 s5, s6;
	s8 =	simm.s32 $0x80  }
0xd: {  	s9 =	simm.s32 $0x200;
	s6 =	smax.u32 s7, $0x1;
	s7 =	simm.s32 $0x2  }
.LBB2_1:
0xe: {  	[tilespmem:s3], [sflag:$0x2] =	stream.linear.gather [hbm4b:s4+s3], $0x200, $0x38;
	[tilespmem:$0x10280] =	vst v63  }
0xf: {  	_ =	swait.ge [sflag:s7], $0x200  }
0x10: {  	[sflag:s7] =	ssyncset.done $0x0  }
0x11: {  	[sflag:s7] =	ssyncadd.s32 $0xFFFFFE00  }
0x12: {  	[tilespmem:s9], [sflag:$0x1] =	stream.indirect.gather [hbm4b:s1+s8], $0x80, s3, s8, $0xb8;
	[tilespmem:$0x10280] =	vst v63  }
0x13: {  	_ = 	snop  }
0x14: {  	[tilespmem:s10], [sflag:$0x1] =	stream.indirect.gather [hbm4b:s1+s8], $0x80, s8, s8, $0xb8;
	[tilespmem:$0x10280] =	vst v63  }
0x15: {  	_ = 	snop  }
0x16: {  	[tilespmem:s12], [sflag:$0x1] =	stream.indirect.gather [hbm4b:s1+s8], $0x80, s11, s8, $0xb8;
	[tilespmem:$0x10280] =	vst v63  }
0x17: {  	_ = 	snop  }
0x18: {  	[tilespmem:s14], [sflag:$0x1] =	stream.indirect.gather [hbm4b:s1+s8], $0x80, s13, s8, $0xb8;
	[tilespmem:$0x10280] =	vst v63  }
0x19: {  	_ =	swait.ge [sflag:s15], $0x4000  }
0x1a: {  	[sflag:s15] =	ssyncset.done $0x0  }
0x1b: {  	s19 =	simm.s32 $0x400;
	[sflag:s15] =	ssyncadd.s32 $0xFFFFC000  }
0x1c: {  	v0 =	vld [tilespmem:s19+$0x180]  }
0x1d: {  	v2 =	vld [tilespmem:s19+$0x190]  }
0x1e: {  	v4 =	vld [tilespmem:s19+$0x1A0]  }
0x1f: {  	v6 =	vld [tilespmem:s19+$0x1B0]  }
0x20: {  	v1 =	vld [tilespmem:s19+$0x1C0]  }
0x21: {  	v3 =	vld [tilespmem:s19+$0x1D0]  }
0x22: {  	v8 =	vld [tilespmem:s19+$0x100]  }
0x23: {  	v9 =	vld [tilespmem:s19+$0x110]  }
0x24: {  	v10 =	vld [tilespmem:s19+$0x120]  }
0x25: {  	v11 =	vld [tilespmem:s19+$0x130]  }
0x26: {  	v5 =	vld [tilespmem:s19+$0x140]  }
0x27: {  	v7 =	vld [tilespmem:s19+$0x150]  }
0x28: {  	v12 =	vld [tilespmem:s19+$0x80]  }
0x29: {  	v13 =	vld [tilespmem:s19+$0x90]  }
0x2a: {  	v14 =	vld [tilespmem:s19+$0xA0]  }
0x2b: {  	v15 =	vld [tilespmem:s19+$0xB0]  }
0x2c: {  	v18 =	vld [tilespmem:s19+$0xC0]  }
0x2d: {  	v21 =	vld [tilespmem:s19+$0xD0]  }
0x2e: {  	v16 =	vld [tilespmem:s19+$0x0]  }
0x2f: {  	v17 =	vld [tilespmem:s19+$0x10]  }
0x30: {  	v19 =	vld [tilespmem:s19+$0x20]  }
0x31: {  	v20 =	vld [tilespmem:s19+$0x30]  }
0x32: {  	v22 =	vld [tilespmem:s19+$0x40]  }
0x33: {  	v23 =	vld [tilespmem:s19+$0x50]  }
0x34: {  	v24 =	vld [tilespmem:s19+$0xFFFFFF80]  }
0x35: {  	v25 =	vld [tilespmem:s19+$0xFFFFFF90]  }
0x36: {  	v26 =	vld [tilespmem:s19+$0xFFFFFF00]  }
0x37: {  	v27 =	vld [tilespmem:s19+$0xFFFFFF10]  }
0x38: {  	v28 =	vld [tilespmem:s19+$0xFFFFFE80]  }
0x39: {  	v29 =	vld [tilespmem:s19+$0xFFFFFE90]  }
0x3a: {  	v30 =	vld [tilespmem:s19+$0xFFFFFE00]  }
0x3b: {  	v31 =	vld [tilespmem:s19+$0xFFFFFE10]  }
0x3c: {  	v32 =	vld [tilespmem:s19+$0xFFFFFE20]  }
0x3d: {  	v33 =	vld [tilespmem:s19+$0xFFFFFE30]  }
0x3e: {  	v34 =	vld [tilespmem:s19+$0xFFFFFEA0]  }
0x3f: {  	v35 =	vld [tilespmem:s19+$0xFFFFFEB0]  }
0x40: {  	v36 =	vimm.f32 $0.0e+00;
	v37 =	vld [tilespmem:s19+$0xFFFFFF20]  }
0x41: {  	v38 =	vld [tilespmem:s19+$0xFFFFFF30];
	v30 =	vadd.f32 v30, v36;
	v31 =	vadd.f32 v31, v36  }
0x42: {  	v39 =	vld [tilespmem:s19+$0xFFFFFFA0];
	v32 =	vadd.f32 v32, v36;
	v33 =	vadd.f32 v33, v36  }
0x43: {  	v49 =	vld [tilespmem:s19+$0xFFFFFFB0];
	v28 =	vadd.f32 v28, v30;
	v29 =	vadd.f32 v29, v31  }
0x44: {  	v52 =	vld [tilespmem:s19+$0xFFFFFFC0];
	v50 =	vadd.f32 v34, v32;
	v51 =	vadd.f32 v35, v33  }
0x45: {  	v53 =	vld [tilespmem:s19+$0xFFFFFFD0];
	v26 =	vadd.f32 v26, v28;
	v27 =	vadd.f32 v27, v29  }
0x46: {  	v56 =	vld [tilespmem:s19+$0xFFFFFF40];
	v54 =	vadd.f32 v37, v50;
	v55 =	vadd.f32 v38, v51  }
0x47: {  	v57 =	vld [tilespmem:s19+$0xFFFFFF50];
	v24 =	vadd.f32 v24, v26;
	v25 =	vadd.f32 v25, v27  }
0x48: {  	v58 =	vld [tilespmem:s19+$0xFFFFFEC0];
	v59 =	vadd.f32 v39, v54;
	v60 =	vadd.f32 v49, v55  }
0x49: {  	v61 =	vld [tilespmem:s19+$0xFFFFFED0];
	v16 =	vadd.f32 v16, v24;
	v17 =	vadd.f32 v17, v25  }
0x4a: {  	v62 =	vld [tilespmem:s19+$0xFFFFFE40];
	v19 =	vadd.f32 v19, v59;
	v20 =	vadd.f32 v20, v60  }
0x4b: {  	v63 =	vld [tilespmem:s19+$0xFFFFFE50];
	v12 =	vadd.f32 v12, v16;
	v13 =	vadd.f32 v13, v17  }
0x4c: {  	v16 =	vld [tilespmem:s19+$0xFFFFFE60];
	v14 =	vadd.f32 v14, v19;
	v15 =	vadd.f32 v15, v20  }
0x4d: {  	v17 =	vld [tilespmem:s19+$0xFFFFFE70];
	v8 =	vadd.f32 v8, v12;
	v9 =	vadd.f32 v9, v13  }
0x4e: {  	v12 =	vld [tilespmem:s19+$0xFFFFFEE0];
	v10 =	vadd.f32 v10, v14;
	v11 =	vadd.f32 v11, v15  }
0x4f: {  	v13 =	vld [tilespmem:s19+$0xFFFFFEF0];
	v8 =	vadd.f32 v0, v8;
	v9 =	vadd.f32 v2, v9  }
0x50: {  	v0 =	vld [tilespmem:s19+$0xFFFFFF60];
	v10 =	vadd.f32 v4, v10;
	v11 =	vadd.f32 v6, v11  }
0x51: {  	v2 =	vadd.f32 v62, v36;
	v4 =	vadd.f32 v63, v36;
	v6 =	vld [tilespmem:s19+$0xFFFFFF70]  }
0x52: {  	v14 =	vadd.f32 v16, v36;
	v15 =	vadd.f32 v17, v36;
	v16 =	vld [tilespmem:s19+$0xFFFFFFE0]  }
0x53: {  	v17 =	vld [tilespmem:s19+$0xFFFFFFF0];
	v2 =	vadd.f32 v58, v2;
	v4 =	vadd.f32 v61, v4  }
0x54: {  	v19 =	vld [tilespmem:s19+$0x70];
	v12 =	vadd.f32 v12, v14;
	v13 =	vadd.f32 v13, v15  }
0x55: {  	v15 =	vld [tilespmem:s19+$0x60];
	v2 =	vadd.f32 v56, v2;
	v4 =	vadd.f32 v57, v4  }
0x56: {  	v14 =	vld [tilespmem:s19+$0xF0];
	v0 =	vadd.f32 v0, v12;
	v6 =	vadd.f32 v6, v13  }
0x57: {  	v12 =	vld [tilespmem:s19+$0xE0];
	v2 =	vadd.f32 v52, v2;
	v4 =	vadd.f32 v53, v4  }
0x58: {  	v13 =	vld [tilespmem:s19+$0x160];
	v0 =	vadd.f32 v16, v0;
	v6 =	vadd.f32 v17, v6  }
0x59: {  	v16 =	vld [tilespmem:s19+$0x170];
	v2 =	vadd.f32 v22, v2;
	v4 =	vadd.f32 v23, v4  }
0x5a: {  	v17 =	vadd.f32 v15, v0;
	v19 =	vadd.f32 v19, v6;
	v15 =	vld [tilespmem:s19+$0x1E0]  }
0x5b: {  	s18 =	simm.s32 $0x0;
	v20 =	vadd.f32 v18, v2;
	v21 =	vadd.f32 v21, v4;
	v18 =	vld [tilespmem:s19+$0x1F0];
	s19 =	simm.s32 $0x800  }
.LBB2_2:
0x5c: {  	v4 =	vld [tilespmem:s19+$0x180];
	v0 =	vadd.f32 v12, v17;
	v2 =	vadd.f32 v14, v19  }
0x5d: {  	v6 =	vld [tilespmem:s19+$0x190];
	v5 =	vadd.f32 v5, v20;
	v7 =	vadd.f32 v7, v21  }
0x5e: {  	v12 =	vld [tilespmem:s19+$0x1A0];
	v0 =	vadd.f32 v13, v0;
	v2 =	vadd.f32 v16, v2  }
0x5f: {  	v17 =	vld [tilespmem:s19+$0x1B0];
	v13 =	vadd.f32 v1, v5;
	v14 =	vadd.f32 v3, v7  }
0x60: {  	v1 =	vld [tilespmem:s19+$0x1C0];
	v15 =	vadd.f32 v15, v0;
	v16 =	vadd.f32 v18, v2  }
0x61: {  	v3 =	vld [tilespmem:s19+$0x1D0]  }
0x62: {  	v18 =	vld [tilespmem:s19+$0x100]  }
0x63: {  	v19 =	vld [tilespmem:s19+$0x110]  }
0x64: {  	v20 =	vld [tilespmem:s19+$0x120]  }
0x65: {  	v21 =	vld [tilespmem:s19+$0x130]  }
0x66: {  	v5 =	vld [tilespmem:s19+$0x140]  }
0x67: {  	v7 =	vld [tilespmem:s19+$0x150]  }
0x68: {  	v22 =	vld [tilespmem:s19+$0x80]  }
0x69: {  	v23 =	vld [tilespmem:s19+$0x90]  }
0x6a: {  	v24 =	vld [tilespmem:s19+$0xA0]  }
0x6b: {  	v25 =	vld [tilespmem:s19+$0xB0]  }
0x6c: {  	v0 =	vld [tilespmem:s19+$0xC0]  }
0x6d: {  	v2 =	vld [tilespmem:s19+$0xD0]  }
0x6e: {  	v26 =	vld [tilespmem:s19+$0x0]  }
0x6f: {  	v27 =	vld [tilespmem:s19+$0x10]  }
0x70: {  	v28 =	vld [tilespmem:s19+$0x20]  }
0x71: {  	v29 =	vld [tilespmem:s19+$0x30]  }
0x72: {  	v30 =	vld [tilespmem:s19+$0x40]  }
0x73: {  	v31 =	vld [tilespmem:s19+$0x50]  }
0x74: {  	v32 =	vld [tilespmem:s19+$0xFFFFFF80]  }
0x75: {  	v33 =	vld [tilespmem:s19+$0xFFFFFF90]  }
0x76: {  	v34 =	vld [tilespmem:s19+$0xFFFFFF00]  }
0x77: {  	v35 =	vld [tilespmem:s19+$0xFFFFFF10]  }
0x78: {  	v36 =	vld [tilespmem:s19+$0xFFFFFE80]  }
0x79: {  	v37 =	vld [tilespmem:s19+$0xFFFFFE90]  }
0x7a: {  	v38 =	vld [tilespmem:s19+$0xFFFFFE00]  }
0x7b: {  	v39 =	vld [tilespmem:s19+$0xFFFFFE10]  }
0x7c: {  	v40 =	vld [tilespmem:s19+$0xFFFFFE20]  }
0x7d: {  	v41 =	vld [tilespmem:s19+$0xFFFFFE30]  }
0x7e: {  	v42 =	vld [tilespmem:s19+$0xFFFFFEA0]  }
0x7f: {  	v43 =	vld [tilespmem:s19+$0xFFFFFEB0]  }
0x80: {  	v44 =	vld [tilespmem:s19+$0xFFFFFF20]  }
0x81: {  	v8 =	vadd.f32 v38, v8;
	v9 =	vadd.f32 v39, v9;
	v38 =	vld [tilespmem:s19+$0xFFFFFF30]  }
0x82: {  	v10 =	vadd.f32 v40, v10;
	v11 =	vadd.f32 v41, v11;
	v39 =	vld [tilespmem:s19+$0xFFFFFFA0]  }
0x83: {  	v8 =	vadd.f32 v36, v8;
	v9 =	vadd.f32 v37, v9;
	v36 =	vld [tilespmem:s19+$0xFFFFFFB0]  }
0x84: {  	v10 =	vadd.f32 v42, v10;
	v11 =	vadd.f32 v43, v11;
	v37 =	vld [tilespmem:s19+$0xFFFFFFC0]  }
0x85: {  	v8 =	vadd.f32 v34, v8;
	v9 =	vadd.f32 v35, v9;
	v34 =	vld [tilespmem:s19+$0xFFFFFFD0]  }
0x86: {  	v10 =	vadd.f32 v44, v10;
	v11 =	vadd.f32 v38, v11;
	v35 =	vld [tilespmem:s19+$0xFFFFFF40]  }
0x87: {  	v8 =	vadd.f32 v32, v8;
	v9 =	vadd.f32 v33, v9;
	v38 =	vld [tilespmem:s19+$0xFFFFFF50]  }
0x88: {  	v10 =	vadd.f32 v39, v10;
	v32 =	vld [tilespmem:s19+$0xFFFFFEC0];
	v11 =	vadd.f32 v36, v11  }
0x89: {  	v8 =	vadd.f32 v26, v8;
	v9 =	vadd.f32 v27, v9;
	v33 =	vld [tilespmem:s19+$0xFFFFFED0]  }
0x8a: {  	v10 =	vadd.f32 v28, v10;
	v26 =	vld [tilespmem:s19+$0xFFFFFE40];
	v11 =	vadd.f32 v29, v11  }
0x8b: {  	v8 =	vadd.f32 v22, v8;
	v9 =	vadd.f32 v23, v9;
	v27 =	vld [tilespmem:s19+$0xFFFFFE50]  }
0x8c: {  	v10 =	vadd.f32 v24, v10;
	v22 =	vld [tilespmem:s19+$0xFFFFFE60];
	v11 =	vadd.f32 v25, v11  }
0x8d: {  	s18 =	sadd.s32 $0x8, s18;
	v8 =	vadd.f32 v18, v8;
	v9 =	vadd.f32 v19, v9;
	v23 =	vld [tilespmem:s19+$0xFFFFFE70]  }
0x8e: {  	p0 =	slt.u32 s18, $0x78;
	v10 =	vadd.f32 v20, v10;
	v18 =	vld [tilespmem:s19+$0xFFFFFEE0];
	v11 =	vadd.f32 v21, v11  }
0x8f: {  	v8 =	vadd.f32 v4, v8;
	v9 =	vadd.f32 v6, v9;
	v19 =	vld [tilespmem:s19+$0xFFFFFEF0]  }
0x90: {  	v10 =	vadd.f32 v12, v10;
	v4 =	vld [tilespmem:s19+$0xFFFFFF60];
	v11 =	vadd.f32 v17, v11  }
0x91: {  	v6 =	vadd.f32 v26, v13;
	v12 =	vadd.f32 v27, v14;
	v13 =	vld [tilespmem:s19+$0xFFFFFF70]  }
0x92: {  	v14 =	vadd.f32 v22, v15;
	v15 =	vadd.f32 v23, v16;
	v16 =	vld [tilespmem:s19+$0xFFFFFFE0]  }
0x93: {  	v6 =	vadd.f32 v32, v6;
	v12 =	vadd.f32 v33, v12;
	v17 =	vld [tilespmem:s19+$0xFFFFFFF0]  }
0x94: {  	v14 =	vadd.f32 v18, v14;
	v15 =	vadd.f32 v19, v15;
	v18 =	vld [tilespmem:s19+$0x60]  }
0x95: {  	v6 =	vadd.f32 v35, v6;
	v19 =	vadd.f32 v38, v12;
	v20 =	vld [tilespmem:s19+$0x70]  }
0x96: {  	v4 =	vadd.f32 v4, v14;
	v13 =	vadd.f32 v13, v15;
	v12 =	vld [tilespmem:s19+$0xE0]  }
.Ltmp0:
0x97: {  	v6 =	vadd.f32 v37, v6;
	v15 =	vadd.f32 v34, v19;
	v14 =	vld [tilespmem:s19+$0xF0];
	(pc) =	sbr.rel @p0 .LBB2_2-.Ltmp0, $4  }
0x98: {  	v4 =	vadd.f32 v16, v4;
	v19 =	vadd.f32 v17, v13;
	v13 =	vld [tilespmem:s19+$0x160]  }
0x99: {  	v6 =	vadd.f32 v30, v6;
	v21 =	vadd.f32 v31, v15;
	v16 =	vld [tilespmem:s19+$0x170]  }
0x9a: {  	v17 =	vadd.f32 v18, v4;
	v19 =	vadd.f32 v20, v19;
	v15 =	vld [tilespmem:s19+$0x1E0]  }
0x9b: {  	v20 =	vadd.f32 v0, v6;
	v21 =	vadd.f32 v2, v21;
	v18 =	vld [tilespmem:s19+$0x1F0];
	s19 =	sadd.s32 $0x400, s19  }
0x9c: {  	_ =	swait.ge [sflag:s15], $0x4000  }
0x9d: {  	[sflag:s15] =	ssyncset.done $0x0  }
0x9e: {  	s19 =	simm.s32 $0x4200;
	[sflag:s15] =	ssyncadd.s32 $0xFFFFC000  }
0x9f: {  	v22 =	vld [tilespmem:s19+$0x380]  }
0xa0: {  	v23 =	vld [tilespmem:s19+$0x390]  }
0xa1: {  	v24 =	vld [tilespmem:s19+$0x3A0]  }
0xa2: {  	v25 =	vld [tilespmem:s19+$0x3B0]  }
0xa3: {  	v0 =	vld [tilespmem:s19+$0x3C0]  }
0xa4: {  	v2 =	vld [tilespmem:s19+$0x3D0]  }
0xa5: {  	v26 =	vld [tilespmem:s19+$0x300]  }
0xa6: {  	v27 =	vld [tilespmem:s19+$0x310]  }
0xa7: {  	v28 =	vld [tilespmem:s19+$0x320]  }
0xa8: {  	v29 =	vld [tilespmem:s19+$0x330]  }
0xa9: {  	v4 =	vld [tilespmem:s19+$0x340]  }
0xaa: {  	v6 =	vld [tilespmem:s19+$0x350]  }
0xab: {  	v30 =	vld [tilespmem:s19+$0x280]  }
0xac: {  	v31 =	vld [tilespmem:s19+$0x290]  }
0xad: {  	v32 =	vld [tilespmem:s19+$0x2A0]  }
0xae: {  	v33 =	vld [tilespmem:s19+$0x2B0]  }
0xaf: {  	v34 =	vld [tilespmem:s19+$0x2C0]  }
0xb0: {  	v35 =	vld [tilespmem:s19+$0x2D0]  }
0xb1: {  	v36 =	vld [tilespmem:s19+$0x200]  }
0xb2: {  	v37 =	vld [tilespmem:s19+$0x210]  }
0xb3: {  	v38 =	vld [tilespmem:s19+$0x220]  }
0xb4: {  	v39 =	vld [tilespmem:s19+$0x230]  }
0xb5: {  	v40 =	vld [tilespmem:s19+$0x240]  }
0xb6: {  	v42 =	vld [tilespmem:s19+$0x180]  }
0xb7: {  	v44 =	vld [tilespmem:s19+$0x100]  }
0xb8: {  	v45 =	vld [tilespmem:s19+$0x110]  }
0xb9: {  	v46 =	vld [tilespmem:s19+$0x80]  }
0xba: {  	v47 =	vld [tilespmem:s19+$0x90]  }
0xbb: {  	v48 =	vld [tilespmem:s19+$0x0]  }
0xbc: {  	v49 =	vld [tilespmem:s19+$0x10]  }
0xbd: {  	v12 =	vadd.f32 v12, v17;
	v14 =	vadd.f32 v14, v19;
	v17 =	vld [tilespmem:s19+$0x20]  }
0xbe: {  	v19 =	vld [tilespmem:s19+$0x30]  }
0xbf: {  	v12 =	vadd.f32 v13, v12;
	v13 =	vadd.f32 v16, v14;
	v14 =	vld [tilespmem:s19+$0xA0]  }
0xc0: {  	v5 =	vadd.f32 v5, v20;
	v7 =	vadd.f32 v7, v21;
	v20 =	vld [tilespmem:s19+$0x50]  }
0xc1: {  	v21 =	vld [tilespmem:s19+$0x60]  }
0xc2: {  	v1 =	vadd.f32 v1, v5;
	v3 =	vadd.f32 v3, v7;
	v61 =	vld [tilespmem:s19+$0x70]  }
0xc3: {  	v5 =	vld [tilespmem:s19+$0xB0];
	v7 =	vadd.f32 v15, v12;
	v12 =	vadd.f32 v18, v13  }
0xc4: {  	v62 =	vld [tilespmem:s19+$0xE0];
	v8 =	vadd.f32 v48, v8;
	v9 =	vadd.f32 v49, v9  }
0xc5: {  	v15 =	vld [tilespmem:s19+$0x130];
	v10 =	vadd.f32 v17, v10;
	v11 =	vadd.f32 v19, v11  }
0xc6: {  	v63 =	vld [tilespmem:s19+$0xF0];
	v3 =	vadd.f32 v20, v3;
	v7 =	vadd.f32 v21, v7  }
0xc7: {  	v17 =	vld [tilespmem:s19+$0x1B0];
	v12 =	vadd.f32 v61, v12;
	v8 =	vadd.f32 v46, v8  }
0xc8: {  	v13 =	vld [tilespmem:s19+$0x120];
	v9 =	vadd.f32 v47, v9;
	v5 =	vadd.f32 v5, v11  }
0xc9: {  	v43 =	vld [tilespmem:s19+$0x190];
	v10 =	vadd.f32 v14, v10;
	v8 =	vadd.f32 v44, v8  }
0xca: {  	v16 =	vld [tilespmem:s19+$0x1A0];
	v7 =	vadd.f32 v62, v7;
	v5 =	vadd.f32 v15, v5  }
0xcb: {  	v41 =	vld [tilespmem:s19+$0x250];
	v12 =	vadd.f32 v63, v12;
	v8 =	vadd.f32 v42, v8  }
0xcc: {  	v18 =	vld [tilespmem:s19+$0x1D0];
	v9 =	vadd.f32 v45, v9;
	v5 =	vadd.f32 v17, v5  }
0xcd: {  	v10 =	vadd.f32 v13, v10;
	v17 =	vld [tilespmem:s19+$0x40];
	v8 =	vadd.f32 v36, v8  }
0xce: {  	v19 =	vld [tilespmem:s19+$0xC0];
	v9 =	vadd.f32 v43, v9;
	v5 =	vadd.f32 v39, v5  }
0xcf: {  	v14 =	vld [tilespmem:s19+$0x1C0];
	v10 =	vadd.f32 v16, v10;
	v8 =	vadd.f32 v30, v8  }
0xd0: {  	v16 =	vld [tilespmem:s19+$0xD0];
	v9 =	vadd.f32 v37, v9;
	v5 =	vadd.f32 v33, v5  }
0xd1: {  	v13 =	vld [tilespmem:s19+$0x140];
	v10 =	vadd.f32 v38, v10;
	v8 =	vadd.f32 v26, v8  }
0xd2: {  	v15 =	vld [tilespmem:s19+$0x150];
	v1 =	vadd.f32 v17, v1;
	v5 =	vadd.f32 v29, v5  }
0xd3: {  	v9 =	vadd.f32 v31, v9;
	v8 =	vadd.f32 v22, v8;
	v22 =	vld [tilespmem:s19+$0x160]  }
0xd4: {  	v1 =	vadd.f32 v19, v1;
	v11 =	vadd.f32 v25, v5;
	v5 =	vld [tilespmem:s19+$0x170]  }
0xd5: {  	v10 =	vadd.f32 v32, v10;
	v17 =	vld [tilespmem:s19+$0x1E0];
	v3 =	vadd.f32 v16, v3  }
0xd6: {  	v16 =	vld [tilespmem:s19+$0x1F0];
	v9 =	vadd.f32 v27, v9;
	v1 =	vadd.f32 v13, v1  }
0xd7: {  	v10 =	vadd.f32 v28, v10;
	v19 =	vld [tilespmem:s19+$0x260];
	v3 =	vadd.f32 v15, v3  }
0xd8: {  	v15 =	vld [tilespmem:s19+$0x270];
	v9 =	vadd.f32 v23, v9;
	v1 =	vadd.f32 v14, v1  }
0xd9: {  	v14 =	vld [tilespmem:s19+$0x2F0];
	v7 =	vadd.f32 v22, v7;
	v5 =	vadd.f32 v5, v12  }
0xda: {  	v10 =	vadd.f32 v24, v10;
	v3 =	vadd.f32 v18, v3;
	v12 =	vld [tilespmem:s19+$0x2E0]  }
0xdb: {  	v13 =	vld [tilespmem:s19+$0x360];
	v7 =	vadd.f32 v17, v7;
	v5 =	vadd.f32 v16, v5  }
0xdc: {  	v3 =	vadd.f32 v41, v3;
	v1 =	vadd.f32 v40, v1;
	v16 =	vld [tilespmem:s19+$0x370]  }
0xdd: {  	v18 =	vld [tilespmem:s19+$0x3F0];
	v17 =	vadd.f32 v19, v7;
	v19 =	vadd.f32 v15, v5  }
0xde: {  	s18 =	simm.s32 $0x0;
	v21 =	vadd.f32 v35, v3;
	v20 =	vadd.f32 v34, v1;
	v15 =	vld [tilespmem:s19+$0x3E0];
	s19 =	simm.s32 $0x4600  }
.LBB2_4:
0xdf: {  	v5 =	vld [tilespmem:s19+$0x380];
	v1 =	vadd.f32 v12, v17;
	v3 =	vadd.f32 v14, v19  }
0xe0: {  	v7 =	vld [tilespmem:s19+$0x390];
	v4 =	vadd.f32 v4, v20;
	v6 =	vadd.f32 v6, v21  }
0xe1: {  	v12 =	vld [tilespmem:s19+$0x3A0];
	v1 =	vadd.f32 v13, v1;
	v3 =	vadd.f32 v16, v3  }
0xe2: {  	v17 =	vld [tilespmem:s19+$0x3B0];
	v13 =	vadd.f32 v0, v4;
	v14 =	vadd.f32 v2, v6  }
0xe3: {  	v0 =	vld [tilespmem:s19+$0x3C0];
	v15 =	vadd.f32 v15, v1;
	v16 =	vadd.f32 v18, v3  }
0xe4: {  	v2 =	vld [tilespmem:s19+$0x3D0]  }
0xe5: {  	v18 =	vld [tilespmem:s19+$0x300]  }
0xe6: {  	v19 =	vld [tilespmem:s19+$0x310]  }
0xe7: {  	v20 =	vld [tilespmem:s19+$0x320]  }
0xe8: {  	v21 =	vld [tilespmem:s19+$0x330]  }
0xe9: {  	v4 =	vld [tilespmem:s19+$0x340]  }
0xea: {  	v6 =	vld [tilespmem:s19+$0x350]  }
0xeb: {  	v22 =	vld [tilespmem:s19+$0x280]  }
0xec: {  	v23 =	vld [tilespmem:s19+$0x290]  }
0xed: {  	v24 =	vld [tilespmem:s19+$0x2A0]  }
0xee: {  	v25 =	vld [tilespmem:s19+$0x2B0]  }
0xef: {  	v1 =	vld [tilespmem:s19+$0x2C0]  }
0xf0: {  	v3 =	vld [tilespmem:s19+$0x2D0]  }
0xf1: {  	v26 =	vld [tilespmem:s19+$0x200]  }
0xf2: {  	v27 =	vld [tilespmem:s19+$0x210]  }
0xf3: {  	v28 =	vld [tilespmem:s19+$0x220]  }
0xf4: {  	v29 =	vld [tilespmem:s19+$0x230]  }
0xf5: {  	v30 =	vld [tilespmem:s19+$0x240]  }
0xf6: {  	v31 =	vld [tilespmem:s19+$0x250]  }
0xf7: {  	v32 =	vld [tilespmem:s19+$0x180]  }
0xf8: {  	v33 =	vld [tilespmem:s19+$0x190]  }
0xf9: {  	v34 =	vld [tilespmem:s19+$0x100]  }
0xfa: {  	v35 =	vld [tilespmem:s19+$0x110]  }
0xfb: {  	v36 =	vld [tilespmem:s19+$0x80]  }
0xfc: {  	v37 =	vld [tilespmem:s19+$0x90]  }
0xfd: {  	v38 =	vld [tilespmem:s19+$0x0]  }
0xfe: {  	v39 =	vld [tilespmem:s19+$0x10]  }
0xff: {  	v40 =	vld [tilespmem:s19+$0x20]  }
0x100: {  	v41 =	vld [tilespmem:s19+$0x30]  }
0x101: {  	v42 =	vld [tilespmem:s19+$0xA0]  }
0x102: {  	v43 =	vld [tilespmem:s19+$0xB0]  }
0x103: {  	v44 =	vld [tilespmem:s19+$0x120]  }
0x104: {  	v8 =	vadd.f32 v38, v8;
	v9 =	vadd.f32 v39, v9;
	v38 =	vld [tilespmem:s19+$0x130]  }
0x105: {  	v10 =	vadd.f32 v40, v10;
	v11 =	vadd.f32 v41, v11;
	v39 =	vld [tilespmem:s19+$0x1A0]  }
0x106: {  	v8 =	vadd.f32 v36, v8;
	v9 =	vadd.f32 v37, v9;
	v36 =	vld [tilespmem:s19+$0x1B0]  }
0x107: {  	v10 =	vadd.f32 v42, v10;
	v11 =	vadd.f32 v43, v11;
	v37 =	vld [tilespmem:s19+$0x1C0]  }
0x108: {  	v8 =	vadd.f32 v34, v8;
	v9 =	vadd.f32 v35, v9;
	v34 =	vld [tilespmem:s19+$0x1D0]  }
0x109: {  	v10 =	vadd.f32 v44, v10;
	v11 =	vadd.f32 v38, v11;
	v35 =	vld [tilespmem:s19+$0x140]  }
0x10a: {  	v8 =	vadd.f32 v32, v8;
	v9 =	vadd.f32 v33, v9;
	v38 =	vld [tilespmem:s19+$0x150]  }
0x10b: {  	v10 =	vadd.f32 v39, v10;
	v32 =	vld [tilespmem:s19+$0xC0];
	v11 =	vadd.f32 v36, v11  }
0x10c: {  	v8 =	vadd.f32 v26, v8;
	v9 =	vadd.f32 v27, v9;
	v33 =	vld [tilespmem:s19+$0xD0]  }
0x10d: {  	v10 =	vadd.f32 v28, v10;
	v26 =	vld [tilespmem:s19+$0x40];
	v11 =	vadd.f32 v29, v11  }
0x10e: {  	v8 =	vadd.f32 v22, v8;
	v9 =	vadd.f32 v23, v9;
	v27 =	vld [tilespmem:s19+$0x50]  }
0x10f: {  	v10 =	vadd.f32 v24, v10;
	v22 =	vld [tilespmem:s19+$0x60];
	v11 =	vadd.f32 v25, v11  }
0x110: {  	s18 =	sadd.s32 $0x8, s18;
	v8 =	vadd.f32 v18, v8;
	v9 =	vadd.f32 v19, v9;
	v23 =	vld [tilespmem:s19+$0x70]  }
0x111: {  	p0 =	slt.u32 s18, $0x78;
	v10 =	vadd.f32 v20, v10;
	v18 =	vld [tilespmem:s19+$0xE0];
	v11 =	vadd.f32 v21, v11  }
0x112: {  	v8 =	vadd.f32 v5, v8;
	v9 =	vadd.f32 v7, v9;
	v19 =	vld [tilespmem:s19+$0xF0]  }
0x113: {  	v10 =	vadd.f32 v12, v10;
	v5 =	vld [tilespmem:s19+$0x160];
	v11 =	vadd.f32 v17, v11  }
0x114: {  	v7 =	vadd.f32 v26, v13;
	v12 =	vadd.f32 v27, v14;
	v13 =	vld [tilespmem:s19+$0x170]  }
0x115: {  	v14 =	vadd.f32 v22, v15;
	v15 =	vadd.f32 v23, v16;
	v16 =	vld [tilespmem:s19+$0x1E0]  }
0x116: {  	v7 =	vadd.f32 v32, v7;
	v12 =	vadd.f32 v33, v12;
	v17 =	vld [tilespmem:s19+$0x1F0]  }
0x117: {  	v14 =	vadd.f32 v18, v14;
	v15 =	vadd.f32 v19, v15;
	v18 =	vld [tilespmem:s19+$0x260]  }
0x118: {  	v7 =	vadd.f32 v35, v7;
	v19 =	vadd.f32 v38, v12;
	v20 =	vld [tilespmem:s19+$0x270]  }
0x119: {  	v5 =	vadd.f32 v5, v14;
	v13 =	vadd.f32 v13, v15;
	v12 =	vld [tilespmem:s19+$0x2E0]  }
.Ltmp1:
0x11a: {  	v7 =	vadd.f32 v37, v7;
	v15 =	vadd.f32 v34, v19;
	v14 =	vld [tilespmem:s19+$0x2F0];
	(pc) =	sbr.rel @p0 .LBB2_4-.Ltmp1, $4  }
0x11b: {  	v5 =	vadd.f32 v16, v5;
	v19 =	vadd.f32 v17, v13;
	v13 =	vld [tilespmem:s19+$0x360]  }
0x11c: {  	v7 =	vadd.f32 v30, v7;
	v21 =	vadd.f32 v31, v15;
	v16 =	vld [tilespmem:s19+$0x370]  }
0x11d: {  	v17 =	vadd.f32 v18, v5;
	v19 =	vadd.f32 v20, v19;
	v15 =	vld [tilespmem:s19+$0x3E0]  }
0x11e: {  	v20 =	vadd.f32 v1, v7;
	v21 =	vadd.f32 v3, v21;
	v18 =	vld [tilespmem:s19+$0x3F0];
	s19 =	sadd.s32 $0x400, s19  }
0x11f: {  	_ =	swait.ge [sflag:s15], $0x4000  }
0x120: {  	[sflag:s15] =	ssyncset.done $0x0  }
0x121: {  	s19 =	simm.s32 $0x8200;
	[sflag:s15] =	ssyncadd.s32 $0xFFFFC000  }
0x122: {  	v22 =	vld [tilespmem:s19+$0x380]  }
0x123: {  	v23 =	vld [tilespmem:s19+$0x390]  }
0x124: {  	v24 =	vld [tilespmem:s19+$0x3A0]  }
0x125: {  	v25 =	vld [tilespmem:s19+$0x3B0]  }
0x126: {  	v1 =	vld [tilespmem:s19+$0x3C0]  }
0x127: {  	v3 =	vld [tilespmem:s19+$0x3D0]  }
0x128: {  	v26 =	vld [tilespmem:s19+$0x300]  }
0x129: {  	v27 =	vld [tilespmem:s19+$0x310]  }
0x12a: {  	v28 =	vld [tilespmem:s19+$0x320]  }
0x12b: {  	v29 =	vld [tilespmem:s19+$0x330]  }
0x12c: {  	v5 =	vld [tilespmem:s19+$0x340]  }
0x12d: {  	v7 =	vld [tilespmem:s19+$0x350]  }
0x12e: {  	v30 =	vld [tilespmem:s19+$0x280]  }
0x12f: {  	v31 =	vld [tilespmem:s19+$0x290]  }
0x130: {  	v32 =	vld [tilespmem:s19+$0x2A0]  }
0x131: {  	v33 =	vld [tilespmem:s19+$0x2B0]  }
0x132: {  	v34 =	vld [tilespmem:s19+$0x2C0]  }
0x133: {  	v35 =	vld [tilespmem:s19+$0x2D0]  }
0x134: {  	v36 =	vld [tilespmem:s19+$0x200]  }
0x135: {  	v37 =	vld [tilespmem:s19+$0x210]  }
0x136: {  	v38 =	vld [tilespmem:s19+$0x220]  }
0x137: {  	v39 =	vld [tilespmem:s19+$0x230]  }
0x138: {  	v40 =	vld [tilespmem:s19+$0x240]  }
0x139: {  	v42 =	vld [tilespmem:s19+$0x180]  }
0x13a: {  	v44 =	vld [tilespmem:s19+$0x100]  }
0x13b: {  	v45 =	vld [tilespmem:s19+$0x110]  }
0x13c: {  	v46 =	vld [tilespmem:s19+$0x80]  }
0x13d: {  	v47 =	vld [tilespmem:s19+$0x90]  }
0x13e: {  	v48 =	vld [tilespmem:s19+$0x0]  }
0x13f: {  	v49 =	vld [tilespmem:s19+$0x10]  }
0x140: {  	v12 =	vadd.f32 v12, v17;
	v14 =	vadd.f32 v14, v19;
	v17 =	vld [tilespmem:s19+$0x20]  }
0x141: {  	v19 =	vld [tilespmem:s19+$0x30]  }
0x142: {  	v12 =	vadd.f32 v13, v12;
	v13 =	vadd.f32 v16, v14;
	v14 =	vld [tilespmem:s19+$0xA0]  }
0x143: {  	v4 =	vadd.f32 v4, v20;
	v6 =	vadd.f32 v6, v21;
	v20 =	vld [tilespmem:s19+$0x50]  }
0x144: {  	v21 =	vld [tilespmem:s19+$0x60]  }
0x145: {  	v0 =	vadd.f32 v0, v4;
	v2 =	vadd.f32 v2, v6;
	v61 =	vld [tilespmem:s19+$0x70]  }
0x146: {  	v4 =	vld [tilespmem:s19+$0xB0];
	v6 =	vadd.f32 v15, v12;
	v12 =	vadd.f32 v18, v13  }
0x147: {  	v62 =	vld [tilespmem:s19+$0xE0];
	v8 =	vadd.f32 v48, v8;
	v9 =	vadd.f32 v49, v9  }
0x148: {  	v15 =	vld [tilespmem:s19+$0x130];
	v10 =	vadd.f32 v17, v10;
	v11 =	vadd.f32 v19, v11  }
0x149: {  	v63 =	vld [tilespmem:s19+$0xF0];
	v2 =	vadd.f32 v20, v2;
	v6 =	vadd.f32 v21, v6  }
0x14a: {  	v17 =	vld [tilespmem:s19+$0x1B0];
	v12 =	vadd.f32 v61, v12;
	v8 =	vadd.f32 v46, v8  }
0x14b: {  	v13 =	vld [tilespmem:s19+$0x120];
	v9 =	vadd.f32 v47, v9;
	v4 =	vadd.f32 v4, v11  }
0x14c: {  	v43 =	vld [tilespmem:s19+$0x190];
	v10 =	vadd.f32 v14, v10;
	v8 =	vadd.f32 v44, v8  }
0x14d: {  	v16 =	vld [tilespmem:s19+$0x1A0];
	v6 =	vadd.f32 v62, v6;
	v4 =	vadd.f32 v15, v4  }
0x14e: {  	v41 =	vld [tilespmem:s19+$0x250];
	v12 =	vadd.f32 v63, v12;
	v8 =	vadd.f32 v42, v8  }
0x14f: {  	v18 =	vld [tilespmem:s19+$0x1D0];
	v9 =	vadd.f32 v45, v9;
	v4 =	vadd.f32 v17, v4  }
0x150: {  	v10 =	vadd.f32 v13, v10;
	v17 =	vld [tilespmem:s19+$0x40];
	v8 =	vadd.f32 v36, v8  }
0x151: {  	v19 =	vld [tilespmem:s19+$0xC0];
	v9 =	vadd.f32 v43, v9;
	v4 =	vadd.f32 v39, v4  }
0x152: {  	v14 =	vld [tilespmem:s19+$0x1C0];
	v10 =	vadd.f32 v16, v10;
	v8 =	vadd.f32 v30, v8  }
0x153: {  	v16 =	vld [tilespmem:s19+$0xD0];
	v9 =	vadd.f32 v37, v9;
	v4 =	vadd.f32 v33, v4  }
0x154: {  	v13 =	vld [tilespmem:s19+$0x140];
	v10 =	vadd.f32 v38, v10;
	v8 =	vadd.f32 v26, v8  }
0x155: {  	v15 =	vld [tilespmem:s19+$0x150];
	v0 =	vadd.f32 v17, v0;
	v4 =	vadd.f32 v29, v4  }
0x156: {  	v9 =	vadd.f32 v31, v9;
	v8 =	vadd.f32 v22, v8;
	v22 =	vld [tilespmem:s19+$0x160]  }
0x157: {  	v0 =	vadd.f32 v19, v0;
	v11 =	vadd.f32 v25, v4;
	v4 =	vld [tilespmem:s19+$0x170]  }
0x158: {  	v10 =	vadd.f32 v32, v10;
	v17 =	vld [tilespmem:s19+$0x1E0];
	v2 =	vadd.f32 v16, v2  }
0x159: {  	v16 =	vld [tilespmem:s19+$0x1F0];
	v9 =	vadd.f32 v27, v9;
	v0 =	vadd.f32 v13, v0  }
0x15a: {  	v10 =	vadd.f32 v28, v10;
	v19 =	vld [tilespmem:s19+$0x260];
	v2 =	vadd.f32 v15, v2  }
0x15b: {  	v15 =	vld [tilespmem:s19+$0x270];
	v9 =	vadd.f32 v23, v9;
	v0 =	vadd.f32 v14, v0  }
0x15c: {  	v14 =	vld [tilespmem:s19+$0x2F0];
	v6 =	vadd.f32 v22, v6;
	v4 =	vadd.f32 v4, v12  }
0x15d: {  	v10 =	vadd.f32 v24, v10;
	v2 =	vadd.f32 v18, v2;
	v12 =	vld [tilespmem:s19+$0x2E0]  }
0x15e: {  	v13 =	vld [tilespmem:s19+$0x360];
	v6 =	vadd.f32 v17, v6;
	v4 =	vadd.f32 v16, v4  }
0x15f: {  	v2 =	vadd.f32 v41, v2;
	v0 =	vadd.f32 v40, v0;
	v16 =	vld [tilespmem:s19+$0x370]  }
0x160: {  	v18 =	vld [tilespmem:s19+$0x3F0];
	v17 =	vadd.f32 v19, v6;
	v19 =	vadd.f32 v15, v4  }
0x161: {  	s18 =	simm.s32 $0x0;
	v21 =	vadd.f32 v35, v2;
	v20 =	vadd.f32 v34, v0;
	v15 =	vld [tilespmem:s19+$0x3E0];
	s19 =	simm.s32 $0x8600  }
.LBB2_6:
0x162: {  	v4 =	vld [tilespmem:s19+$0x380];
	v0 =	vadd.f32 v12, v17;
	v2 =	vadd.f32 v14, v19  }
0x163: {  	v6 =	vld [tilespmem:s19+$0x390];
	v5 =	vadd.f32 v5, v20;
	v7 =	vadd.f32 v7, v21  }
0x164: {  	v12 =	vld [tilespmem:s19+$0x3A0];
	v0 =	vadd.f32 v13, v0;
	v2 =	vadd.f32 v16, v2  }
0x165: {  	v17 =	vld [tilespmem:s19+$0x3B0];
	v13 =	vadd.f32 v1, v5;
	v14 =	vadd.f32 v3, v7  }
0x166: {  	v1 =	vld [tilespmem:s19+$0x3C0];
	v15 =	vadd.f32 v15, v0;
	v16 =	vadd.f32 v18, v2  }
0x167: {  	v3 =	vld [tilespmem:s19+$0x3D0]  }
0x168: {  	v18 =	vld [tilespmem:s19+$0x300]  }
0x169: {  	v19 =	vld [tilespmem:s19+$0x310]  }
0x16a: {  	v20 =	vld [tilespmem:s19+$0x320]  }
0x16b: {  	v21 =	vld [tilespmem:s19+$0x330]  }
0x16c: {  	v5 =	vld [tilespmem:s19+$0x340]  }
0x16d: {  	v7 =	vld [tilespmem:s19+$0x350]  }
0x16e: {  	v22 =	vld [tilespmem:s19+$0x280]  }
0x16f: {  	v23 =	vld [tilespmem:s19+$0x290]  }
0x170: {  	v24 =	vld [tilespmem:s19+$0x2A0]  }
0x171: {  	v25 =	vld [tilespmem:s19+$0x2B0]  }
0x172: {  	v0 =	vld [tilespmem:s19+$0x2C0]  }
0x173: {  	v2 =	vld [tilespmem:s19+$0x2D0]  }
0x174: {  	v26 =	vld [tilespmem:s19+$0x200]  }
0x175: {  	v27 =	vld [tilespmem:s19+$0x210]  }
0x176: {  	v28 =	vld [tilespmem:s19+$0x220]  }
0x177: {  	v29 =	vld [tilespmem:s19+$0x230]  }
0x178: {  	v30 =	vld [tilespmem:s19+$0x240]  }
0x179: {  	v31 =	vld [tilespmem:s19+$0x250]  }
0x17a: {  	v32 =	vld [tilespmem:s19+$0x180]  }
0x17b: {  	v33 =	vld [tilespmem:s19+$0x190]  }
0x17c: {  	v34 =	vld [tilespmem:s19+$0x100]  }
0x17d: {  	v35 =	vld [tilespmem:s19+$0x110]  }
0x17e: {  	v36 =	vld [tilespmem:s19+$0x80]  }
0x17f: {  	v37 =	vld [tilespmem:s19+$0x90]  }
0x180: {  	v38 =	vld [tilespmem:s19+$0x0]  }
0x181: {  	v39 =	vld [tilespmem:s19+$0x10]  }
0x182: {  	v40 =	vld [tilespmem:s19+$0x20]  }
0x183: {  	v41 =	vld [tilespmem:s19+$0x30]  }
0x184: {  	v42 =	vld [tilespmem:s19+$0xA0]  }
0x185: {  	v43 =	vld [tilespmem:s19+$0xB0]  }
0x186: {  	v44 =	vld [tilespmem:s19+$0x120]  }
0x187: {  	v8 =	vadd.f32 v38, v8;
	v9 =	vadd.f32 v39, v9;
	v38 =	vld [tilespmem:s19+$0x130]  }
0x188: {  	v10 =	vadd.f32 v40, v10;
	v11 =	vadd.f32 v41, v11;
	v39 =	vld [tilespmem:s19+$0x1A0]  }
0x189: {  	v8 =	vadd.f32 v36, v8;
	v9 =	vadd.f32 v37, v9;
	v36 =	vld [tilespmem:s19+$0x1B0]  }
0x18a: {  	v10 =	vadd.f32 v42, v10;
	v11 =	vadd.f32 v43, v11;
	v37 =	vld [tilespmem:s19+$0x1C0]  }
0x18b: {  	v8 =	vadd.f32 v34, v8;
	v9 =	vadd.f32 v35, v9;
	v34 =	vld [tilespmem:s19+$0x1D0]  }
0x18c: {  	v10 =	vadd.f32 v44, v10;
	v11 =	vadd.f32 v38, v11;
	v35 =	vld [tilespmem:s19+$0x140]  }
0x18d: {  	v8 =	vadd.f32 v32, v8;
	v9 =	vadd.f32 v33, v9;
	v38 =	vld [tilespmem:s19+$0x150]  }
0x18e: {  	v10 =	vadd.f32 v39, v10;
	v32 =	vld [tilespmem:s19+$0xC0];
	v11 =	vadd.f32 v36, v11  }
0x18f: {  	v8 =	vadd.f32 v26, v8;
	v9 =	vadd.f32 v27, v9;
	v33 =	vld [tilespmem:s19+$0xD0]  }
0x190: {  	v10 =	vadd.f32 v28, v10;
	v26 =	vld [tilespmem:s19+$0x40];
	v11 =	vadd.f32 v29, v11  }
0x191: {  	v8 =	vadd.f32 v22, v8;
	v9 =	vadd.f32 v23, v9;
	v27 =	vld [tilespmem:s19+$0x50]  }
0x192: {  	v10 =	vadd.f32 v24, v10;
	v22 =	vld [tilespmem:s19+$0x60];
	v11 =	vadd.f32 v25, v11  }
0x193: {  	s18 =	sadd.s32 $0x8, s18;
	v8 =	vadd.f32 v18, v8;
	v9 =	vadd.f32 v19, v9;
	v23 =	vld [tilespmem:s19+$0x70]  }
0x194: {  	p0 =	slt.u32 s18, $0x78;
	v10 =	vadd.f32 v20, v10;
	v18 =	vld [tilespmem:s19+$0xE0];
	v11 =	vadd.f32 v21, v11  }
0x195: {  	v8 =	vadd.f32 v4, v8;
	v9 =	vadd.f32 v6, v9;
	v19 =	vld [tilespmem:s19+$0xF0]  }
0x196: {  	v10 =	vadd.f32 v12, v10;
	v4 =	vld [tilespmem:s19+$0x160];
	v11 =	vadd.f32 v17, v11  }
0x197: {  	v6 =	vadd.f32 v26, v13;
	v12 =	vadd.f32 v27, v14;
	v13 =	vld [tilespmem:s19+$0x170]  }
0x198: {  	v14 =	vadd.f32 v22, v15;
	v15 =	vadd.f32 v23, v16;
	v16 =	vld [tilespmem:s19+$0x1E0]  }
0x199: {  	v6 =	vadd.f32 v32, v6;
	v12 =	vadd.f32 v33, v12;
	v17 =	vld [tilespmem:s19+$0x1F0]  }
0x19a: {  	v14 =	vadd.f32 v18, v14;
	v15 =	vadd.f32 v19, v15;
	v18 =	vld [tilespmem:s19+$0x260]  }
0x19b: {  	v6 =	vadd.f32 v35, v6;
	v19 =	vadd.f32 v38, v12;
	v20 =	vld [tilespmem:s19+$0x270]  }
0x19c: {  	v4 =	vadd.f32 v4, v14;
	v13 =	vadd.f32 v13, v15;
	v12 =	vld [tilespmem:s19+$0x2E0]  }
.Ltmp2:
0x19d: {  	v6 =	vadd.f32 v37, v6;
	v15 =	vadd.f32 v34, v19;
	v14 =	vld [tilespmem:s19+$0x2F0];
	(pc) =	sbr.rel @p0 .LBB2_6-.Ltmp2, $4  }
0x19e: {  	v4 =	vadd.f32 v16, v4;
	v19 =	vadd.f32 v17, v13;
	v13 =	vld [tilespmem:s19+$0x360]  }
0x19f: {  	v6 =	vadd.f32 v30, v6;
	v21 =	vadd.f32 v31, v15;
	v16 =	vld [tilespmem:s19+$0x370]  }
0x1a0: {  	v17 =	vadd.f32 v18, v4;
	v19 =	vadd.f32 v20, v19;
	v15 =	vld [tilespmem:s19+$0x3E0]  }
0x1a1: {  	v20 =	vadd.f32 v0, v6;
	v21 =	vadd.f32 v2, v21;
	v18 =	vld [tilespmem:s19+$0x3F0];
	s19 =	sadd.s32 $0x400, s19  }
0x1a2: {  	_ =	swait.ge [sflag:s15], $0x4000  }
0x1a3: {  	[sflag:s15] =	ssyncset.done $0x0  }
0x1a4: {  	s19 =	simm.s32 $0xC200;
	[sflag:s15] =	ssyncadd.s32 $0xFFFFC000  }
0x1a5: {  	v22 =	vld [tilespmem:s19+$0x380]  }
0x1a6: {  	v23 =	vld [tilespmem:s19+$0x390]  }
0x1a7: {  	v24 =	vld [tilespmem:s19+$0x3A0]  }
0x1a8: {  	v25 =	vld [tilespmem:s19+$0x3B0]  }
0x1a9: {  	v0 =	vld [tilespmem:s19+$0x3C0]  }
0x1aa: {  	v2 =	vld [tilespmem:s19+$0x3D0]  }
0x1ab: {  	v26 =	vld [tilespmem:s19+$0x300]  }
0x1ac: {  	v27 =	vld [tilespmem:s19+$0x310]  }
0x1ad: {  	v28 =	vld [tilespmem:s19+$0x320]  }
0x1ae: {  	v29 =	vld [tilespmem:s19+$0x330]  }
0x1af: {  	v6 =	vld [tilespmem:s19+$0x340]  }
0x1b0: {  	v4 =	vld [tilespmem:s19+$0x350]  }
0x1b1: {  	v30 =	vld [tilespmem:s19+$0x280]  }
0x1b2: {  	v31 =	vld [tilespmem:s19+$0x290]  }
0x1b3: {  	v32 =	vld [tilespmem:s19+$0x2A0]  }
0x1b4: {  	v33 =	vld [tilespmem:s19+$0x2B0]  }
0x1b5: {  	v34 =	vld [tilespmem:s19+$0x2C0]  }
0x1b6: {  	v35 =	vld [tilespmem:s19+$0x2D0]  }
0x1b7: {  	v36 =	vld [tilespmem:s19+$0x200]  }
0x1b8: {  	v37 =	vld [tilespmem:s19+$0x210]  }
0x1b9: {  	v38 =	vld [tilespmem:s19+$0x220]  }
0x1ba: {  	v39 =	vld [tilespmem:s19+$0x230]  }
0x1bb: {  	v42 =	vld [tilespmem:s19+$0x180]  }
0x1bc: {  	v43 =	vld [tilespmem:s19+$0x190]  }
0x1bd: {  	v44 =	vld [tilespmem:s19+$0x100]  }
0x1be: {  	v45 =	vld [tilespmem:s19+$0x110]  }
0x1bf: {  	v46 =	vld [tilespmem:s19+$0x80]  }
0x1c0: {  	v47 =	vld [tilespmem:s19+$0x90]  }
0x1c1: {  	v48 =	vld [tilespmem:s19+$0x0]  }
0x1c2: {  	v49 =	vld [tilespmem:s19+$0x10]  }
0x1c3: {  	v12 =	vadd.f32 v12, v17;
	v14 =	vadd.f32 v14, v19;
	v17 =	vld [tilespmem:s19+$0x20]  }
0x1c4: {  	v5 =	vadd.f32 v5, v20;
	v19 =	vld [tilespmem:s19+$0x30]  }
0x1c5: {  	v12 =	vadd.f32 v13, v12;
	v13 =	vadd.f32 v16, v14;
	v14 =	vld [tilespmem:s19+$0xA0]  }
0x1c6: {  	v7 =	vadd.f32 v7, v21;
	v16 =	vadd.f32 v1, v5;
	v1 =	vld [tilespmem:s19+$0xB0]  }
0x1c7: {  	v59 =	vld [tilespmem:s19+$0x70]  }
0x1c8: {  	v20 =	vadd.f32 v3, v7;
	v3 =	vld [tilespmem:s19+$0x120]  }
0x1c9: {  	v62 =	vld [tilespmem:s19+$0xF0];
	v12 =	vadd.f32 v15, v12;
	v13 =	vadd.f32 v18, v13  }
0x1ca: {  	v61 =	vld [tilespmem:s19+$0xE0];
	v5 =	vadd.f32 v48, v8;
	v7 =	vadd.f32 v49, v9  }
0x1cb: {  	v8 =	vld [tilespmem:s19+$0x130];
	v9 =	vadd.f32 v17, v10;
	v10 =	vadd.f32 v19, v11  }
0x1cc: {  	v19 =	vld [tilespmem:s19+$0x60];
	v13 =	vadd.f32 v59, v13;
	v5 =	vadd.f32 v46, v5  }
0x1cd: {  	v11 =	vld [tilespmem:s19+$0x1A0];
	v7 =	vadd.f32 v47, v7;
	v9 =	vadd.f32 v14, v9  }
0x1ce: {  	v15 =	vld [tilespmem:s19+$0x1B0];
	v1 =	vadd.f32 v1, v10;
	v13 =	vadd.f32 v62, v13  }
0x1cf: {  	v40 =	vld [tilespmem:s19+$0x240];
	v5 =	vadd.f32 v44, v5;
	v7 =	vadd.f32 v45, v7  }
0x1d0: {  	v41 =	vld [tilespmem:s19+$0x250];
	v3 =	vadd.f32 v3, v9;
	v1 =	vadd.f32 v8, v1  }
0x1d1: {  	v63 =	vld [tilespmem:s19+$0x160];
	v12 =	vadd.f32 v19, v12;
	v5 =	vadd.f32 v42, v5  }
0x1d2: {  	v18 =	vld [tilespmem:s19+$0x50];
	v7 =	vadd.f32 v43, v7;
	v3 =	vadd.f32 v11, v3  }
0x1d3: {  	v17 =	vld [tilespmem:s19+$0xC0];
	v1 =	vadd.f32 v15, v1;
	v12 =	vadd.f32 v61, v12  }
0x1d4: {  	v15 =	vld [tilespmem:s19+$0x40];
	v5 =	vadd.f32 v36, v5;
	v7 =	vadd.f32 v37, v7  }
0x1d5: {  	v10 =	vld [tilespmem:s19+$0x1C0];
	v3 =	vadd.f32 v38, v3;
	v1 =	vadd.f32 v39, v1  }
0x1d6: {  	v14 =	vld [tilespmem:s19+$0x1D0];
	v5 =	vadd.f32 v30, v5;
	v7 =	vadd.f32 v31, v7  }
0x1d7: {  	v11 =	vld [tilespmem:s19+$0xD0];
	v3 =	vadd.f32 v32, v3;
	v1 =	vadd.f32 v33, v1  }
0x1d8: {  	v9 =	vld [tilespmem:s19+$0x150];
	v5 =	vadd.f32 v26, v5;
	v60 =	vadd.f32 v27, v7  }
0x1d9: {  	v8 =	vld [tilespmem:s19+$0x140];
	v3 =	vadd.f32 v28, v3;
	v15 =	vadd.f32 v15, v16  }
0x1da: {  	v16 =	vadd.f32 v18, v20;
	v18 =	vld [tilespmem:s19+$0x170];
	v20 =	vadd.f32 v63, v12  }
0x1db: {  	v19 =	vld [tilespmem:s19+$0x1E0];
	v1 =	vadd.f32 v29, v1;
	v7 =	vadd.f32 v22, v5  }
0x1dc: {  	v15 =	vadd.f32 v17, v15;
	v11 =	vadd.f32 v11, v16;
	v16 =	vld [tilespmem:s19+$0x1F0]  }
0x1dd: {  	v5 =	vadd.f32 v23, v60;
	v3 =	vadd.f32 v24, v3;
	v17 =	vld [tilespmem:s19+$0x260]  }
0x1de: {  	v8 =	vadd.f32 v8, v15;
	v9 =	vadd.f32 v9, v11;
	v15 =	vld [tilespmem:s19+$0x270]  }
0x1df: {  	v12 =	vld [tilespmem:s19+$0x2F0];
	v1 =	vadd.f32 v25, v1;
	v13 =	vadd.f32 v18, v13  }
0x1e0: {  	v11 =	vld [tilespmem:s19+$0x2E0];
	v8 =	vadd.f32 v10, v8;
	v9 =	vadd.f32 v14, v9  }
0x1e1: {  	v10 =	vadd.f32 v19, v20;
	v14 =	vld [tilespmem:s19+$0x370];
	v16 =	vadd.f32 v16, v13  }
0x1e2: {  	v13 =	vld [tilespmem:s19+$0x360];
	v8 =	vadd.f32 v40, v8;
	v9 =	vadd.f32 v41, v9  }
0x1e3: {  	v17 =	vadd.f32 v17, v10;
	v16 =	vadd.f32 v15, v16;
	v15 =	vld [tilespmem:s19+$0x3E0]  }
0x1e4: {  	s18 =	simm.s32 $0x0;
	v18 =	vadd.f32 v34, v8;
	v9 =	vadd.f32 v35, v9;
	v8 =	vld [tilespmem:s19+$0x3F0];
	s19 =	simm.s32 $0xC600  }
.LBB2_8:
0x1e5: {  	v10 =	vld [tilespmem:s19+$0x380];
	v17 =	vadd.f32 v11, v17;
	v16 =	vadd.f32 v12, v16  }
0x1e6: {  	v11 =	vld [tilespmem:s19+$0x390];
	v6 =	vadd.f32 v6, v18;
	v4 =	vadd.f32 v4, v9  }
0x1e7: {  	v12 =	vld [tilespmem:s19+$0x3A0];
	v9 =	vadd.f32 v13, v17;
	v16 =	vadd.f32 v14, v16  }
0x1e8: {  	v17 =	vld [tilespmem:s19+$0x3B0];
	v13 =	vadd.f32 v0, v6;
	v14 =	vadd.f32 v2, v4  }
0x1e9: {  	v0 =	vld [tilespmem:s19+$0x3C0];
	v15 =	vadd.f32 v15, v9;
	v16 =	vadd.f32 v8, v16  }
0x1ea: {  	v2 =	vld [tilespmem:s19+$0x3D0]  }
0x1eb: {  	v18 =	vld [tilespmem:s19+$0x300]  }
0x1ec: {  	v19 =	vld [tilespmem:s19+$0x310]  }
0x1ed: {  	v20 =	vld [tilespmem:s19+$0x320]  }
0x1ee: {  	v21 =	vld [tilespmem:s19+$0x330]  }
0x1ef: {  	v6 =	vld [tilespmem:s19+$0x340]  }
0x1f0: {  	v4 =	vld [tilespmem:s19+$0x350]  }
0x1f1: {  	v22 =	vld [tilespmem:s19+$0x280]  }
0x1f2: {  	v23 =	vld [tilespmem:s19+$0x290]  }
0x1f3: {  	v24 =	vld [tilespmem:s19+$0x2A0]  }
0x1f4: {  	v25 =	vld [tilespmem:s19+$0x2B0]  }
0x1f5: {  	v8 =	vld [tilespmem:s19+$0x2C0]  }
0x1f6: {  	v9 =	vld [tilespmem:s19+$0x2D0]  }
0x1f7: {  	v26 =	vld [tilespmem:s19+$0x200]  }
0x1f8: {  	v27 =	vld [tilespmem:s19+$0x210]  }
0x1f9: {  	v28 =	vld [tilespmem:s19+$0x220]  }
0x1fa: {  	v29 =	vld [tilespmem:s19+$0x230]  }
0x1fb: {  	v30 =	vld [tilespmem:s19+$0x240]  }
0x1fc: {  	v31 =	vld [tilespmem:s19+$0x250]  }
0x1fd: {  	v32 =	vld [tilespmem:s19+$0x180]  }
0x1fe: {  	v33 =	vld [tilespmem:s19+$0x190]  }
0x1ff: {  	v34 =	vld [tilespmem:s19+$0x100]  }
0x200: {  	v35 =	vld [tilespmem:s19+$0x110]  }
0x201: {  	v36 =	vld [tilespmem:s19+$0x80]  }
0x202: {  	v37 =	vld [tilespmem:s19+$0x90]  }
0x203: {  	v38 =	vld [tilespmem:s19+$0x0]  }
0x204: {  	v39 =	vld [tilespmem:s19+$0x10]  }
0x205: {  	v40 =	vld [tilespmem:s19+$0x20]  }
0x206: {  	v41 =	vld [tilespmem:s19+$0x30]  }
0x207: {  	v42 =	vld [tilespmem:s19+$0xA0]  }
0x208: {  	v43 =	vld [tilespmem:s19+$0xB0]  }
0x209: {  	v44 =	vld [tilespmem:s19+$0x120]  }
0x20a: {  	v7 =	vadd.f32 v38, v7;
	v5 =	vadd.f32 v39, v5;
	v38 =	vld [tilespmem:s19+$0x130]  }
0x20b: {  	v3 =	vadd.f32 v40, v3;
	v1 =	vadd.f32 v41, v1;
	v39 =	vld [tilespmem:s19+$0x1A0]  }
0x20c: {  	v7 =	vadd.f32 v36, v7;
	v5 =	vadd.f32 v37, v5;
	v36 =	vld [tilespmem:s19+$0x1B0]  }
0x20d: {  	v3 =	vadd.f32 v42, v3;
	v1 =	vadd.f32 v43, v1;
	v37 =	vld [tilespmem:s19+$0x1C0]  }
0x20e: {  	v7 =	vadd.f32 v34, v7;
	v5 =	vadd.f32 v35, v5;
	v34 =	vld [tilespmem:s19+$0x1D0]  }
0x20f: {  	v3 =	vadd.f32 v44, v3;
	v1 =	vadd.f32 v38, v1;
	v35 =	vld [tilespmem:s19+$0x140]  }
0x210: {  	v7 =	vadd.f32 v32, v7;
	v5 =	vadd.f32 v33, v5;
	v38 =	vld [tilespmem:s19+$0x150]  }
0x211: {  	v3 =	vadd.f32 v39, v3;
	v32 =	vld [tilespmem:s19+$0xC0];
	v1 =	vadd.f32 v36, v1  }
0x212: {  	v7 =	vadd.f32 v26, v7;
	v5 =	vadd.f32 v27, v5;
	v33 =	vld [tilespmem:s19+$0xD0]  }
0x213: {  	v3 =	vadd.f32 v28, v3;
	v26 =	vld [tilespmem:s19+$0x40];
	v1 =	vadd.f32 v29, v1  }
0x214: {  	v7 =	vadd.f32 v22, v7;
	v5 =	vadd.f32 v23, v5;
	v27 =	vld [tilespmem:s19+$0x50]  }
0x215: {  	v3 =	vadd.f32 v24, v3;
	v22 =	vld [tilespmem:s19+$0x60];
	v1 =	vadd.f32 v25, v1  }
0x216: {  	s18 =	sadd.s32 $0x8, s18;
	v7 =	vadd.f32 v18, v7;
	v5 =	vadd.f32 v19, v5;
	v23 =	vld [tilespmem:s19+$0x70]  }
0x217: {  	p0 =	slt.u32 s18, $0x78;
	v3 =	vadd.f32 v20, v3;
	v18 =	vld [tilespmem:s19+$0xE0];
	v1 =	vadd.f32 v21, v1  }
0x218: {  	v7 =	vadd.f32 v10, v7;
	v5 =	vadd.f32 v11, v5;
	v19 =	vld [tilespmem:s19+$0xF0]  }
0x219: {  	v3 =	vadd.f32 v12, v3;
	v10 =	vld [tilespmem:s19+$0x160];
	v1 =	vadd.f32 v17, v1  }
0x21a: {  	v11 =	vadd.f32 v26, v13;
	v12 =	vadd.f32 v27, v14;
	v13 =	vld [tilespmem:s19+$0x170]  }
0x21b: {  	v14 =	vadd.f32 v22, v15;
	v15 =	vadd.f32 v23, v16;
	v16 =	vld [tilespmem:s19+$0x1E0]  }
0x21c: {  	v11 =	vadd.f32 v32, v11;
	v12 =	vadd.f32 v33, v12;
	v17 =	vld [tilespmem:s19+$0x1F0]  }
0x21d: {  	v14 =	vadd.f32 v18, v14;
	v15 =	vadd.f32 v19, v15;
	v18 =	vld [tilespmem:s19+$0x260]  }
0x21e: {  	v19 =	vadd.f32 v35, v11;
	v12 =	vadd.f32 v38, v12;
	v20 =	vld [tilespmem:s19+$0x270]  }
0x21f: {  	v10 =	vadd.f32 v10, v14;
	v13 =	vadd.f32 v13, v15;
	v11 =	vld [tilespmem:s19+$0x2E0]  }
.Ltmp3:
0x220: {  	v14 =	vadd.f32 v37, v19;
	v15 =	vadd.f32 v34, v12;
	v12 =	vld [tilespmem:s19+$0x2F0];
	(pc) =	sbr.rel @p0 .LBB2_8-.Ltmp3, $4  }
0x221: {  	v10 =	vadd.f32 v16, v10;
	v16 =	vadd.f32 v17, v13;
	v13 =	vld [tilespmem:s19+$0x360]  }
0x222: {  	v19 =	vadd.f32 v30, v14;
	v21 =	vadd.f32 v31, v15;
	v14 =	vld [tilespmem:s19+$0x370]  }
0x223: {  	v17 =	vadd.f32 v18, v10;
	v16 =	vadd.f32 v20, v16;
	v15 =	vld [tilespmem:s19+$0x3E0]  }
0x224: {  	v18 =	vadd.f32 v8, v19;
	v9 =	vadd.f32 v9, v21;
	v8 =	vld [tilespmem:s19+$0x3F0];
	s19 =	sadd.s32 $0x400, s19  }
0x225: {  	_ = 	snop  }
0x226: {  	v10 =	vadd.f32 v11, v17;
	[tilespmem:$0x10200] =	vst v7;
	v6 =	vadd.f32 v6, v18  }
0x227: {  	v59 =	vadd.f32 v12, v16;
	[tilespmem:$0x10210] =	vst v5;
	v4 =	vadd.f32 v4, v9  }
0x228: {  	[tilespmem:$0x10220] =	vst v3;
	v60 =	vadd.f32 v13, v10;
	v0 =	vadd.f32 v0, v6  }
0x229: {  	[tilespmem:$0x10230] =	vst v1;
	v61 =	vadd.f32 v14, v59;
	v2 =	vadd.f32 v2, v4  }
0x22a: {  	v62 =	vadd.f32 v15, v60;
	[tilespmem:$0x10240] =	vst v0  }
0x22b: {  	s17 =	sadd.s32 $0x1, s17;
	v63 =	vadd.f32 v8, v61;
	[tilespmem:$0x10250] =	vst v2  }
0x22c: {  	p0 =	sne.s32 s17, s6;
	[tilespmem:$0x10260] =	vst v62  }
.Ltmp4:
0x22d: {  	[tilespmem:$0x10270] =	vst v63;
	(pc) =	sbr.rel @p0 .LBB2_1-.Ltmp4, $4  }
0x22e: {  	[hbm4b:s5+s3] =	stream.linear.scatter [tilespmem:s16], [sflag:$0x2], $0x80, $0x38;
	[tilespmem:$0x10280] =	vst v63  }
0x22f: {  	_ =	swait.ge [sflag:s7], $0x80  }
0x230: {  	[sflag:s7] =	ssyncset.done $0x0  }
0x231: {  	[sflag:s7] =	ssyncadd.s32 $0xFFFFFF80  }
0x232: {  	_ =	sfence.sel $0x180000  }
0x233: {  	[bflag:$0x0] =	sbarrier.arrive $0xFFFF  }
0x234: {  	p0 =	sne.s32 s2, $0x0;
	_ =	strace $0x90000047  }
0x235: {  	s0 =	sadd.s32 @!p0 $0x100000, s0;
	[bflag:$0x2] =	sbarrier.arrive $0xFFFF  }
0x236: {  	[sflag:s0] =	ssyncadd.tile.s32 @!p0 $0x1;
	_ =	shalt  }
.Lfunc_end2:
_tile_overlayer_lowered:
.L_overlay_start_2:
0x237: {  	(tag) =	ssettag $0x2  }
0x238: {  	s0 =	rddreg [dreg:$0x0];
	s2 =	stileid.u32  }
0x239: {  	s1 =	rddreg [dreg:$0x1];
	p0 =	sne.s32 s2, $0x0  }
0x23a: {  	s3 =	rddreg [dreg:$0x2];
	[bflag:$0x3] =	sbarrier.arrive $0xFFFF;
	s2 =	simm.s32 @!p0 $0x1C02  }
0x23b: {  	[timem:s3], [sflag:s2] =	dma.local @!p0 [hbm:s0], s1  }
0x23c: {  	s0 =	simm.s32 @!p0 $0x2  }
0x23d: {  	_ =	swait.ge @!p0 [sflag:s0], s1  }
0x23e: {  	s1 =	ssub.s32 @!p0 $0x0, s1;
	[sflag:s0] =	ssyncset.done @!p0 $0x0  }
0x23f: {  	[sflag:s0] =	ssyncadd.s32 @!p0 s1  }
0x240: {  	[bflag:$0x3] =	sbarrier.arrive $0xFFFF  }
0x241: {  	_ =	shalt  }

</sc_bundles>
